<compile_context>
chip_gen: v7x
topology: tpu7x:2x2x1
jax: 0.10.2.dev20260603
libtpu: 0.0.44.dev20260713+nightly
codegen_flags: <defaults>
</compile_context>

<pallas_src>
import functools

import jax
import jax.numpy as jnp
from jax import lax
from jax.experimental import pallas as pl
from jax.experimental.pallas import tpu as pltpu
from jax.experimental.pallas import tpu_sc as plsc

_B = 16384
_D = 64
_NC = 2
_NS = 16
_NW = _NC * _NS
_RPT = _B // _NW
_CH = 128
_NCHUNK = _RPT // _CH

_mesh = plsc.VectorSubcoreMesh(core_axis_name="c", subcore_axis_name="s")


@functools.partial(
    pl.kernel,
    mesh=_mesh,
    compiler_params=pltpu.CompilerParams(
        needs_layout_passes=False, use_tc_tiling_on_sc=False
    ),
    out_type=jax.ShapeDtypeStruct((_B,), jnp.float32),
    scratch_types=[
        pltpu.VMEM((_NCHUNK, _CH), jnp.int32),
        pltpu.VMEM((_NCHUNK, _CH), jnp.int32),
        pltpu.VMEM((_NCHUNK, _CH), jnp.int32),
        pltpu.VMEM((_RPT, _D), jnp.float32),
        pltpu.VMEM((_RPT, _D), jnp.float32),
        pltpu.VMEM((_RPT, _D), jnp.float32),
        pltpu.VMEM((_RPT,), jnp.float32),
        pltpu.SemaphoreType.DMA,
    ],
)
def _sc_scores(uid_hbm, pid_hbm, nid_hbm, utab_hbm, itab_hbm, out_hbm,
               idx_u, idx_p, idx_n, rows_u, rows_p, rows_n, tmp_v, sem):
    wid = lax.axis_index("s") * _NC + lax.axis_index("c")
    base = wid * _RPT

    for j in range(_NCHUNK):
        off = base + j * _CH
        pltpu.sync_copy(uid_hbm.at[pl.ds(off, _CH)], idx_u.at[j])
        pltpu.sync_copy(pid_hbm.at[pl.ds(off, _CH)], idx_p.at[j])
        pltpu.sync_copy(nid_hbm.at[pl.ds(off, _CH)], idx_n.at[j])

    copies = []
    for j in range(_NCHUNK):
        r = pl.ds(j * _CH, _CH)
        copies.append(pltpu.async_copy(utab_hbm.at[idx_u.at[j]], rows_u.at[r], sem))
        copies.append(pltpu.async_copy(itab_hbm.at[idx_p.at[j]], rows_p.at[r], sem))
        copies.append(pltpu.async_copy(itab_hbm.at[idx_n.at[j]], rows_n.at[r], sem))
    for c in copies:
        c.wait()

    lane = lax.iota(jnp.int32, 16)

    def body(g, carry):
        tvec = jnp.zeros((16,), jnp.float32)
        for l in range(16):
            r = g * 16 + l
            acc = jnp.zeros((16,), jnp.float32)
            for k in range(_D // 16):
                sl = pl.ds(k * 16, 16)
                u = rows_u[r, sl]
                p = rows_p[r, sl]
                n = rows_n[r, sl]
                acc = acc + u * (p - n)
            tvec = jnp.where(lane == l, jnp.sum(acc), tvec)
        tmp_v[pl.ds(g * 16, 16)] = tvec
        return carry

    lax.fori_loop(0, _RPT // 16, body, 0)
    pltpu.sync_copy(tmp_v, out_hbm.at[pl.ds(base, _RPT)])


def _loss_body(x_ref, o_ref):
    x = x_ref[...]
    z = jnp.exp(-jnp.abs(x))
    ls = jnp.minimum(x, 0.0) - jnp.log(1.0 + z)
    o_ref[0, 0] = -jnp.sum(ls)


def kernel(user_id, pos_id, neg_id, user_table, item_table):
    tmp = _sc_scores(user_id, pos_id, neg_id, user_table, item_table)
    loss = pl.pallas_call(
        _loss_body,
        out_shape=jax.ShapeDtypeStruct((1, 1), jnp.float32),
        out_specs=pl.BlockSpec(memory_space=pltpu.SMEM),
    )(tmp.reshape(128, 128))
    return loss[0, 0]

# --- scband reference (transcript-rebuilt; emitter-appended) ---
"""Pipeline reference for scband-matrix-factorization-46918222742219 (READ-ONLY COPY).

The authoritative reference and input builder live on the scoring server;
editing this copy changes nothing except your own understanding.
"""

import jax, jax.numpy as jnp
import numpy as np

NUM_USERS = 1000000
NUM_ITEMS = 1000000
DIM = 64
BATCH = 16384

def setup_inputs(seed: int = 0) -> dict:
    key = jax.random.key(seed)
    k1, k2, k3, k4, k5 = jax.random.split(key, 5)
    user_id = jax.random.randint(k1, (BATCH,), 0, NUM_USERS, dtype=jnp.int64 if jax.config.jax_enable_x64 else jnp.int32).astype(jnp.int32)
    pos_id = jax.random.randint(k2, (BATCH,), 0, NUM_ITEMS).astype(jnp.int32)
    neg_id = jax.random.randint(k3, (BATCH,), 0, NUM_ITEMS).astype(jnp.int32)
    user_table = jax.random.normal(k4, (NUM_USERS, DIM), dtype=jnp.float32) * 0.01
    item_table = jax.random.normal(k5, (NUM_ITEMS, DIM), dtype=jnp.float32) * 0.01
    return {"user_id": user_id, "pos_id": pos_id, "neg_id": neg_id,
            "user_table": user_table, "item_table": item_table}

def reference(user_id, pos_id, neg_id, user_table, item_table):
    # embedding lookups (gathers)
    user_emb = jnp.take(user_table, user_id, axis=0)   # [B, D]
    pos_emb = jnp.take(item_table, pos_id, axis=0)     # [B, D]
    neg_emb = jnp.take(item_table, neg_id, axis=0)     # [B, D]
    pos_scores = jnp.sum(user_emb * pos_emb, axis=1)   # [B]
    neg_scores = jnp.sum(user_emb * neg_emb, axis=1)   # [B]
    tmp = pos_scores - neg_scores
    maxi = jax.nn.log_sigmoid(tmp)
    bpr_loss = -jnp.sum(maxi)
    return bpr_loss

if False:  # reference __main__ guard neutralized (emitter)
    out = reference(**setup_inputs())
    print(out.shape if hasattr(out, 'shape') else out, out)

if __name__ == "__main__":
    import jax
    _d = setup_inputs()
    print(jax.jit(kernel)(*tuple(_d.values())))

</pallas_src>

<mosaic_0001>
#map = affine_map<(d0, d1) -> (0)>
#map1 = affine_map<(d0, d1) -> (0, 0)>
module attributes {stable_mosaic.version = 14 : i64} {
  func.func @_sc_scores(%arg0: i32, %arg1: i32, %arg2: memref<16384xi32, #tpu.memory_space<hbm>>, %arg3: memref<16384xi32, #tpu.memory_space<hbm>>, %arg4: memref<16384xi32, #tpu.memory_space<hbm>>, %arg5: memref<1000000x64xf32, #tpu.memory_space<hbm>>, %arg6: memref<1000000x64xf32, #tpu.memory_space<hbm>>, %arg7: memref<16384xf32, #tpu.memory_space<hbm>>, %arg8: memref<4x128xi32, #tpu.memory_space<vmem>>, %arg9: memref<4x128xi32, #tpu.memory_space<vmem>>, %arg10: memref<4x128xi32, #tpu.memory_space<vmem>>, %arg11: memref<512x64xf32, #tpu.memory_space<vmem>>, %arg12: memref<512x64xf32, #tpu.memory_space<vmem>>, %arg13: memref<512x64xf32, #tpu.memory_space<vmem>>, %arg14: memref<512xf32, #tpu.memory_space<vmem>>, %arg15: memref<!tpu.dma_semaphore, #tpu.memory_space<semaphore_mem>>) attributes {dimension_semantics = [#tpu.dimension_semantics<core_parallel>, #tpu.dimension_semantics<subcore_parallel>], iteration_bounds = array<i64: 2, 16>, scalar_prefetch = 0 : i64, scratch_operands = 8 : i64, tpu.core_type = #tpu.core_type<sc_vector_subcore>, window_params = [{transform_indices = #map}, {transform_indices = #map}, {transform_indices = #map}, {transform_indices = #map1}, {transform_indices = #map1}, {transform_indices = #map}]} {
    %mul3A = arith.constant 2 : i32
    %mul3A_0 = arith.muli %arg1, %mul3A : i32
    %add3A = arith.addi %mul3A_0, %arg0 : i32
    %mul3A_1 = arith.constant 512 : i32
    %mul3A_2 = arith.muli %add3A, %mul3A_1 : i32
    %add3A_3 = arith.constant 0 : i32
    %add3A_4 = arith.addi %mul3A_2, %add3A_3 : i32
    %run_scoped3A = arith.constant 0 : i32
    "tpu.region"() ({
      %run_scoped3A_265 = tpu.sem_alloc : memref<!tpu.dma_semaphore, #tpu.memory_space<semaphore_mem>>
      %dma_start3A_266 = arith.constant 0 : i32
      %dma_start3A_267 = tpu.memref_slice %arg8[%run_scoped3A, %dma_start3A_266] : memref<4x128xi32, #tpu.memory_space<vmem>> -> memref<1x128xi32, #tpu.memory_space<vmem>>
      %dma_start3A_268 = tpu.memref_squeeze %dma_start3A_267 : memref<1x128xi32, #tpu.memory_space<vmem>> -> memref<128xi32, #tpu.memory_space<vmem>>
      %dma_start3A_269 = tpu.memref_slice %arg2[%add3A_4] : memref<16384xi32, #tpu.memory_space<hbm>> -> memref<128xi32, #tpu.memory_space<hbm>>
      %dma_start3A_270 = arith.constant 0 : i32
      %dma_start3A_271 = tpu.memref_slice %arg8[%run_scoped3A, %dma_start3A_270] : memref<4x128xi32, #tpu.memory_space<vmem>> -> memref<1x128xi32, #tpu.memory_space<vmem>>
      %dma_start3A_272 = tpu.memref_squeeze %dma_start3A_271 : memref<1x128xi32, #tpu.memory_space<vmem>> -> memref<128xi32, #tpu.memory_space<vmem>>
      %dma_start3A_273 = tpu.memref_slice %arg2[%add3A_4] : memref<16384xi32, #tpu.memory_space<hbm>> -> memref<128xi32, #tpu.memory_space<hbm>>
      tpu.enqueue_dma source(%dma_start3A_273 : memref<128xi32, #tpu.memory_space<hbm>>) target(%dma_start3A_272 : memref<128xi32, #tpu.memory_space<vmem>>) target_semaphore(%run_scoped3A_265 : memref<!tpu.dma_semaphore, #tpu.memory_space<semaphore_mem>>)
      %dma_wait3A_274 = arith.constant 0 : i32
      %dma_wait3A_275 = tpu.memref_slice %arg8[%run_scoped3A, %dma_wait3A_274] : memref<4x128xi32, #tpu.memory_space<vmem>> -> memref<1x128xi32, #tpu.memory_space<vmem>>
      %dma_wait3A_276 = tpu.memref_squeeze %dma_wait3A_275 : memref<1x128xi32, #tpu.memory_space<vmem>> -> memref<128xi32, #tpu.memory_space<vmem>>
      %dma_wait3A_277 = tpu.memref_slice %arg2[%add3A_4] : memref<16384xi32, #tpu.memory_space<hbm>> -> memref<128xi32, #tpu.memory_space<hbm>>
      %dma_wait3A_278 = arith.constant 0 : i32
      %dma_wait3A_279 = tpu.memref_slice %arg8[%run_scoped3A, %dma_wait3A_278] : memref<4x128xi32, #tpu.memory_space<vmem>> -> memref<1x128xi32, #tpu.memory_space<vmem>>
      %dma_wait3A_280 = tpu.memref_squeeze %dma_wait3A_279 : memref<1x128xi32, #tpu.memory_space<vmem>> -> memref<128xi32, #tpu.memory_space<vmem>>
      %dma_wait3A_281 = tpu.memref_slice %arg2[%add3A_4] : memref<16384xi32, #tpu.memory_space<hbm>> -> memref<128xi32, #tpu.memory_space<hbm>>
      tpu.wait_dma2 semaphore(%run_scoped3A_265 : memref<!tpu.dma_semaphore, #tpu.memory_space<semaphore_mem>>) src(%dma_wait3A_281 : memref<128xi32, #tpu.memory_space<hbm>>) dst(%dma_wait3A_280 : memref<128xi32, #tpu.memory_space<vmem>>)
      tpu.yield
    }) : () -> ()
    %run_scoped3A_5 = arith.constant 0 : i32
    "tpu.region"() ({
      %run_scoped3A_265 = tpu.sem_alloc : memref<!tpu.dma_semaphore, #tpu.memory_space<semaphore_mem>>
      %dma_start3A_266 = arith.constant 0 : i32
      %dma_start3A_267 = tpu.memref_slice %arg9[%run_scoped3A_5, %dma_start3A_266] : memref<4x128xi32, #tpu.memory_space<vmem>> -> memref<1x128xi32, #tpu.memory_space<vmem>>
      %dma_start3A_268 = tpu.memref_squeeze %dma_start3A_267 : memref<1x128xi32, #tpu.memory_space<vmem>> -> memref<128xi32, #tpu.memory_space<vmem>>
      %dma_start3A_269 = tpu.memref_slice %arg3[%add3A_4] : memref<16384xi32, #tpu.memory_space<hbm>> -> memref<128xi32, #tpu.memory_space<hbm>>
      %dma_start3A_270 = arith.constant 0 : i32
      %dma_start3A_271 = tpu.memref_slice %arg9[%run_scoped3A_5, %dma_start3A_270] : memref<4x128xi32, #tpu.memory_space<vmem>> -> memref<1x128xi32, #tpu.memory_space<vmem>>
      %dma_start3A_272 = tpu.memref_squeeze %dma_start3A_271 : memref<1x128xi32, #tpu.memory_space<vmem>> -> memref<128xi32, #tpu.memory_space<vmem>>
      %dma_start3A_273 = tpu.memref_slice %arg3[%add3A_4] : memref<16384xi32, #tpu.memory_space<hbm>> -> memref<128xi32, #tpu.memory_space<hbm>>
      tpu.enqueue_dma source(%dma_start3A_273 : memref<128xi32, #tpu.memory_space<hbm>>) target(%dma_start3A_272 : memref<128xi32, #tpu.memory_space<vmem>>) target_semaphore(%run_scoped3A_265 : memref<!tpu.dma_semaphore, #tpu.memory_space<semaphore_mem>>)
      %dma_wait3A_274 = arith.constant 0 : i32
      %dma_wait3A_275 = tpu.memref_slice %arg9[%run_scoped3A_5, %dma_wait3A_274] : memref<4x128xi32, #tpu.memory_space<vmem>> -> memref<1x128xi32, #tpu.memory_space<vmem>>
      %dma_wait3A_276 = tpu.memref_squeeze %dma_wait3A_275 : memref<1x128xi32, #tpu.memory_space<vmem>> -> memref<128xi32, #tpu.memory_space<vmem>>
      %dma_wait3A_277 = tpu.memref_slice %arg3[%add3A_4] : memref<16384xi32, #tpu.memory_space<hbm>> -> memref<128xi32, #tpu.memory_space<hbm>>
      %dma_wait3A_278 = arith.constant 0 : i32
      %dma_wait3A_279 = tpu.memref_slice %arg9[%run_scoped3A_5, %dma_wait3A_278] : memref<4x128xi32, #tpu.memory_space<vmem>> -> memref<1x128xi32, #tpu.memory_space<vmem>>
      %dma_wait3A_280 = tpu.memref_squeeze %dma_wait3A_279 : memref<1x128xi32, #tpu.memory_space<vmem>> -> memref<128xi32, #tpu.memory_space<vmem>>
      %dma_wait3A_281 = tpu.memref_slice %arg3[%add3A_4] : memref<16384xi32, #tpu.memory_space<hbm>> -> memref<128xi32, #tpu.memory_space<hbm>>
      tpu.wait_dma2 semaphore(%run_scoped3A_265 : memref<!tpu.dma_semaphore, #tpu.memory_space<semaphore_mem>>) src(%dma_wait3A_281 : memref<128xi32, #tpu.memory_space<hbm>>) dst(%dma_wait3A_280 : memref<128xi32, #tpu.memory_space<vmem>>)
      tpu.yield
    }) : () -> ()
    %run_scoped3A_6 = arith.constant 0 : i32
    "tpu.region"() ({
      %run_scoped3A_265 = tpu.sem_alloc : memref<!tpu.dma_semaphore, #tpu.memory_space<semaphore_mem>>
      %dma_start3A_266 = arith.constant 0 : i32
      %dma_start3A_267 = tpu.memref_slice %arg10[%run_scoped3A_6, %dma_start3A_266] : memref<4x128xi32, #tpu.memory_space<vmem>> -> memref<1x128xi32, #tpu.memory_space<vmem>>
      %dma_start3A_268 = tpu.memref_squeeze %dma_start3A_267 : memref<1x128xi32, #tpu.memory_space<vmem>> -> memref<128xi32, #tpu.memory_space<vmem>>
      %dma_start3A_269 = tpu.memref_slice %arg4[%add3A_4] : memref<16384xi32, #tpu.memory_space<hbm>> -> memref<128xi32, #tpu.memory_space<hbm>>
      %dma_start3A_270 = arith.constant 0 : i32
      %dma_start3A_271 = tpu.memref_slice %arg10[%run_scoped3A_6, %dma_start3A_270] : memref<4x128xi32, #tpu.memory_space<vmem>> -> memref<1x128xi32, #tpu.memory_space<vmem>>
      %dma_start3A_272 = tpu.memref_squeeze %dma_start3A_271 : memref<1x128xi32, #tpu.memory_space<vmem>> -> memref<128xi32, #tpu.memory_space<vmem>>
      %dma_start3A_273 = tpu.memref_slice %arg4[%add3A_4] : memref<16384xi32, #tpu.memory_space<hbm>> -> memref<128xi32, #tpu.memory_space<hbm>>
      tpu.enqueue_dma source(%dma_start3A_273 : memref<128xi32, #tpu.memory_space<hbm>>) target(%dma_start3A_272 : memref<128xi32, #tpu.memory_space<vmem>>) target_semaphore(%run_scoped3A_265 : memref<!tpu.dma_semaphore, #tpu.memory_space<semaphore_mem>>)
      %dma_wait3A_274 = arith.constant 0 : i32
      %dma_wait3A_275 = tpu.memref_slice %arg10[%run_scoped3A_6, %dma_wait3A_274] : memref<4x128xi32, #tpu.memory_space<vmem>> -> memref<1x128xi32, #tpu.memory_space<vmem>>
      %dma_wait3A_276 = tpu.memref_squeeze %dma_wait3A_275 : memref<1x128xi32, #tpu.memory_space<vmem>> -> memref<128xi32, #tpu.memory_space<vmem>>
      %dma_wait3A_277 = tpu.memref_slice %arg4[%add3A_4] : memref<16384xi32, #tpu.memory_space<hbm>> -> memref<128xi32, #tpu.memory_space<hbm>>
      %dma_wait3A_278 = arith.constant 0 : i32
      %dma_wait3A_279 = tpu.memref_slice %arg10[%run_scoped3A_6, %dma_wait3A_278] : memref<4x128xi32, #tpu.memory_space<vmem>> -> memref<1x128xi32, #tpu.memory_space<vmem>>
      %dma_wait3A_280 = tpu.memref_squeeze %dma_wait3A_279 : memref<1x128xi32, #tpu.memory_space<vmem>> -> memref<128xi32, #tpu.memory_space<vmem>>
      %dma_wait3A_281 = tpu.memref_slice %arg4[%add3A_4] : memref<16384xi32, #tpu.memory_space<hbm>> -> memref<128xi32, #tpu.memory_space<hbm>>
      tpu.wait_dma2 semaphore(%run_scoped3A_265 : memref<!tpu.dma_semaphore, #tpu.memory_space<semaphore_mem>>) src(%dma_wait3A_281 : memref<128xi32, #tpu.memory_space<hbm>>) dst(%dma_wait3A_280 : memref<128xi32, #tpu.memory_space<vmem>>)
      tpu.yield
    }) : () -> ()
    %add3A_7 = arith.constant 128 : i32
    %add3A_8 = arith.addi %mul3A_2, %add3A_7 : i32
    %run_scoped3A_9 = arith.constant 1 : i32
    "tpu.region"() ({
      %run_scoped3A_265 = tpu.sem_alloc : memref<!tpu.dma_semaphore, #tpu.memory_space<semaphore_mem>>
      %dma_start3A_266 = arith.constant 0 : i32
      %dma_start3A_267 = tpu.memref_slice %arg8[%run_scoped3A_9, %dma_start3A_266] : memref<4x128xi32, #tpu.memory_space<vmem>> -> memref<1x128xi32, #tpu.memory_space<vmem>>
      %dma_start3A_268 = tpu.memref_squeeze %dma_start3A_267 : memref<1x128xi32, #tpu.memory_space<vmem>> -> memref<128xi32, #tpu.memory_space<vmem>>
      %dma_start3A_269 = tpu.memref_slice %arg2[%add3A_8] : memref<16384xi32, #tpu.memory_space<hbm>> -> memref<128xi32, #tpu.memory_space<hbm>>
      %dma_start3A_270 = arith.constant 0 : i32
      %dma_start3A_271 = tpu.memref_slice %arg8[%run_scoped3A_9, %dma_start3A_270] : memref<4x128xi32, #tpu.memory_space<vmem>> -> memref<1x128xi32, #tpu.memory_space<vmem>>
      %dma_start3A_272 = tpu.memref_squeeze %dma_start3A_271 : memref<1x128xi32, #tpu.memory_space<vmem>> -> memref<128xi32, #tpu.memory_space<vmem>>
      %dma_start3A_273 = tpu.memref_slice %arg2[%add3A_8] : memref<16384xi32, #tpu.memory_space<hbm>> -> memref<128xi32, #tpu.memory_space<hbm>>
      tpu.enqueue_dma source(%dma_start3A_273 : memref<128xi32, #tpu.memory_space<hbm>>) target(%dma_start3A_272 : memref<128xi32, #tpu.memory_space<vmem>>) target_semaphore(%run_scoped3A_265 : memref<!tpu.dma_semaphore, #tpu.memory_space<semaphore_mem>>)
      %dma_wait3A_274 = arith.constant 0 : i32
      %dma_wait3A_275 = tpu.memref_slice %arg8[%run_scoped3A_9, %dma_wait3A_274] : memref<4x128xi32, #tpu.memory_space<vmem>> -> memref<1x128xi32, #tpu.memory_space<vmem>>
      %dma_wait3A_276 = tpu.memref_squeeze %dma_wait3A_275 : memref<1x128xi32, #tpu.memory_space<vmem>> -> memref<128xi32, #tpu.memory_space<vmem>>
      %dma_wait3A_277 = tpu.memref_slice %arg2[%add3A_8] : memref<16384xi32, #tpu.memory_space<hbm>> -> memref<128xi32, #tpu.memory_space<hbm>>
      %dma_wait3A_278 = arith.constant 0 : i32
      %dma_wait3A_279 = tpu.memref_slice %arg8[%run_scoped3A_9, %dma_wait3A_278] : memref<4x128xi32, #tpu.memory_space<vmem>> -> memref<1x128xi32, #tpu.memory_space<vmem>>
      %dma_wait3A_280 = tpu.memref_squeeze %dma_wait3A_279 : memref<1x128xi32, #tpu.memory_space<vmem>> -> memref<128xi32, #tpu.memory_space<vmem>>
      %dma_wait3A_281 = tpu.memref_slice %arg2[%add3A_8] : memref<16384xi32, #tpu.memory_space<hbm>> -> memref<128xi32, #tpu.memory_space<hbm>>
      tpu.wait_dma2 semaphore(%run_scoped3A_265 : memref<!tpu.dma_semaphore, #tpu.memory_space<semaphore_mem>>) src(%dma_wait3A_281 : memref<128xi32, #tpu.memory_space<hbm>>) dst(%dma_wait3A_280 : memref<128xi32, #tpu.memory_space<vmem>>)
      tpu.yield
    }) : () -> ()
    %run_scoped3A_10 = arith.constant 1 : i32
    "tpu.region"() ({
      %run_scoped3A_265 = tpu.sem_alloc : memref<!tpu.dma_semaphore, #tpu.memory_space<semaphore_mem>>
      %dma_start3A_266 = arith.constant 0 : i32
      %dma_start3A_267 = tpu.memref_slice %arg9[%run_scoped3A_10, %dma_start3A_266] : memref<4x128xi32, #tpu.memory_space<vmem>> -> memref<1x128xi32, #tpu.memory_space<vmem>>
      %dma_start3A_268 = tpu.memref_squeeze %dma_start3A_267 : memref<1x128xi32, #tpu.memory_space<vmem>> -> memref<128xi32, #tpu.memory_space<vmem>>
      %dma_start3A_269 = tpu.memref_slice %arg3[%add3A_8] : memref<16384xi32, #tpu.memory_space<hbm>> -> memref<128xi32, #tpu.memory_space<hbm>>
      %dma_start3A_270 = arith.constant 0 : i32
      %dma_start3A_271 = tpu.memref_slice %arg9[%run_scoped3A_10, %dma_start3A_270] : memref<4x128xi32, #tpu.memory_space<vmem>> -> memref<1x128xi32, #tpu.memory_space<vmem>>
      %dma_start3A_272 = tpu.memref_squeeze %dma_start3A_271 : memref<1x128xi32, #tpu.memory_space<vmem>> -> memref<128xi32, #tpu.memory_space<vmem>>
      %dma_start3A_273 = tpu.memref_slice %arg3[%add3A_8] : memref<16384xi32, #tpu.memory_space<hbm>> -> memref<128xi32, #tpu.memory_space<hbm>>
      tpu.enqueue_dma source(%dma_start3A_273 : memref<128xi32, #tpu.memory_space<hbm>>) target(%dma_start3A_272 : memref<128xi32, #tpu.memory_space<vmem>>) target_semaphore(%run_scoped3A_265 : memref<!tpu.dma_semaphore, #tpu.memory_space<semaphore_mem>>)
      %dma_wait3A_274 = arith.constant 0 : i32
      %dma_wait3A_275 = tpu.memref_slice %arg9[%run_scoped3A_10, %dma_wait3A_274] : memref<4x128xi32, #tpu.memory_space<vmem>> -> memref<1x128xi32, #tpu.memory_space<vmem>>
      %dma_wait3A_276 = tpu.memref_squeeze %dma_wait3A_275 : memref<1x128xi32, #tpu.memory_space<vmem>> -> memref<128xi32, #tpu.memory_space<vmem>>
      %dma_wait3A_277 = tpu.memref_slice %arg3[%add3A_8] : memref<16384xi32, #tpu.memory_space<hbm>> -> memref<128xi32, #tpu.memory_space<hbm>>
      %dma_wait3A_278 = arith.constant 0 : i32
      %dma_wait3A_279 = tpu.memref_slice %arg9[%run_scoped3A_10, %dma_wait3A_278] : memref<4x128xi32, #tpu.memory_space<vmem>> -> memref<1x128xi32, #tpu.memory_space<vmem>>
      %dma_wait3A_280 = tpu.memref_squeeze %dma_wait3A_279 : memref<1x128xi32, #tpu.memory_space<vmem>> -> memref<128xi32, #tpu.memory_space<vmem>>
      %dma_wait3A_281 = tpu.memref_slice %arg3[%add3A_8] : memref<16384xi32, #tpu.memory_space<hbm>> -> memref<128xi32, #tpu.memory_space<hbm>>
      tpu.wait_dma2 semaphore(%run_scoped3A_265 : memref<!tpu.dma_semaphore, #tpu.memory_space<semaphore_mem>>) src(%dma_wait3A_281 : memref<128xi32, #tpu.memory_space<hbm>>) dst(%dma_wait3A_280 : memref<128xi32, #tpu.memory_space<vmem>>)
      tpu.yield
    }) : () -> ()
    %run_scoped3A_11 = arith.constant 1 : i32
    "tpu.region"() ({
      %run_scoped3A_265 = tpu.sem_alloc : memref<!tpu.dma_semaphore, #tpu.memory_space<semaphore_mem>>
      %dma_start3A_266 = arith.constant 0 : i32
      %dma_start3A_267 = tpu.memref_slice %arg10[%run_scoped3A_11, %dma_start3A_266] : memref<4x128xi32, #tpu.memory_space<vmem>> -> memref<1x128xi32, #tpu.memory_space<vmem>>
      %dma_start3A_268 = tpu.memref_squeeze %dma_start3A_267 : memref<1x128xi32, #tpu.memory_space<vmem>> -> memref<128xi32, #tpu.memory_space<vmem>>
      %dma_start3A_269 = tpu.memref_slice %arg4[%add3A_8] : memref<16384xi32, #tpu.memory_space<hbm>> -> memref<128xi32, #tpu.memory_space<hbm>>
      %dma_start3A_270 = arith.constant 0 : i32
      %dma_start3A_271 = tpu.memref_slice %arg10[%run_scoped3A_11, %dma_start3A_270] : memref<4x128xi32, #tpu.memory_space<vmem>> -> memref<1x128xi32, #tpu.memory_space<vmem>>
      %dma_start3A_272 = tpu.memref_squeeze %dma_start3A_271 : memref<1x128xi32, #tpu.memory_space<vmem>> -> memref<128xi32, #tpu.memory_space<vmem>>
      %dma_start3A_273 = tpu.memref_slice %arg4[%add3A_8] : memref<16384xi32, #tpu.memory_space<hbm>> -> memref<128xi32, #tpu.memory_space<hbm>>
      tpu.enqueue_dma source(%dma_start3A_273 : memref<128xi32, #tpu.memory_space<hbm>>) target(%dma_start3A_272 : memref<128xi32, #tpu.memory_space<vmem>>) target_semaphore(%run_scoped3A_265 : memref<!tpu.dma_semaphore, #tpu.memory_space<semaphore_mem>>)
      %dma_wait3A_274 = arith.constant 0 : i32
      %dma_wait3A_275 = tpu.memref_slice %arg10[%run_scoped3A_11, %dma_wait3A_274] : memref<4x128xi32, #tpu.memory_space<vmem>> -> memref<1x128xi32, #tpu.memory_space<vmem>>
      %dma_wait3A_276 = tpu.memref_squeeze %dma_wait3A_275 : memref<1x128xi32, #tpu.memory_space<vmem>> -> memref<128xi32, #tpu.memory_space<vmem>>
      %dma_wait3A_277 = tpu.memref_slice %arg4[%add3A_8] : memref<16384xi32, #tpu.memory_space<hbm>> -> memref<128xi32, #tpu.memory_space<hbm>>
      %dma_wait3A_278 = arith.constant 0 : i32
      %dma_wait3A_279 = tpu.memref_slice %arg10[%run_scoped3A_11, %dma_wait3A_278] : memref<4x128xi32, #tpu.memory_space<vmem>> -> memref<1x128xi32, #tpu.memory_space<vmem>>
      %dma_wait3A_280 = tpu.memref_squeeze %dma_wait3A_279 : memref<1x128xi32, #tpu.memory_space<vmem>> -> memref<128xi32, #tpu.memory_space<vmem>>
      %dma_wait3A_281 = tpu.memref_slice %arg4[%add3A_8] : memref<16384xi32, #tpu.memory_space<hbm>> -> memref<128xi32, #tpu.memory_space<hbm>>
      tpu.wait_dma2 semaphore(%run_scoped3A_265 : memref<!tpu.dma_semaphore, #tpu.memory_space<semaphore_mem>>) src(%dma_wait3A_281 : memref<128xi32, #tpu.memory_space<hbm>>) dst(%dma_wait3A_280 : memref<128xi32, #tpu.memory_space<vmem>>)
      tpu.yield
    }) : () -> ()
    %add3A_12 = arith.constant 256 : i32
    %add3A_13 = arith.addi %mul3A_2, %add3A_12 : i32
    %run_scoped3A_14 = arith.constant 2 : i32
    "tpu.region"() ({
      %run_scoped3A_265 = tpu.sem_alloc : memref<!tpu.dma_semaphore, #tpu.memory_space<semaphore_mem>>
      %dma_start3A_266 = arith.constant 0 : i32
      %dma_start3A_267 = tpu.memref_slice %arg8[%run_scoped3A_14, %dma_start3A_266] : memref<4x128xi32, #tpu.memory_space<vmem>> -> memref<1x128xi32, #tpu.memory_space<vmem>>
      %dma_start3A_268 = tpu.memref_squeeze %dma_start3A_267 : memref<1x128xi32, #tpu.memory_space<vmem>> -> memref<128xi32, #tpu.memory_space<vmem>>
      %dma_start3A_269 = tpu.memref_slice %arg2[%add3A_13] : memref<16384xi32, #tpu.memory_space<hbm>> -> memref<128xi32, #tpu.memory_space<hbm>>
      %dma_start3A_270 = arith.constant 0 : i32
      %dma_start3A_271 = tpu.memref_slice %arg8[%run_scoped3A_14, %dma_start3A_270] : memref<4x128xi32, #tpu.memory_space<vmem>> -> memref<1x128xi32, #tpu.memory_space<vmem>>
      %dma_start3A_272 = tpu.memref_squeeze %dma_start3A_271 : memref<1x128xi32, #tpu.memory_space<vmem>> -> memref<128xi32, #tpu.memory_space<vmem>>
      %dma_start3A_273 = tpu.memref_slice %arg2[%add3A_13] : memref<16384xi32, #tpu.memory_space<hbm>> -> memref<128xi32, #tpu.memory_space<hbm>>
      tpu.enqueue_dma source(%dma_start3A_273 : memref<128xi32, #tpu.memory_space<hbm>>) target(%dma_start3A_272 : memref<128xi32, #tpu.memory_space<vmem>>) target_semaphore(%run_scoped3A_265 : memref<!tpu.dma_semaphore, #tpu.memory_space<semaphore_mem>>)
      %dma_wait3A_274 = arith.constant 0 : i32
      %dma_wait3A_275 = tpu.memref_slice %arg8[%run_scoped3A_14, %dma_wait3A_274] : memref<4x128xi32, #tpu.memory_space<vmem>> -> memref<1x128xi32, #tpu.memory_space<vmem>>
      %dma_wait3A_276 = tpu.memref_squeeze %dma_wait3A_275 : memref<1x128xi32, #tpu.memory_space<vmem>> -> memref<128xi32, #tpu.memory_space<vmem>>
      %dma_wait3A_277 = tpu.memref_slice %arg2[%add3A_13] : memref<16384xi32, #tpu.memory_space<hbm>> -> memref<128xi32, #tpu.memory_space<hbm>>
      %dma_wait3A_278 = arith.constant 0 : i32
      %dma_wait3A_279 = tpu.memref_slice %arg8[%run_scoped3A_14, %dma_wait3A_278] : memref<4x128xi32, #tpu.memory_space<vmem>> -> memref<1x128xi32, #tpu.memory_space<vmem>>
      %dma_wait3A_280 = tpu.memref_squeeze %dma_wait3A_279 : memref<1x128xi32, #tpu.memory_space<vmem>> -> memref<128xi32, #tpu.memory_space<vmem>>
      %dma_wait3A_281 = tpu.memref_slice %arg2[%add3A_13] : memref<16384xi32, #tpu.memory_space<hbm>> -> memref<128xi32, #tpu.memory_space<hbm>>
      tpu.wait_dma2 semaphore(%run_scoped3A_265 : memref<!tpu.dma_semaphore, #tpu.memory_space<semaphore_mem>>) src(%dma_wait3A_281 : memref<128xi32, #tpu.memory_space<hbm>>) dst(%dma_wait3A_280 : memref<128xi32, #tpu.memory_space<vmem>>)
      tpu.yield
    }) : () -> ()
    %run_scoped3A_15 = arith.constant 2 : i32
    "tpu.region"() ({
      %run_scoped3A_265 = tpu.sem_alloc : memref<!tpu.dma_semaphore, #tpu.memory_space<semaphore_mem>>
      %dma_start3A_266 = arith.constant 0 : i32
      %dma_start3A_267 = tpu.memref_slice %arg9[%run_scoped3A_15, %dma_start3A_266] : memref<4x128xi32, #tpu.memory_space<vmem>> -> memref<1x128xi32, #tpu.memory_space<vmem>>
      %dma_start3A_268 = tpu.memref_squeeze %dma_start3A_267 : memref<1x128xi32, #tpu.memory_space<vmem>> -> memref<128xi32, #tpu.memory_space<vmem>>
      %dma_start3A_269 = tpu.memref_slice %arg3[%add3A_13] : memref<16384xi32, #tpu.memory_space<hbm>> -> memref<128xi32, #tpu.memory_space<hbm>>
      %dma_start3A_270 = arith.constant 0 : i32
      %dma_start3A_271 = tpu.memref_slice %arg9[%run_scoped3A_15, %dma_start3A_270] : memref<4x128xi32, #tpu.memory_space<vmem>> -> memref<1x128xi32, #tpu.memory_space<vmem>>
      %dma_start3A_272 = tpu.memref_squeeze %dma_start3A_271 : memref<1x128xi32, #tpu.memory_space<vmem>> -> memref<128xi32, #tpu.memory_space<vmem>>
      %dma_start3A_273 = tpu.memref_slice %arg3[%add3A_13] : memref<16384xi32, #tpu.memory_space<hbm>> -> memref<128xi32, #tpu.memory_space<hbm>>
      tpu.enqueue_dma source(%dma_start3A_273 : memref<128xi32, #tpu.memory_space<hbm>>) target(%dma_start3A_272 : memref<128xi32, #tpu.memory_space<vmem>>) target_semaphore(%run_scoped3A_265 : memref<!tpu.dma_semaphore, #tpu.memory_space<semaphore_mem>>)
      %dma_wait3A_274 = arith.constant 0 : i32
      %dma_wait3A_275 = tpu.memref_slice %arg9[%run_scoped3A_15, %dma_wait3A_274] : memref<4x128xi32, #tpu.memory_space<vmem>> -> memref<1x128xi32, #tpu.memory_space<vmem>>
      %dma_wait3A_276 = tpu.memref_squeeze %dma_wait3A_275 : memref<1x128xi32, #tpu.memory_space<vmem>> -> memref<128xi32, #tpu.memory_space<vmem>>
      %dma_wait3A_277 = tpu.memref_slice %arg3[%add3A_13] : memref<16384xi32, #tpu.memory_space<hbm>> -> memref<128xi32, #tpu.memory_space<hbm>>
      %dma_wait3A_278 = arith.constant 0 : i32
      %dma_wait3A_279 = tpu.memref_slice %arg9[%run_scoped3A_15, %dma_wait3A_278] : memref<4x128xi32, #tpu.memory_space<vmem>> -> memref<1x128xi32, #tpu.memory_space<vmem>>
      %dma_wait3A_280 = tpu.memref_squeeze %dma_wait3A_279 : memref<1x128xi32, #tpu.memory_space<vmem>> -> memref<128xi32, #tpu.memory_space<vmem>>
      %dma_wait3A_281 = tpu.memref_slice %arg3[%add3A_13] : memref<16384xi32, #tpu.memory_space<hbm>> -> memref<128xi32, #tpu.memory_space<hbm>>
      tpu.wait_dma2 semaphore(%run_scoped3A_265 : memref<!tpu.dma_semaphore, #tpu.memory_space<semaphore_mem>>) src(%dma_wait3A_281 : memref<128xi32, #tpu.memory_space<hbm>>) dst(%dma_wait3A_280 : memref<128xi32, #tpu.memory_space<vmem>>)
      tpu.yield
    }) : () -> ()
    %run_scoped3A_16 = arith.constant 2 : i32
    "tpu.region"() ({
      %run_scoped3A_265 = tpu.sem_alloc : memref<!tpu.dma_semaphore, #tpu.memory_space<semaphore_mem>>
      %dma_start3A_266 = arith.constant 0 : i32
      %dma_start3A_267 = tpu.memref_slice %arg10[%run_scoped3A_16, %dma_start3A_266] : memref<4x128xi32, #tpu.memory_space<vmem>> -> memref<1x128xi32, #tpu.memory_space<vmem>>
      %dma_start3A_268 = tpu.memref_squeeze %dma_start3A_267 : memref<1x128xi32, #tpu.memory_space<vmem>> -> memref<128xi32, #tpu.memory_space<vmem>>
      %dma_start3A_269 = tpu.memref_slice %arg4[%add3A_13] : memref<16384xi32, #tpu.memory_space<hbm>> -> memref<128xi32, #tpu.memory_space<hbm>>
      %dma_start3A_270 = arith.constant 0 : i32
      %dma_start3A_271 = tpu.memref_slice %arg10[%run_scoped3A_16, %dma_start3A_270] : memref<4x128xi32, #tpu.memory_space<vmem>> -> memref<1x128xi32, #tpu.memory_space<vmem>>
      %dma_start3A_272 = tpu.memref_squeeze %dma_start3A_271 : memref<1x128xi32, #tpu.memory_space<vmem>> -> memref<128xi32, #tpu.memory_space<vmem>>
      %dma_start3A_273 = tpu.memref_slice %arg4[%add3A_13] : memref<16384xi32, #tpu.memory_space<hbm>> -> memref<128xi32, #tpu.memory_space<hbm>>
      tpu.enqueue_dma source(%dma_start3A_273 : memref<128xi32, #tpu.memory_space<hbm>>) target(%dma_start3A_272 : memref<128xi32, #tpu.memory_space<vmem>>) target_semaphore(%run_scoped3A_265 : memref<!tpu.dma_semaphore, #tpu.memory_space<semaphore_mem>>)
      %dma_wait3A_274 = arith.constant 0 : i32
      %dma_wait3A_275 = tpu.memref_slice %arg10[%run_scoped3A_16, %dma_wait3A_274] : memref<4x128xi32, #tpu.memory_space<vmem>> -> memref<1x128xi32, #tpu.memory_space<vmem>>
      %dma_wait3A_276 = tpu.memref_squeeze %dma_wait3A_275 : memref<1x128xi32, #tpu.memory_space<vmem>> -> memref<128xi32, #tpu.memory_space<vmem>>
      %dma_wait3A_277 = tpu.memref_slice %arg4[%add3A_13] : memref<16384xi32, #tpu.memory_space<hbm>> -> memref<128xi32, #tpu.memory_space<hbm>>
      %dma_wait3A_278 = arith.constant 0 : i32
      %dma_wait3A_279 = tpu.memref_slice %arg10[%run_scoped3A_16, %dma_wait3A_278] : memref<4x128xi32, #tpu.memory_space<vmem>> -> memref<1x128xi32, #tpu.memory_space<vmem>>
      %dma_wait3A_280 = tpu.memref_squeeze %dma_wait3A_279 : memref<1x128xi32, #tpu.memory_space<vmem>> -> memref<128xi32, #tpu.memory_space<vmem>>
      %dma_wait3A_281 = tpu.memref_slice %arg4[%add3A_13] : memref<16384xi32, #tpu.memory_space<hbm>> -> memref<128xi32, #tpu.memory_space<hbm>>
      tpu.wait_dma2 semaphore(%run_scoped3A_265 : memref<!tpu.dma_semaphore, #tpu.memory_space<semaphore_mem>>) src(%dma_wait3A_281 : memref<128xi32, #tpu.memory_space<hbm>>) dst(%dma_wait3A_280 : memref<128xi32, #tpu.memory_space<vmem>>)
      tpu.yield
    }) : () -> ()
    %add3A_17 = arith.constant 384 : i32
    %add3A_18 = arith.addi %mul3A_2, %add3A_17 : i32
    %run_scoped3A_19 = arith.constant 3 : i32
    "tpu.region"() ({
      %run_scoped3A_265 = tpu.sem_alloc : memref<!tpu.dma_semaphore, #tpu.memory_space<semaphore_mem>>
      %dma_start3A_266 = arith.constant 0 : i32
      %dma_start3A_267 = tpu.memref_slice %arg8[%run_scoped3A_19, %dma_start3A_266] : memref<4x128xi32, #tpu.memory_space<vmem>> -> memref<1x128xi32, #tpu.memory_space<vmem>>
      %dma_start3A_268 = tpu.memref_squeeze %dma_start3A_267 : memref<1x128xi32, #tpu.memory_space<vmem>> -> memref<128xi32, #tpu.memory_space<vmem>>
      %dma_start3A_269 = tpu.memref_slice %arg2[%add3A_18] : memref<16384xi32, #tpu.memory_space<hbm>> -> memref<128xi32, #tpu.memory_space<hbm>>
      %dma_start3A_270 = arith.constant 0 : i32
      %dma_start3A_271 = tpu.memref_slice %arg8[%run_scoped3A_19, %dma_start3A_270] : memref<4x128xi32, #tpu.memory_space<vmem>> -> memref<1x128xi32, #tpu.memory_space<vmem>>
      %dma_start3A_272 = tpu.memref_squeeze %dma_start3A_271 : memref<1x128xi32, #tpu.memory_space<vmem>> -> memref<128xi32, #tpu.memory_space<vmem>>
      %dma_start3A_273 = tpu.memref_slice %arg2[%add3A_18] : memref<16384xi32, #tpu.memory_space<hbm>> -> memref<128xi32, #tpu.memory_space<hbm>>
      tpu.enqueue_dma source(%dma_start3A_273 : memref<128xi32, #tpu.memory_space<hbm>>) target(%dma_start3A_272 : memref<128xi32, #tpu.memory_space<vmem>>) target_semaphore(%run_scoped3A_265 : memref<!tpu.dma_semaphore, #tpu.memory_space<semaphore_mem>>)
      %dma_wait3A_274 = arith.constant 0 : i32
      %dma_wait3A_275 = tpu.memref_slice %arg8[%run_scoped3A_19, %dma_wait3A_274] : memref<4x128xi32, #tpu.memory_space<vmem>> -> memref<1x128xi32, #tpu.memory_space<vmem>>
      %dma_wait3A_276 = tpu.memref_squeeze %dma_wait3A_275 : memref<1x128xi32, #tpu.memory_space<vmem>> -> memref<128xi32, #tpu.memory_space<vmem>>
      %dma_wait3A_277 = tpu.memref_slice %arg2[%add3A_18] : memref<16384xi32, #tpu.memory_space<hbm>> -> memref<128xi32, #tpu.memory_space<hbm>>
      %dma_wait3A_278 = arith.constant 0 : i32
      %dma_wait3A_279 = tpu.memref_slice %arg8[%run_scoped3A_19, %dma_wait3A_278] : memref<4x128xi32, #tpu.memory_space<vmem>> -> memref<1x128xi32, #tpu.memory_space<vmem>>
      %dma_wait3A_280 = tpu.memref_squeeze %dma_wait3A_279 : memref<1x128xi32, #tpu.memory_space<vmem>> -> memref<128xi32, #tpu.memory_space<vmem>>
      %dma_wait3A_281 = tpu.memref_slice %arg2[%add3A_18] : memref<16384xi32, #tpu.memory_space<hbm>> -> memref<128xi32, #tpu.memory_space<hbm>>
      tpu.wait_dma2 semaphore(%run_scoped3A_265 : memref<!tpu.dma_semaphore, #tpu.memory_space<semaphore_mem>>) src(%dma_wait3A_281 : memref<128xi32, #tpu.memory_space<hbm>>) dst(%dma_wait3A_280 : memref<128xi32, #tpu.memory_space<vmem>>)
      tpu.yield
    }) : () -> ()
    %run_scoped3A_20 = arith.constant 3 : i32
    "tpu.region"() ({
      %run_scoped3A_265 = tpu.sem_alloc : memref<!tpu.dma_semaphore, #tpu.memory_space<semaphore_mem>>
      %dma_start3A_266 = arith.constant 0 : i32
      %dma_start3A_267 = tpu.memref_slice %arg9[%run_scoped3A_20, %dma_start3A_266] : memref<4x128xi32, #tpu.memory_space<vmem>> -> memref<1x128xi32, #tpu.memory_space<vmem>>
      %dma_start3A_268 = tpu.memref_squeeze %dma_start3A_267 : memref<1x128xi32, #tpu.memory_space<vmem>> -> memref<128xi32, #tpu.memory_space<vmem>>
      %dma_start3A_269 = tpu.memref_slice %arg3[%add3A_18] : memref<16384xi32, #tpu.memory_space<hbm>> -> memref<128xi32, #tpu.memory_space<hbm>>
      %dma_start3A_270 = arith.constant 0 : i32
      %dma_start3A_271 = tpu.memref_slice %arg9[%run_scoped3A_20, %dma_start3A_270] : memref<4x128xi32, #tpu.memory_space<vmem>> -> memref<1x128xi32, #tpu.memory_space<vmem>>
      %dma_start3A_272 = tpu.memref_squeeze %dma_start3A_271 : memref<1x128xi32, #tpu.memory_space<vmem>> -> memref<128xi32, #tpu.memory_space<vmem>>
      %dma_start3A_273 = tpu.memref_slice %arg3[%add3A_18] : memref<16384xi32, #tpu.memory_space<hbm>> -> memref<128xi32, #tpu.memory_space<hbm>>
      tpu.enqueue_dma source(%dma_start3A_273 : memref<128xi32, #tpu.memory_space<hbm>>) target(%dma_start3A_272 : memref<128xi32, #tpu.memory_space<vmem>>) target_semaphore(%run_scoped3A_265 : memref<!tpu.dma_semaphore, #tpu.memory_space<semaphore_mem>>)
      %dma_wait3A_274 = arith.constant 0 : i32
      %dma_wait3A_275 = tpu.memref_slice %arg9[%run_scoped3A_20, %dma_wait3A_274] : memref<4x128xi32, #tpu.memory_space<vmem>> -> memref<1x128xi32, #tpu.memory_space<vmem>>
      %dma_wait3A_276 = tpu.memref_squeeze %dma_wait3A_275 : memref<1x128xi32, #tpu.memory_space<vmem>> -> memref<128xi32, #tpu.memory_space<vmem>>
      %dma_wait3A_277 = tpu.memref_slice %arg3[%add3A_18] : memref<16384xi32, #tpu.memory_space<hbm>> -> memref<128xi32, #tpu.memory_space<hbm>>
      %dma_wait3A_278 = arith.constant 0 : i32
      %dma_wait3A_279 = tpu.memref_slice %arg9[%run_scoped3A_20, %dma_wait3A_278] : memref<4x128xi32, #tpu.memory_space<vmem>> -> memref<1x128xi32, #tpu.memory_space<vmem>>
      %dma_wait3A_280 = tpu.memref_squeeze %dma_wait3A_279 : memref<1x128xi32, #tpu.memory_space<vmem>> -> memref<128xi32, #tpu.memory_space<vmem>>
      %dma_wait3A_281 = tpu.memref_slice %arg3[%add3A_18] : memref<16384xi32, #tpu.memory_space<hbm>> -> memref<128xi32, #tpu.memory_space<hbm>>
      tpu.wait_dma2 semaphore(%run_scoped3A_265 : memref<!tpu.dma_semaphore, #tpu.memory_space<semaphore_mem>>) src(%dma_wait3A_281 : memref<128xi32, #tpu.memory_space<hbm>>) dst(%dma_wait3A_280 : memref<128xi32, #tpu.memory_space<vmem>>)
      tpu.yield
    }) : () -> ()
    %run_scoped3A_21 = arith.constant 3 : i32
    "tpu.region"() ({
      %run_scoped3A_265 = tpu.sem_alloc : memref<!tpu.dma_semaphore, #tpu.memory_space<semaphore_mem>>
      %dma_start3A_266 = arith.constant 0 : i32
      %dma_start3A_267 = tpu.memref_slice %arg10[%run_scoped3A_21, %dma_start3A_266] : memref<4x128xi32, #tpu.memory_space<vmem>> -> memref<1x128xi32, #tpu.memory_space<vmem>>
      %dma_start3A_268 = tpu.memref_squeeze %dma_start3A_267 : memref<1x128xi32, #tpu.memory_space<vmem>> -> memref<128xi32, #tpu.memory_space<vmem>>
      %dma_start3A_269 = tpu.memref_slice %arg4[%add3A_18] : memref<16384xi32, #tpu.memory_space<hbm>> -> memref<128xi32, #tpu.memory_space<hbm>>
      %dma_start3A_270 = arith.constant 0 : i32
      %dma_start3A_271 = tpu.memref_slice %arg10[%run_scoped3A_21, %dma_start3A_270] : memref<4x128xi32, #tpu.memory_space<vmem>> -> memref<1x128xi32, #tpu.memory_space<vmem>>
      %dma_start3A_272 = tpu.memref_squeeze %dma_start3A_271 : memref<1x128xi32, #tpu.memory_space<vmem>> -> memref<128xi32, #tpu.memory_space<vmem>>
      %dma_start3A_273 = tpu.memref_slice %arg4[%add3A_18] : memref<16384xi32, #tpu.memory_space<hbm>> -> memref<128xi32, #tpu.memory_space<hbm>>
      tpu.enqueue_dma source(%dma_start3A_273 : memref<128xi32, #tpu.memory_space<hbm>>) target(%dma_start3A_272 : memref<128xi32, #tpu.memory_space<vmem>>) target_semaphore(%run_scoped3A_265 : memref<!tpu.dma_semaphore, #tpu.memory_space<semaphore_mem>>)
      %dma_wait3A_274 = arith.constant 0 : i32
      %dma_wait3A_275 = tpu.memref_slice %arg10[%run_scoped3A_21, %dma_wait3A_274] : memref<4x128xi32, #tpu.memory_space<vmem>> -> memref<1x128xi32, #tpu.memory_space<vmem>>
      %dma_wait3A_276 = tpu.memref_squeeze %dma_wait3A_275 : memref<1x128xi32, #tpu.memory_space<vmem>> -> memref<128xi32, #tpu.memory_space<vmem>>
      %dma_wait3A_277 = tpu.memref_slice %arg4[%add3A_18] : memref<16384xi32, #tpu.memory_space<hbm>> -> memref<128xi32, #tpu.memory_space<hbm>>
      %dma_wait3A_278 = arith.constant 0 : i32
      %dma_wait3A_279 = tpu.memref_slice %arg10[%run_scoped3A_21, %dma_wait3A_278] : memref<4x128xi32, #tpu.memory_space<vmem>> -> memref<1x128xi32, #tpu.memory_space<vmem>>
      %dma_wait3A_280 = tpu.memref_squeeze %dma_wait3A_279 : memref<1x128xi32, #tpu.memory_space<vmem>> -> memref<128xi32, #tpu.memory_space<vmem>>
      %dma_wait3A_281 = tpu.memref_slice %arg4[%add3A_18] : memref<16384xi32, #tpu.memory_space<hbm>> -> memref<128xi32, #tpu.memory_space<hbm>>
      tpu.wait_dma2 semaphore(%run_scoped3A_265 : memref<!tpu.dma_semaphore, #tpu.memory_space<semaphore_mem>>) src(%dma_wait3A_281 : memref<128xi32, #tpu.memory_space<hbm>>) dst(%dma_wait3A_280 : memref<128xi32, #tpu.memory_space<vmem>>)
      tpu.yield
    }) : () -> ()
    %dma_start3A = arith.constant 0 : i32
    %dma_start3A_22 = arith.constant 0 : i32
    %dma_start3A_23 = arith.constant 0 : i32
    %dma_start3A_24 = tpu.memref_slice %arg11[%dma_start3A_22, %dma_start3A_23] : memref<512x64xf32, #tpu.memory_space<vmem>> -> memref<128x64xf32, #tpu.memory_space<vmem>>
    %dma_start3A_25 = arith.constant 0 : i32
    %dma_start3A_26 = tpu.memref_slice %arg8[%dma_start3A, %dma_start3A_25] : memref<4x128xi32, #tpu.memory_space<vmem>> -> memref<1x128xi32, #tpu.memory_space<vmem>>
    %dma_start3A_27 = tpu.memref_squeeze %dma_start3A_26 : memref<1x128xi32, #tpu.memory_space<vmem>> -> memref<128xi32, #tpu.memory_space<vmem>>
    %dma_start3A_28 = arith.constant 0 : i32
    %dma_start3A_29 = arith.constant 0 : i32
    %dma_start3A_30 = tpu.memref_slice %arg5[%dma_start3A_28, %dma_start3A_29] : memref<1000000x64xf32, #tpu.memory_space<hbm>> -> memref<1000000x64xf32, #tpu.memory_space<hbm>>
    tpu.enqueue_indirect_dma source(%dma_start3A_30 : memref<1000000x64xf32, #tpu.memory_space<hbm>>) target(%dma_start3A_24 : memref<128x64xf32, #tpu.memory_space<vmem>>) offsets(%dma_start3A_27 : memref<128xi32, #tpu.memory_space<vmem>>) semaphore(%arg15 : memref<!tpu.dma_semaphore, #tpu.memory_space<semaphore_mem>>)
    %dma_start3A_31 = arith.constant 0 : i32
    %dma_start3A_32 = arith.constant 0 : i32
    %dma_start3A_33 = arith.constant 0 : i32
    %dma_start3A_34 = tpu.memref_slice %arg12[%dma_start3A_32, %dma_start3A_33] : memref<512x64xf32, #tpu.memory_space<vmem>> -> memref<128x64xf32, #tpu.memory_space<vmem>>
    %dma_start3A_35 = arith.constant 0 : i32
    %dma_start3A_36 = tpu.memref_slice %arg9[%dma_start3A_31, %dma_start3A_35] : memref<4x128xi32, #tpu.memory_space<vmem>> -> memref<1x128xi32, #tpu.memory_space<vmem>>
    %dma_start3A_37 = tpu.memref_squeeze %dma_start3A_36 : memref<1x128xi32, #tpu.memory_space<vmem>> -> memref<128xi32, #tpu.memory_space<vmem>>
    %dma_start3A_38 = arith.constant 0 : i32
    %dma_start3A_39 = arith.constant 0 : i32
    %dma_start3A_40 = tpu.memref_slice %arg6[%dma_start3A_38, %dma_start3A_39] : memref<1000000x64xf32, #tpu.memory_space<hbm>> -> memref<1000000x64xf32, #tpu.memory_space<hbm>>
    tpu.enqueue_indirect_dma source(%dma_start3A_40 : memref<1000000x64xf32, #tpu.memory_space<hbm>>) target(%dma_start3A_34 : memref<128x64xf32, #tpu.memory_space<vmem>>) offsets(%dma_start3A_37 : memref<128xi32, #tpu.memory_space<vmem>>) semaphore(%arg15 : memref<!tpu.dma_semaphore, #tpu.memory_space<semaphore_mem>>)
    %dma_start3A_41 = arith.constant 0 : i32
    %dma_start3A_42 = arith.constant 0 : i32
    %dma_start3A_43 = arith.constant 0 : i32
    %dma_start3A_44 = tpu.memref_slice %arg13[%dma_start3A_42, %dma_start3A_43] : memref<512x64xf32, #tpu.memory_space<vmem>> -> memref<128x64xf32, #tpu.memory_space<vmem>>
    %dma_start3A_45 = arith.constant 0 : i32
    %dma_start3A_46 = tpu.memref_slice %arg10[%dma_start3A_41, %dma_start3A_45] : memref<4x128xi32, #tpu.memory_space<vmem>> -> memref<1x128xi32, #tpu.memory_space<vmem>>
    %dma_start3A_47 = tpu.memref_squeeze %dma_start3A_46 : memref<1x128xi32, #tpu.memory_space<vmem>> -> memref<128xi32, #tpu.memory_space<vmem>>
    %dma_start3A_48 = arith.constant 0 : i32
    %dma_start3A_49 = arith.constant 0 : i32
    %dma_start3A_50 = tpu.memref_slice %arg6[%dma_start3A_48, %dma_start3A_49] : memref<1000000x64xf32, #tpu.memory_space<hbm>> -> memref<1000000x64xf32, #tpu.memory_space<hbm>>
    tpu.enqueue_indirect_dma source(%dma_start3A_50 : memref<1000000x64xf32, #tpu.memory_space<hbm>>) target(%dma_start3A_44 : memref<128x64xf32, #tpu.memory_space<vmem>>) offsets(%dma_start3A_47 : memref<128xi32, #tpu.memory_space<vmem>>) semaphore(%arg15 : memref<!tpu.dma_semaphore, #tpu.memory_space<semaphore_mem>>)
    %dma_start3A_51 = arith.constant 1 : i32
    %dma_start3A_52 = arith.constant 128 : i32
    %dma_start3A_53 = arith.constant 0 : i32
    %dma_start3A_54 = tpu.memref_slice %arg11[%dma_start3A_52, %dma_start3A_53] : memref<512x64xf32, #tpu.memory_space<vmem>> -> memref<128x64xf32, #tpu.memory_space<vmem>>
    %dma_start3A_55 = arith.constant 0 : i32
    %dma_start3A_56 = tpu.memref_slice %arg8[%dma_start3A_51, %dma_start3A_55] : memref<4x128xi32, #tpu.memory_space<vmem>> -> memref<1x128xi32, #tpu.memory_space<vmem>>
    %dma_start3A_57 = tpu.memref_squeeze %dma_start3A_56 : memref<1x128xi32, #tpu.memory_space<vmem>> -> memref<128xi32, #tpu.memory_space<vmem>>
    %dma_start3A_58 = arith.constant 0 : i32
    %dma_start3A_59 = arith.constant 0 : i32
    %dma_start3A_60 = tpu.memref_slice %arg5[%dma_start3A_58, %dma_start3A_59] : memref<1000000x64xf32, #tpu.memory_space<hbm>> -> memref<1000000x64xf32, #tpu.memory_space<hbm>>
    tpu.enqueue_indirect_dma source(%dma_start3A_60 : memref<1000000x64xf32, #tpu.memory_space<hbm>>) target(%dma_start3A_54 : memref<128x64xf32, #tpu.memory_space<vmem>>) offsets(%dma_start3A_57 : memref<128xi32, #tpu.memory_space<vmem>>) semaphore(%arg15 : memref<!tpu.dma_semaphore, #tpu.memory_space<semaphore_mem>>)
    %dma_start3A_61 = arith.constant 1 : i32
    %dma_start3A_62 = arith.constant 128 : i32
    %dma_start3A_63 = arith.constant 0 : i32
    %dma_start3A_64 = tpu.memref_slice %arg12[%dma_start3A_62, %dma_start3A_63] : memref<512x64xf32, #tpu.memory_space<vmem>> -> memref<128x64xf32, #tpu.memory_space<vmem>>
    %dma_start3A_65 = arith.constant 0 : i32
    %dma_start3A_66 = tpu.memref_slice %arg9[%dma_start3A_61, %dma_start3A_65] : memref<4x128xi32, #tpu.memory_space<vmem>> -> memref<1x128xi32, #tpu.memory_space<vmem>>
    %dma_start3A_67 = tpu.memref_squeeze %dma_start3A_66 : memref<1x128xi32, #tpu.memory_space<vmem>> -> memref<128xi32, #tpu.memory_space<vmem>>
    %dma_start3A_68 = arith.constant 0 : i32
    %dma_start3A_69 = arith.constant 0 : i32
    %dma_start3A_70 = tpu.memref_slice %arg6[%dma_start3A_68, %dma_start3A_69] : memref<1000000x64xf32, #tpu.memory_space<hbm>> -> memref<1000000x64xf32, #tpu.memory_space<hbm>>
    tpu.enqueue_indirect_dma source(%dma_start3A_70 : memref<1000000x64xf32, #tpu.memory_space<hbm>>) target(%dma_start3A_64 : memref<128x64xf32, #tpu.memory_space<vmem>>) offsets(%dma_start3A_67 : memref<128xi32, #tpu.memory_space<vmem>>) semaphore(%arg15 : memref<!tpu.dma_semaphore, #tpu.memory_space<semaphore_mem>>)
    %dma_start3A_71 = arith.constant 1 : i32
    %dma_start3A_72 = arith.constant 128 : i32
    %dma_start3A_73 = arith.constant 0 : i32
    %dma_start3A_74 = tpu.memref_slice %arg13[%dma_start3A_72, %dma_start3A_73] : memref<512x64xf32, #tpu.memory_space<vmem>> -> memref<128x64xf32, #tpu.memory_space<vmem>>
    %dma_start3A_75 = arith.constant 0 : i32
    %dma_start3A_76 = tpu.memref_slice %arg10[%dma_start3A_71, %dma_start3A_75] : memref<4x128xi32, #tpu.memory_space<vmem>> -> memref<1x128xi32, #tpu.memory_space<vmem>>
    %dma_start3A_77 = tpu.memref_squeeze %dma_start3A_76 : memref<1x128xi32, #tpu.memory_space<vmem>> -> memref<128xi32, #tpu.memory_space<vmem>>
    %dma_start3A_78 = arith.constant 0 : i32
    %dma_start3A_79 = arith.constant 0 : i32
    %dma_start3A_80 = tpu.memref_slice %arg6[%dma_start3A_78, %dma_start3A_79] : memref<1000000x64xf32, #tpu.memory_space<hbm>> -> memref<1000000x64xf32, #tpu.memory_space<hbm>>
    tpu.enqueue_indirect_dma source(%dma_start3A_80 : memref<1000000x64xf32, #tpu.memory_space<hbm>>) target(%dma_start3A_74 : memref<128x64xf32, #tpu.memory_space<vmem>>) offsets(%dma_start3A_77 : memref<128xi32, #tpu.memory_space<vmem>>) semaphore(%arg15 : memref<!tpu.dma_semaphore, #tpu.memory_space<semaphore_mem>>)
    %dma_start3A_81 = arith.constant 2 : i32
    %dma_start3A_82 = arith.constant 256 : i32
    %dma_start3A_83 = arith.constant 0 : i32
    %dma_start3A_84 = tpu.memref_slice %arg11[%dma_start3A_82, %dma_start3A_83] : memref<512x64xf32, #tpu.memory_space<vmem>> -> memref<128x64xf32, #tpu.memory_space<vmem>>
    %dma_start3A_85 = arith.constant 0 : i32
    %dma_start3A_86 = tpu.memref_slice %arg8[%dma_start3A_81, %dma_start3A_85] : memref<4x128xi32, #tpu.memory_space<vmem>> -> memref<1x128xi32, #tpu.memory_space<vmem>>
    %dma_start3A_87 = tpu.memref_squeeze %dma_start3A_86 : memref<1x128xi32, #tpu.memory_space<vmem>> -> memref<128xi32, #tpu.memory_space<vmem>>
    %dma_start3A_88 = arith.constant 0 : i32
    %dma_start3A_89 = arith.constant 0 : i32
    %dma_start3A_90 = tpu.memref_slice %arg5[%dma_start3A_88, %dma_start3A_89] : memref<1000000x64xf32, #tpu.memory_space<hbm>> -> memref<1000000x64xf32, #tpu.memory_space<hbm>>
    tpu.enqueue_indirect_dma source(%dma_start3A_90 : memref<1000000x64xf32, #tpu.memory_space<hbm>>) target(%dma_start3A_84 : memref<128x64xf32, #tpu.memory_space<vmem>>) offsets(%dma_start3A_87 : memref<128xi32, #tpu.memory_space<vmem>>) semaphore(%arg15 : memref<!tpu.dma_semaphore, #tpu.memory_space<semaphore_mem>>)
    %dma_start3A_91 = arith.constant 2 : i32
    %dma_start3A_92 = arith.constant 256 : i32
    %dma_start3A_93 = arith.constant 0 : i32
    %dma_start3A_94 = tpu.memref_slice %arg12[%dma_start3A_92, %dma_start3A_93] : memref<512x64xf32, #tpu.memory_space<vmem>> -> memref<128x64xf32, #tpu.memory_space<vmem>>
    %dma_start3A_95 = arith.constant 0 : i32
    %dma_start3A_96 = tpu.memref_slice %arg9[%dma_start3A_91, %dma_start3A_95] : memref<4x128xi32, #tpu.memory_space<vmem>> -> memref<1x128xi32, #tpu.memory_space<vmem>>
    %dma_start3A_97 = tpu.memref_squeeze %dma_start3A_96 : memref<1x128xi32, #tpu.memory_space<vmem>> -> memref<128xi32, #tpu.memory_space<vmem>>
    %dma_start3A_98 = arith.constant 0 : i32
    %dma_start3A_99 = arith.constant 0 : i32
    %dma_start3A_100 = tpu.memref_slice %arg6[%dma_start3A_98, %dma_start3A_99] : memref<1000000x64xf32, #tpu.memory_space<hbm>> -> memref<1000000x64xf32, #tpu.memory_space<hbm>>
    tpu.enqueue_indirect_dma source(%dma_start3A_100 : memref<1000000x64xf32, #tpu.memory_space<hbm>>) target(%dma_start3A_94 : memref<128x64xf32, #tpu.memory_space<vmem>>) offsets(%dma_start3A_97 : memref<128xi32, #tpu.memory_space<vmem>>) semaphore(%arg15 : memref<!tpu.dma_semaphore, #tpu.memory_space<semaphore_mem>>)
    %dma_start3A_101 = arith.constant 2 : i32
    %dma_start3A_102 = arith.constant 256 : i32
    %dma_start3A_103 = arith.constant 0 : i32
    %dma_start3A_104 = tpu.memref_slice %arg13[%dma_start3A_102, %dma_start3A_103] : memref<512x64xf32, #tpu.memory_space<vmem>> -> memref<128x64xf32, #tpu.memory_space<vmem>>
    %dma_start3A_105 = arith.constant 0 : i32
    %dma_start3A_106 = tpu.memref_slice %arg10[%dma_start3A_101, %dma_start3A_105] : memref<4x128xi32, #tpu.memory_space<vmem>> -> memref<1x128xi32, #tpu.memory_space<vmem>>
    %dma_start3A_107 = tpu.memref_squeeze %dma_start3A_106 : memref<1x128xi32, #tpu.memory_space<vmem>> -> memref<128xi32, #tpu.memory_space<vmem>>
    %dma_start3A_108 = arith.constant 0 : i32
    %dma_start3A_109 = arith.constant 0 : i32
    %dma_start3A_110 = tpu.memref_slice %arg6[%dma_start3A_108, %dma_start3A_109] : memref<1000000x64xf32, #tpu.memory_space<hbm>> -> memref<1000000x64xf32, #tpu.memory_space<hbm>>
    tpu.enqueue_indirect_dma source(%dma_start3A_110 : memref<1000000x64xf32, #tpu.memory_space<hbm>>) target(%dma_start3A_104 : memref<128x64xf32, #tpu.memory_space<vmem>>) offsets(%dma_start3A_107 : memref<128xi32, #tpu.memory_space<vmem>>) semaphore(%arg15 : memref<!tpu.dma_semaphore, #tpu.memory_space<semaphore_mem>>)
    %dma_start3A_111 = arith.constant 3 : i32
    %dma_start3A_112 = arith.constant 384 : i32
    %dma_start3A_113 = arith.constant 0 : i32
    %dma_start3A_114 = tpu.memref_slice %arg11[%dma_start3A_112, %dma_start3A_113] : memref<512x64xf32, #tpu.memory_space<vmem>> -> memref<128x64xf32, #tpu.memory_space<vmem>>
    %dma_start3A_115 = arith.constant 0 : i32
    %dma_start3A_116 = tpu.memref_slice %arg8[%dma_start3A_111, %dma_start3A_115] : memref<4x128xi32, #tpu.memory_space<vmem>> -> memref<1x128xi32, #tpu.memory_space<vmem>>
    %dma_start3A_117 = tpu.memref_squeeze %dma_start3A_116 : memref<1x128xi32, #tpu.memory_space<vmem>> -> memref<128xi32, #tpu.memory_space<vmem>>
    %dma_start3A_118 = arith.constant 0 : i32
    %dma_start3A_119 = arith.constant 0 : i32
    %dma_start3A_120 = tpu.memref_slice %arg5[%dma_start3A_118, %dma_start3A_119] : memref<1000000x64xf32, #tpu.memory_space<hbm>> -> memref<1000000x64xf32, #tpu.memory_space<hbm>>
    tpu.enqueue_indirect_dma source(%dma_start3A_120 : memref<1000000x64xf32, #tpu.memory_space<hbm>>) target(%dma_start3A_114 : memref<128x64xf32, #tpu.memory_space<vmem>>) offsets(%dma_start3A_117 : memref<128xi32, #tpu.memory_space<vmem>>) semaphore(%arg15 : memref<!tpu.dma_semaphore, #tpu.memory_space<semaphore_mem>>)
    %dma_start3A_121 = arith.constant 3 : i32
    %dma_start3A_122 = arith.constant 384 : i32
    %dma_start3A_123 = arith.constant 0 : i32
    %dma_start3A_124 = tpu.memref_slice %arg12[%dma_start3A_122, %dma_start3A_123] : memref<512x64xf32, #tpu.memory_space<vmem>> -> memref<128x64xf32, #tpu.memory_space<vmem>>
    %dma_start3A_125 = arith.constant 0 : i32
    %dma_start3A_126 = tpu.memref_slice %arg9[%dma_start3A_121, %dma_start3A_125] : memref<4x128xi32, #tpu.memory_space<vmem>> -> memref<1x128xi32, #tpu.memory_space<vmem>>
    %dma_start3A_127 = tpu.memref_squeeze %dma_start3A_126 : memref<1x128xi32, #tpu.memory_space<vmem>> -> memref<128xi32, #tpu.memory_space<vmem>>
    %dma_start3A_128 = arith.constant 0 : i32
    %dma_start3A_129 = arith.constant 0 : i32
    %dma_start3A_130 = tpu.memref_slice %arg6[%dma_start3A_128, %dma_start3A_129] : memref<1000000x64xf32, #tpu.memory_space<hbm>> -> memref<1000000x64xf32, #tpu.memory_space<hbm>>
    tpu.enqueue_indirect_dma source(%dma_start3A_130 : memref<1000000x64xf32, #tpu.memory_space<hbm>>) target(%dma_start3A_124 : memref<128x64xf32, #tpu.memory_space<vmem>>) offsets(%dma_start3A_127 : memref<128xi32, #tpu.memory_space<vmem>>) semaphore(%arg15 : memref<!tpu.dma_semaphore, #tpu.memory_space<semaphore_mem>>)
    %dma_start3A_131 = arith.constant 3 : i32
    %dma_start3A_132 = arith.constant 384 : i32
    %dma_start3A_133 = arith.constant 0 : i32
    %dma_start3A_134 = tpu.memref_slice %arg13[%dma_start3A_132, %dma_start3A_133] : memref<512x64xf32, #tpu.memory_space<vmem>> -> memref<128x64xf32, #tpu.memory_space<vmem>>
    %dma_start3A_135 = arith.constant 0 : i32
    %dma_start3A_136 = tpu.memref_slice %arg10[%dma_start3A_131, %dma_start3A_135] : memref<4x128xi32, #tpu.memory_space<vmem>> -> memref<1x128xi32, #tpu.memory_space<vmem>>
    %dma_start3A_137 = tpu.memref_squeeze %dma_start3A_136 : memref<1x128xi32, #tpu.memory_space<vmem>> -> memref<128xi32, #tpu.memory_space<vmem>>
    %dma_start3A_138 = arith.constant 0 : i32
    %dma_start3A_139 = arith.constant 0 : i32
    %dma_start3A_140 = tpu.memref_slice %arg6[%dma_start3A_138, %dma_start3A_139] : memref<1000000x64xf32, #tpu.memory_space<hbm>> -> memref<1000000x64xf32, #tpu.memory_space<hbm>>
    tpu.enqueue_indirect_dma source(%dma_start3A_140 : memref<1000000x64xf32, #tpu.memory_space<hbm>>) target(%dma_start3A_134 : memref<128x64xf32, #tpu.memory_space<vmem>>) offsets(%dma_start3A_137 : memref<128xi32, #tpu.memory_space<vmem>>) semaphore(%arg15 : memref<!tpu.dma_semaphore, #tpu.memory_space<semaphore_mem>>)
    %dma_wait3A = arith.constant 0 : i32
    %dma_wait3A_141 = arith.constant 0 : i32
    %dma_wait3A_142 = arith.constant 0 : i32
    %dma_wait3A_143 = tpu.memref_slice %arg11[%dma_wait3A_141, %dma_wait3A_142] : memref<512x64xf32, #tpu.memory_space<vmem>> -> memref<128x64xf32, #tpu.memory_space<vmem>>
    %dma_wait3A_144 = arith.constant 0 : i32
    %dma_wait3A_145 = tpu.memref_slice %arg8[%dma_wait3A, %dma_wait3A_144] : memref<4x128xi32, #tpu.memory_space<vmem>> -> memref<1x128xi32, #tpu.memory_space<vmem>>
    %dma_wait3A_146 = tpu.memref_squeeze %dma_wait3A_145 : memref<1x128xi32, #tpu.memory_space<vmem>> -> memref<128xi32, #tpu.memory_space<vmem>>
    %dma_wait3A_147 = arith.constant 0 : i32
    %dma_wait3A_148 = arith.constant 0 : i32
    %dma_wait3A_149 = tpu.memref_slice %arg5[%dma_wait3A_147, %dma_wait3A_148] : memref<1000000x64xf32, #tpu.memory_space<hbm>> -> memref<1000000x64xf32, #tpu.memory_space<hbm>>
    tpu.wait_indirect_dma semaphore(%arg15 : memref<!tpu.dma_semaphore, #tpu.memory_space<semaphore_mem>>) src(%dma_wait3A_149 : memref<1000000x64xf32, #tpu.memory_space<hbm>>) dst(%dma_wait3A_143 : memref<128x64xf32, #tpu.memory_space<vmem>>)
    %dma_wait3A_150 = arith.constant 0 : i32
    %dma_wait3A_151 = arith.constant 0 : i32
    %dma_wait3A_152 = arith.constant 0 : i32
    %dma_wait3A_153 = tpu.memref_slice %arg12[%dma_wait3A_151, %dma_wait3A_152] : memref<512x64xf32, #tpu.memory_space<vmem>> -> memref<128x64xf32, #tpu.memory_space<vmem>>
    %dma_wait3A_154 = arith.constant 0 : i32
    %dma_wait3A_155 = tpu.memref_slice %arg9[%dma_wait3A_150, %dma_wait3A_154] : memref<4x128xi32, #tpu.memory_space<vmem>> -> memref<1x128xi32, #tpu.memory_space<vmem>>
    %dma_wait3A_156 = tpu.memref_squeeze %dma_wait3A_155 : memref<1x128xi32, #tpu.memory_space<vmem>> -> memref<128xi32, #tpu.memory_space<vmem>>
    %dma_wait3A_157 = arith.constant 0 : i32
    %dma_wait3A_158 = arith.constant 0 : i32
    %dma_wait3A_159 = tpu.memref_slice %arg6[%dma_wait3A_157, %dma_wait3A_158] : memref<1000000x64xf32, #tpu.memory_space<hbm>> -> memref<1000000x64xf32, #tpu.memory_space<hbm>>
    tpu.wait_indirect_dma semaphore(%arg15 : memref<!tpu.dma_semaphore, #tpu.memory_space<semaphore_mem>>) src(%dma_wait3A_159 : memref<1000000x64xf32, #tpu.memory_space<hbm>>) dst(%dma_wait3A_153 : memref<128x64xf32, #tpu.memory_space<vmem>>)
    %dma_wait3A_160 = arith.constant 0 : i32
    %dma_wait3A_161 = arith.constant 0 : i32
    %dma_wait3A_162 = arith.constant 0 : i32
    %dma_wait3A_163 = tpu.memref_slice %arg13[%dma_wait3A_161, %dma_wait3A_162] : memref<512x64xf32, #tpu.memory_space<vmem>> -> memref<128x64xf32, #tpu.memory_space<vmem>>
    %dma_wait3A_164 = arith.constant 0 : i32
    %dma_wait3A_165 = tpu.memref_slice %arg10[%dma_wait3A_160, %dma_wait3A_164] : memref<4x128xi32, #tpu.memory_space<vmem>> -> memref<1x128xi32, #tpu.memory_space<vmem>>
    %dma_wait3A_166 = tpu.memref_squeeze %dma_wait3A_165 : memref<1x128xi32, #tpu.memory_space<vmem>> -> memref<128xi32, #tpu.memory_space<vmem>>
    %dma_wait3A_167 = arith.constant 0 : i32
    %dma_wait3A_168 = arith.constant 0 : i32
    %dma_wait3A_169 = tpu.memref_slice %arg6[%dma_wait3A_167, %dma_wait3A_168] : memref<1000000x64xf32, #tpu.memory_space<hbm>> -> memref<1000000x64xf32, #tpu.memory_space<hbm>>
    tpu.wait_indirect_dma semaphore(%arg15 : memref<!tpu.dma_semaphore, #tpu.memory_space<semaphore_mem>>) src(%dma_wait3A_169 : memref<1000000x64xf32, #tpu.memory_space<hbm>>) dst(%dma_wait3A_163 : memref<128x64xf32, #tpu.memory_space<vmem>>)
    %dma_wait3A_170 = arith.constant 1 : i32
    %dma_wait3A_171 = arith.constant 128 : i32
    %dma_wait3A_172 = arith.constant 0 : i32
    %dma_wait3A_173 = tpu.memref_slice %arg11[%dma_wait3A_171, %dma_wait3A_172] : memref<512x64xf32, #tpu.memory_space<vmem>> -> memref<128x64xf32, #tpu.memory_space<vmem>>
    %dma_wait3A_174 = arith.constant 0 : i32
    %dma_wait3A_175 = tpu.memref_slice %arg8[%dma_wait3A_170, %dma_wait3A_174] : memref<4x128xi32, #tpu.memory_space<vmem>> -> memref<1x128xi32, #tpu.memory_space<vmem>>
    %dma_wait3A_176 = tpu.memref_squeeze %dma_wait3A_175 : memref<1x128xi32, #tpu.memory_space<vmem>> -> memref<128xi32, #tpu.memory_space<vmem>>
    %dma_wait3A_177 = arith.constant 0 : i32
    %dma_wait3A_178 = arith.constant 0 : i32
    %dma_wait3A_179 = tpu.memref_slice %arg5[%dma_wait3A_177, %dma_wait3A_178] : memref<1000000x64xf32, #tpu.memory_space<hbm>> -> memref<1000000x64xf32, #tpu.memory_space<hbm>>
    tpu.wait_indirect_dma semaphore(%arg15 : memref<!tpu.dma_semaphore, #tpu.memory_space<semaphore_mem>>) src(%dma_wait3A_179 : memref<1000000x64xf32, #tpu.memory_space<hbm>>) dst(%dma_wait3A_173 : memref<128x64xf32, #tpu.memory_space<vmem>>)
    %dma_wait3A_180 = arith.constant 1 : i32
    %dma_wait3A_181 = arith.constant 128 : i32
    %dma_wait3A_182 = arith.constant 0 : i32
    %dma_wait3A_183 = tpu.memref_slice %arg12[%dma_wait3A_181, %dma_wait3A_182] : memref<512x64xf32, #tpu.memory_space<vmem>> -> memref<128x64xf32, #tpu.memory_space<vmem>>
    %dma_wait3A_184 = arith.constant 0 : i32
    %dma_wait3A_185 = tpu.memref_slice %arg9[%dma_wait3A_180, %dma_wait3A_184] : memref<4x128xi32, #tpu.memory_space<vmem>> -> memref<1x128xi32, #tpu.memory_space<vmem>>
    %dma_wait3A_186 = tpu.memref_squeeze %dma_wait3A_185 : memref<1x128xi32, #tpu.memory_space<vmem>> -> memref<128xi32, #tpu.memory_space<vmem>>
    %dma_wait3A_187 = arith.constant 0 : i32
    %dma_wait3A_188 = arith.constant 0 : i32
    %dma_wait3A_189 = tpu.memref_slice %arg6[%dma_wait3A_187, %dma_wait3A_188] : memref<1000000x64xf32, #tpu.memory_space<hbm>> -> memref<1000000x64xf32, #tpu.memory_space<hbm>>
    tpu.wait_indirect_dma semaphore(%arg15 : memref<!tpu.dma_semaphore, #tpu.memory_space<semaphore_mem>>) src(%dma_wait3A_189 : memref<1000000x64xf32, #tpu.memory_space<hbm>>) dst(%dma_wait3A_183 : memref<128x64xf32, #tpu.memory_space<vmem>>)
    %dma_wait3A_190 = arith.constant 1 : i32
    %dma_wait3A_191 = arith.constant 128 : i32
    %dma_wait3A_192 = arith.constant 0 : i32
    %dma_wait3A_193 = tpu.memref_slice %arg13[%dma_wait3A_191, %dma_wait3A_192] : memref<512x64xf32, #tpu.memory_space<vmem>> -> memref<128x64xf32, #tpu.memory_space<vmem>>
    %dma_wait3A_194 = arith.constant 0 : i32
    %dma_wait3A_195 = tpu.memref_slice %arg10[%dma_wait3A_190, %dma_wait3A_194] : memref<4x128xi32, #tpu.memory_space<vmem>> -> memref<1x128xi32, #tpu.memory_space<vmem>>
    %dma_wait3A_196 = tpu.memref_squeeze %dma_wait3A_195 : memref<1x128xi32, #tpu.memory_space<vmem>> -> memref<128xi32, #tpu.memory_space<vmem>>
    %dma_wait3A_197 = arith.constant 0 : i32
    %dma_wait3A_198 = arith.constant 0 : i32
    %dma_wait3A_199 = tpu.memref_slice %arg6[%dma_wait3A_197, %dma_wait3A_198] : memref<1000000x64xf32, #tpu.memory_space<hbm>> -> memref<1000000x64xf32, #tpu.memory_space<hbm>>
    tpu.wait_indirect_dma semaphore(%arg15 : memref<!tpu.dma_semaphore, #tpu.memory_space<semaphore_mem>>) src(%dma_wait3A_199 : memref<1000000x64xf32, #tpu.memory_space<hbm>>) dst(%dma_wait3A_193 : memref<128x64xf32, #tpu.memory_space<vmem>>)
    %dma_wait3A_200 = arith.constant 2 : i32
    %dma_wait3A_201 = arith.constant 256 : i32
    %dma_wait3A_202 = arith.constant 0 : i32
    %dma_wait3A_203 = tpu.memref_slice %arg11[%dma_wait3A_201, %dma_wait3A_202] : memref<512x64xf32, #tpu.memory_space<vmem>> -> memref<128x64xf32, #tpu.memory_space<vmem>>
    %dma_wait3A_204 = arith.constant 0 : i32
    %dma_wait3A_205 = tpu.memref_slice %arg8[%dma_wait3A_200, %dma_wait3A_204] : memref<4x128xi32, #tpu.memory_space<vmem>> -> memref<1x128xi32, #tpu.memory_space<vmem>>
    %dma_wait3A_206 = tpu.memref_squeeze %dma_wait3A_205 : memref<1x128xi32, #tpu.memory_space<vmem>> -> memref<128xi32, #tpu.memory_space<vmem>>
    %dma_wait3A_207 = arith.constant 0 : i32
    %dma_wait3A_208 = arith.constant 0 : i32
    %dma_wait3A_209 = tpu.memref_slice %arg5[%dma_wait3A_207, %dma_wait3A_208] : memref<1000000x64xf32, #tpu.memory_space<hbm>> -> memref<1000000x64xf32, #tpu.memory_space<hbm>>
    tpu.wait_indirect_dma semaphore(%arg15 : memref<!tpu.dma_semaphore, #tpu.memory_space<semaphore_mem>>) src(%dma_wait3A_209 : memref<1000000x64xf32, #tpu.memory_space<hbm>>) dst(%dma_wait3A_203 : memref<128x64xf32, #tpu.memory_space<vmem>>)
    %dma_wait3A_210 = arith.constant 2 : i32
    %dma_wait3A_211 = arith.constant 256 : i32
    %dma_wait3A_212 = arith.constant 0 : i32
    %dma_wait3A_213 = tpu.memref_slice %arg12[%dma_wait3A_211, %dma_wait3A_212] : memref<512x64xf32, #tpu.memory_space<vmem>> -> memref<128x64xf32, #tpu.memory_space<vmem>>
    %dma_wait3A_214 = arith.constant 0 : i32
    %dma_wait3A_215 = tpu.memref_slice %arg9[%dma_wait3A_210, %dma_wait3A_214] : memref<4x128xi32, #tpu.memory_space<vmem>> -> memref<1x128xi32, #tpu.memory_space<vmem>>
    %dma_wait3A_216 = tpu.memref_squeeze %dma_wait3A_215 : memref<1x128xi32, #tpu.memory_space<vmem>> -> memref<128xi32, #tpu.memory_space<vmem>>
    %dma_wait3A_217 = arith.constant 0 : i32
    %dma_wait3A_218 = arith.constant 0 : i32
    %dma_wait3A_219 = tpu.memref_slice %arg6[%dma_wait3A_217, %dma_wait3A_218] : memref<1000000x64xf32, #tpu.memory_space<hbm>> -> memref<1000000x64xf32, #tpu.memory_space<hbm>>
    tpu.wait_indirect_dma semaphore(%arg15 : memref<!tpu.dma_semaphore, #tpu.memory_space<semaphore_mem>>) src(%dma_wait3A_219 : memref<1000000x64xf32, #tpu.memory_space<hbm>>) dst(%dma_wait3A_213 : memref<128x64xf32, #tpu.memory_space<vmem>>)
    %dma_wait3A_220 = arith.constant 2 : i32
    %dma_wait3A_221 = arith.constant 256 : i32
    %dma_wait3A_222 = arith.constant 0 : i32
    %dma_wait3A_223 = tpu.memref_slice %arg13[%dma_wait3A_221, %dma_wait3A_222] : memref<512x64xf32, #tpu.memory_space<vmem>> -> memref<128x64xf32, #tpu.memory_space<vmem>>
    %dma_wait3A_224 = arith.constant 0 : i32
    %dma_wait3A_225 = tpu.memref_slice %arg10[%dma_wait3A_220, %dma_wait3A_224] : memref<4x128xi32, #tpu.memory_space<vmem>> -> memref<1x128xi32, #tpu.memory_space<vmem>>
    %dma_wait3A_226 = tpu.memref_squeeze %dma_wait3A_225 : memref<1x128xi32, #tpu.memory_space<vmem>> -> memref<128xi32, #tpu.memory_space<vmem>>
    %dma_wait3A_227 = arith.constant 0 : i32
    %dma_wait3A_228 = arith.constant 0 : i32
    %dma_wait3A_229 = tpu.memref_slice %arg6[%dma_wait3A_227, %dma_wait3A_228] : memref<1000000x64xf32, #tpu.memory_space<hbm>> -> memref<1000000x64xf32, #tpu.memory_space<hbm>>
    tpu.wait_indirect_dma semaphore(%arg15 : memref<!tpu.dma_semaphore, #tpu.memory_space<semaphore_mem>>) src(%dma_wait3A_229 : memref<1000000x64xf32, #tpu.memory_space<hbm>>) dst(%dma_wait3A_223 : memref<128x64xf32, #tpu.memory_space<vmem>>)
    %dma_wait3A_230 = arith.constant 3 : i32
    %dma_wait3A_231 = arith.constant 384 : i32
    %dma_wait3A_232 = arith.constant 0 : i32
    %dma_wait3A_233 = tpu.memref_slice %arg11[%dma_wait3A_231, %dma_wait3A_232] : memref<512x64xf32, #tpu.memory_space<vmem>> -> memref<128x64xf32, #tpu.memory_space<vmem>>
    %dma_wait3A_234 = arith.constant 0 : i32
    %dma_wait3A_235 = tpu.memref_slice %arg8[%dma_wait3A_230, %dma_wait3A_234] : memref<4x128xi32, #tpu.memory_space<vmem>> -> memref<1x128xi32, #tpu.memory_space<vmem>>
    %dma_wait3A_236 = tpu.memref_squeeze %dma_wait3A_235 : memref<1x128xi32, #tpu.memory_space<vmem>> -> memref<128xi32, #tpu.memory_space<vmem>>
    %dma_wait3A_237 = arith.constant 0 : i32
    %dma_wait3A_238 = arith.constant 0 : i32
    %dma_wait3A_239 = tpu.memref_slice %arg5[%dma_wait3A_237, %dma_wait3A_238] : memref<1000000x64xf32, #tpu.memory_space<hbm>> -> memref<1000000x64xf32, #tpu.memory_space<hbm>>
    tpu.wait_indirect_dma semaphore(%arg15 : memref<!tpu.dma_semaphore, #tpu.memory_space<semaphore_mem>>) src(%dma_wait3A_239 : memref<1000000x64xf32, #tpu.memory_space<hbm>>) dst(%dma_wait3A_233 : memref<128x64xf32, #tpu.memory_space<vmem>>)
    %dma_wait3A_240 = arith.constant 3 : i32
    %dma_wait3A_241 = arith.constant 384 : i32
    %dma_wait3A_242 = arith.constant 0 : i32
    %dma_wait3A_243 = tpu.memref_slice %arg12[%dma_wait3A_241, %dma_wait3A_242] : memref<512x64xf32, #tpu.memory_space<vmem>> -> memref<128x64xf32, #tpu.memory_space<vmem>>
    %dma_wait3A_244 = arith.constant 0 : i32
    %dma_wait3A_245 = tpu.memref_slice %arg9[%dma_wait3A_240, %dma_wait3A_244] : memref<4x128xi32, #tpu.memory_space<vmem>> -> memref<1x128xi32, #tpu.memory_space<vmem>>
    %dma_wait3A_246 = tpu.memref_squeeze %dma_wait3A_245 : memref<1x128xi32, #tpu.memory_space<vmem>> -> memref<128xi32, #tpu.memory_space<vmem>>
    %dma_wait3A_247 = arith.constant 0 : i32
    %dma_wait3A_248 = arith.constant 0 : i32
    %dma_wait3A_249 = tpu.memref_slice %arg6[%dma_wait3A_247, %dma_wait3A_248] : memref<1000000x64xf32, #tpu.memory_space<hbm>> -> memref<1000000x64xf32, #tpu.memory_space<hbm>>
    tpu.wait_indirect_dma semaphore(%arg15 : memref<!tpu.dma_semaphore, #tpu.memory_space<semaphore_mem>>) src(%dma_wait3A_249 : memref<1000000x64xf32, #tpu.memory_space<hbm>>) dst(%dma_wait3A_243 : memref<128x64xf32, #tpu.memory_space<vmem>>)
    %dma_wait3A_250 = arith.constant 3 : i32
    %dma_wait3A_251 = arith.constant 384 : i32
    %dma_wait3A_252 = arith.constant 0 : i32
    %dma_wait3A_253 = tpu.memref_slice %arg13[%dma_wait3A_251, %dma_wait3A_252] : memref<512x64xf32, #tpu.memory_space<vmem>> -> memref<128x64xf32, #tpu.memory_space<vmem>>
    %dma_wait3A_254 = arith.constant 0 : i32
    %dma_wait3A_255 = tpu.memref_slice %arg10[%dma_wait3A_250, %dma_wait3A_254] : memref<4x128xi32, #tpu.memory_space<vmem>> -> memref<1x128xi32, #tpu.memory_space<vmem>>
    %dma_wait3A_256 = tpu.memref_squeeze %dma_wait3A_255 : memref<1x128xi32, #tpu.memory_space<vmem>> -> memref<128xi32, #tpu.memory_space<vmem>>
    %dma_wait3A_257 = arith.constant 0 : i32
    %dma_wait3A_258 = arith.constant 0 : i32
    %dma_wait3A_259 = tpu.memref_slice %arg6[%dma_wait3A_257, %dma_wait3A_258] : memref<1000000x64xf32, #tpu.memory_space<hbm>> -> memref<1000000x64xf32, #tpu.memory_space<hbm>>
    tpu.wait_indirect_dma semaphore(%arg15 : memref<!tpu.dma_semaphore, #tpu.memory_space<semaphore_mem>>) src(%dma_wait3A_259 : memref<1000000x64xf32, #tpu.memory_space<hbm>>) dst(%dma_wait3A_253 : memref<128x64xf32, #tpu.memory_space<vmem>>)
    %iota3A = tpu.iota {dimensions = array<i32: 0>} : vector<16xi32>
    %scan3A = arith.constant 0 : i32
    %scan3A_260 = arith.constant 0 : i32
    %scan3A_261 = arith.constant 32 : i32
    %scan3A_262 = arith.addi %scan3A_260, %scan3A_261 : i32
    %scan3A_263 = arith.constant 1 : i32
    scf.for %scan3A_265 = %scan3A_260 to %scan3A_262 step %scan3A_263  : i32 {
      %broadcast_in_dim3A = arith.constant 0.000000e+00 : f32
      %broadcast_in_dim3A_266 = vector.broadcast %broadcast_in_dim3A : f32 to vector<16xf32>
      %mul3A_267 = arith.constant 16 : i32
      %mul3A_268 = arith.muli %scan3A_265, %mul3A_267 : i32
      %add3A_269 = arith.constant 0 : i32
      %add3A_270 = arith.addi %mul3A_268, %add3A_269 : i32
      %broadcast_in_dim3A_271 = arith.constant 0.000000e+00 : f32
      %broadcast_in_dim3A_272 = vector.broadcast %broadcast_in_dim3A_271 : f32 to vector<16xf32>
      %get3A = arith.index_cast %add3A_270 : i32 to index
      %get3A_273 = arith.constant 0 : index
      %get3A_274 = tpu.vector_load %arg11[%get3A, %get3A_273] {strides = array<i32>} : memref<512x64xf32, #tpu.memory_space<vmem>>, vector<16xf32>,
      %get3A_275 = arith.index_cast %add3A_270 : i32 to index
      %get3A_276 = arith.constant 0 : index
      %get3A_277 = tpu.vector_load %arg12[%get3A_275, %get3A_276] {strides = array<i32>} : memref<512x64xf32, #tpu.memory_space<vmem>>, vector<16xf32>,
      %get3A_278 = arith.index_cast %add3A_270 : i32 to index
      %get3A_279 = arith.constant 0 : index
      %get3A_280 = tpu.vector_load %arg13[%get3A_278, %get3A_279] {strides = array<i32>} : memref<512x64xf32, #tpu.memory_space<vmem>>, vector<16xf32>,
      %sub3A = arith.subf %get3A_277, %get3A_280 : vector<16xf32>
      %mul3A_281 = arith.mulf %get3A_274, %sub3A : vector<16xf32>
      %add3A_282 = arith.addf %broadcast_in_dim3A_272, %mul3A_281 : vector<16xf32>
      %get3A_283 = arith.index_cast %add3A_270 : i32 to index
      %get3A_284 = arith.constant 16 : index
      %get3A_285 = tpu.vector_load %arg11[%get3A_283, %get3A_284] {strides = array<i32>} : memref<512x64xf32, #tpu.memory_space<vmem>>, vector<16xf32>,
      %get3A_286 = arith.index_cast %add3A_270 : i32 to index
      %get3A_287 = arith.constant 16 : index
      %get3A_288 = tpu.vector_load %arg12[%get3A_286, %get3A_287] {strides = array<i32>} : memref<512x64xf32, #tpu.memory_space<vmem>>, vector<16xf32>,
      %get3A_289 = arith.index_cast %add3A_270 : i32 to index
      %get3A_290 = arith.constant 16 : index
      %get3A_291 = tpu.vector_load %arg13[%get3A_289, %get3A_290] {strides = array<i32>} : memref<512x64xf32, #tpu.memory_space<vmem>>, vector<16xf32>,
      %sub3A_292 = arith.subf %get3A_288, %get3A_291 : vector<16xf32>
      %mul3A_293 = arith.mulf %get3A_285, %sub3A_292 : vector<16xf32>
      %add3A_294 = arith.addf %add3A_282, %mul3A_293 : vector<16xf32>
      %get3A_295 = arith.index_cast %add3A_270 : i32 to index
      %get3A_296 = arith.constant 32 : index
      %get3A_297 = tpu.vector_load %arg11[%get3A_295, %get3A_296] {strides = array<i32>} : memref<512x64xf32, #tpu.memory_space<vmem>>, vector<16xf32>,
      %get3A_298 = arith.index_cast %add3A_270 : i32 to index
      %get3A_299 = arith.constant 32 : index
      %get3A_300 = tpu.vector_load %arg12[%get3A_298, %get3A_299] {strides = array<i32>} : memref<512x64xf32, #tpu.memory_space<vmem>>, vector<16xf32>,
      %get3A_301 = arith.index_cast %add3A_270 : i32 to index
      %get3A_302 = arith.constant 32 : index
      %get3A_303 = tpu.vector_load %arg13[%get3A_301, %get3A_302] {strides = array<i32>} : memref<512x64xf32, #tpu.memory_space<vmem>>, vector<16xf32>,
      %sub3A_304 = arith.subf %get3A_300, %get3A_303 : vector<16xf32>
      %mul3A_305 = arith.mulf %get3A_297, %sub3A_304 : vector<16xf32>
      %add3A_306 = arith.addf %add3A_294, %mul3A_305 : vector<16xf32>
      %get3A_307 = arith.index_cast %add3A_270 : i32 to index
      %get3A_308 = arith.constant 48 : index
      %get3A_309 = tpu.vector_load %arg11[%get3A_307, %get3A_308] {strides = array<i32>} : memref<512x64xf32, #tpu.memory_space<vmem>>, vector<16xf32>,
      %get3A_310 = arith.index_cast %add3A_270 : i32 to index
      %get3A_311 = arith.constant 48 : index
      %get3A_312 = tpu.vector_load %arg12[%get3A_310, %get3A_311] {strides = array<i32>} : memref<512x64xf32, #tpu.memory_space<vmem>>, vector<16xf32>,
      %get3A_313 = arith.index_cast %add3A_270 : i32 to index
      %get3A_314 = arith.constant 48 : index
      %get3A_315 = tpu.vector_load %arg13[%get3A_313, %get3A_314] {strides = array<i32>} : memref<512x64xf32, #tpu.memory_space<vmem>>, vector<16xf32>,
      %sub3A_316 = arith.subf %get3A_312, %get3A_315 : vector<16xf32>
      %mul3A_317 = arith.mulf %get3A_309, %sub3A_316 : vector<16xf32>
      %add3A_318 = arith.addf %add3A_306, %mul3A_317 : vector<16xf32>
      %eq3A = arith.constant 0 : i32
      %eq3A_319 = vector.broadcast %eq3A : i32 to vector<16xi32>
      %eq3A_320 = arith.cmpi eq, %iota3A, %eq3A_319 : vector<16xi32>
      %reduce_sum3A = arith.constant true
      %reduce_sum3A_321 = vector.broadcast %reduce_sum3A : i1 to vector<16xi1>
      %reduce_sum3A_322 = tpu.scan <sum>, %add3A_318 masked %reduce_sum3A_321 : vector<16xf32>, vector<16xi1> -> vector<16xf32>
      %reduce_sum3A_323 = vector.extract %reduce_sum3A_322[15] : f32 from vector<16xf32>
      %broadcast_in_dim3A_324 = vector.broadcast %reduce_sum3A_323 : f32 to vector<16xf32>
      %select_n3A = arith.select %eq3A_320, %broadcast_in_dim3A_324, %broadcast_in_dim3A_266 : vector<16xi1>, vector<16xf32>
      %mul3A_325 = arith.constant 16 : i32
      %mul3A_326 = arith.muli %scan3A_265, %mul3A_325 : i32
      %add3A_327 = arith.constant 1 : i32
      %add3A_328 = arith.addi %mul3A_326, %add3A_327 : i32
      %broadcast_in_dim3A_329 = arith.constant 0.000000e+00 : f32
      %broadcast_in_dim3A_330 = vector.broadcast %broadcast_in_dim3A_329 : f32 to vector<16xf32>
      %get3A_331 = arith.index_cast %add3A_328 : i32 to index
      %get3A_332 = arith.constant 0 : index
      %get3A_333 = tpu.vector_load %arg11[%get3A_331, %get3A_332] {strides = array<i32>} : memref<512x64xf32, #tpu.memory_space<vmem>>, vector<16xf32>,
      %get3A_334 = arith.index_cast %add3A_328 : i32 to index
      %get3A_335 = arith.constant 0 : index
      %get3A_336 = tpu.vector_load %arg12[%get3A_334, %get3A_335] {strides = array<i32>} : memref<512x64xf32, #tpu.memory_space<vmem>>, vector<16xf32>,
      %get3A_337 = arith.index_cast %add3A_328 : i32 to index
      %get3A_338 = arith.constant 0 : index
      %get3A_339 = tpu.vector_load %arg13[%get3A_337, %get3A_338] {strides = array<i32>} : memref<512x64xf32, #tpu.memory_space<vmem>>, vector<16xf32>,
      %sub3A_340 = arith.subf %get3A_336, %get3A_339 : vector<16xf32>
      %mul3A_341 = arith.mulf %get3A_333, %sub3A_340 : vector<16xf32>
      %add3A_342 = arith.addf %broadcast_in_dim3A_330, %mul3A_341 : vector<16xf32>
      %get3A_343 = arith.index_cast %add3A_328 : i32 to index
      %get3A_344 = arith.constant 16 : index
      %get3A_345 = tpu.vector_load %arg11[%get3A_343, %get3A_344] {strides = array<i32>} : memref<512x64xf32, #tpu.memory_space<vmem>>, vector<16xf32>,
      %get3A_346 = arith.index_cast %add3A_328 : i32 to index
      %get3A_347 = arith.constant 16 : index
      %get3A_348 = tpu.vector_load %arg12[%get3A_346, %get3A_347] {strides = array<i32>} : memref<512x64xf32, #tpu.memory_space<vmem>>, vector<16xf32>,
      %get3A_349 = arith.index_cast %add3A_328 : i32 to index
      %get3A_350 = arith.constant 16 : index
      %get3A_351 = tpu.vector_load %arg13[%get3A_349, %get3A_350] {strides = array<i32>} : memref<512x64xf32, #tpu.memory_space<vmem>>, vector<16xf32>,
      %sub3A_352 = arith.subf %get3A_348, %get3A_351 : vector<16xf32>
      %mul3A_353 = arith.mulf %get3A_345, %sub3A_352 : vector<16xf32>
      %add3A_354 = arith.addf %add3A_342, %mul3A_353 : vector<16xf32>
      %get3A_355 = arith.index_cast %add3A_328 : i32 to index
      %get3A_356 = arith.constant 32 : index
      %get3A_357 = tpu.vector_load %arg11[%get3A_355, %get3A_356] {strides = array<i32>} : memref<512x64xf32, #tpu.memory_space<vmem>>, vector<16xf32>,
      %get3A_358 = arith.index_cast %add3A_328 : i32 to index
      %get3A_359 = arith.constant 32 : index
      %get3A_360 = tpu.vector_load %arg12[%get3A_358, %get3A_359] {strides = array<i32>} : memref<512x64xf32, #tpu.memory_space<vmem>>, vector<16xf32>,
      %get3A_361 = arith.index_cast %add3A_328 : i32 to index
      %get3A_362 = arith.constant 32 : index
      %get3A_363 = tpu.vector_load %arg13[%get3A_361, %get3A_362] {strides = array<i32>} : memref<512x64xf32, #tpu.memory_space<vmem>>, vector<16xf32>,
      %sub3A_364 = arith.subf %get3A_360, %get3A_363 : vector<16xf32>
      %mul3A_365 = arith.mulf %get3A_357, %sub3A_364 : vector<16xf32>
      %add3A_366 = arith.addf %add3A_354, %mul3A_365 : vector<16xf32>
      %get3A_367 = arith.index_cast %add3A_328 : i32 to index
      %get3A_368 = arith.constant 48 : index
      %get3A_369 = tpu.vector_load %arg11[%get3A_367, %get3A_368] {strides = array<i32>} : memref<512x64xf32, #tpu.memory_space<vmem>>, vector<16xf32>,
      %get3A_370 = arith.index_cast %add3A_328 : i32 to index
      %get3A_371 = arith.constant 48 : index
      %get3A_372 = tpu.vector_load %arg12[%get3A_370, %get3A_371] {strides = array<i32>} : memref<512x64xf32, #tpu.memory_space<vmem>>, vector<16xf32>,
      %get3A_373 = arith.index_cast %add3A_328 : i32 to index
      %get3A_374 = arith.constant 48 : index
      %get3A_375 = tpu.vector_load %arg13[%get3A_373, %get3A_374] {strides = array<i32>} : memref<512x64xf32, #tpu.memory_space<vmem>>, vector<16xf32>,
      %sub3A_376 = arith.subf %get3A_372, %get3A_375 : vector<16xf32>
      %mul3A_377 = arith.mulf %get3A_369, %sub3A_376 : vector<16xf32>
      %add3A_378 = arith.addf %add3A_366, %mul3A_377 : vector<16xf32>
      %eq3A_379 = arith.constant 1 : i32
      %eq3A_380 = vector.broadcast %eq3A_379 : i32 to vector<16xi32>
      %eq3A_381 = arith.cmpi eq, %iota3A, %eq3A_380 : vector<16xi32>
      %reduce_sum3A_382 = arith.constant true
      %reduce_sum3A_383 = vector.broadcast %reduce_sum3A_382 : i1 to vector<16xi1>
      %reduce_sum3A_384 = tpu.scan <sum>, %add3A_378 masked %reduce_sum3A_383 : vector<16xf32>, vector<16xi1> -> vector<16xf32>
      %reduce_sum3A_385 = vector.extract %reduce_sum3A_384[15] : f32 from vector<16xf32>
      %broadcast_in_dim3A_386 = vector.broadcast %reduce_sum3A_385 : f32 to vector<16xf32>
      %select_n3A_387 = arith.select %eq3A_381, %broadcast_in_dim3A_386, %select_n3A : vector<16xi1>, vector<16xf32>
      %mul3A_388 = arith.constant 16 : i32
      %mul3A_389 = arith.muli %scan3A_265, %mul3A_388 : i32
      %add3A_390 = arith.constant 2 : i32
      %add3A_391 = arith.addi %mul3A_389, %add3A_390 : i32
      %broadcast_in_dim3A_392 = arith.constant 0.000000e+00 : f32
      %broadcast_in_dim3A_393 = vector.broadcast %broadcast_in_dim3A_392 : f32 to vector<16xf32>
      %get3A_394 = arith.index_cast %add3A_391 : i32 to index
      %get3A_395 = arith.constant 0 : index
      %get3A_396 = tpu.vector_load %arg11[%get3A_394, %get3A_395] {strides = array<i32>} : memref<512x64xf32, #tpu.memory_space<vmem>>, vector<16xf32>,
      %get3A_397 = arith.index_cast %add3A_391 : i32 to index
      %get3A_398 = arith.constant 0 : index
      %get3A_399 = tpu.vector_load %arg12[%get3A_397, %get3A_398] {strides = array<i32>} : memref<512x64xf32, #tpu.memory_space<vmem>>, vector<16xf32>,
      %get3A_400 = arith.index_cast %add3A_391 : i32 to index
      %get3A_401 = arith.constant 0 : index
      %get3A_402 = tpu.vector_load %arg13[%get3A_400, %get3A_401] {strides = array<i32>} : memref<512x64xf32, #tpu.memory_space<vmem>>, vector<16xf32>,
      %sub3A_403 = arith.subf %get3A_399, %get3A_402 : vector<16xf32>
      %mul3A_404 = arith.mulf %get3A_396, %sub3A_403 : vector<16xf32>
      %add3A_405 = arith.addf %broadcast_in_dim3A_393, %mul3A_404 : vector<16xf32>
      %get3A_406 = arith.index_cast %add3A_391 : i32 to index
      %get3A_407 = arith.constant 16 : index
      %get3A_408 = tpu.vector_load %arg11[%get3A_406, %get3A_407] {strides = array<i32>} : memref<512x64xf32, #tpu.memory_space<vmem>>, vector<16xf32>,
      %get3A_409 = arith.index_cast %add3A_391 : i32 to index
      %get3A_410 = arith.constant 16 : index
      %get3A_411 = tpu.vector_load %arg12[%get3A_409, %get3A_410] {strides = array<i32>} : memref<512x64xf32, #tpu.memory_space<vmem>>, vector<16xf32>,
      %get3A_412 = arith.index_cast %add3A_391 : i32 to index
      %get3A_413 = arith.constant 16 : index
      %get3A_414 = tpu.vector_load %arg13[%get3A_412, %get3A_413] {strides = array<i32>} : memref<512x64xf32, #tpu.memory_space<vmem>>, vector<16xf32>,
      %sub3A_415 = arith.subf %get3A_411, %get3A_414 : vector<16xf32>
      %mul3A_416 = arith.mulf %get3A_408, %sub3A_415 : vector<16xf32>
      %add3A_417 = arith.addf %add3A_405, %mul3A_416 : vector<16xf32>
      %get3A_418 = arith.index_cast %add3A_391 : i32 to index
      %get3A_419 = arith.constant 32 : index
      %get3A_420 = tpu.vector_load %arg11[%get3A_418, %get3A_419] {strides = array<i32>} : memref<512x64xf32, #tpu.memory_space<vmem>>, vector<16xf32>,
      %get3A_421 = arith.index_cast %add3A_391 : i32 to index
      %get3A_422 = arith.constant 32 : index
      %get3A_423 = tpu.vector_load %arg12[%get3A_421, %get3A_422] {strides = array<i32>} : memref<512x64xf32, #tpu.memory_space<vmem>>, vector<16xf32>,
      %get3A_424 = arith.index_cast %add3A_391 : i32 to index
      %get3A_425 = arith.constant 32 : index
      %get3A_426 = tpu.vector_load %arg13[%get3A_424, %get3A_425] {strides = array<i32>} : memref<512x64xf32, #tpu.memory_space<vmem>>, vector<16xf32>,
      %sub3A_427 = arith.subf %get3A_423, %get3A_426 : vector<16xf32>
      %mul3A_428 = arith.mulf %get3A_420, %sub3A_427 : vector<16xf32>
      %add3A_429 = arith.addf %add3A_417, %mul3A_428 : vector<16xf32>
      %get3A_430 = arith.index_cast %add3A_391 : i32 to index
      %get3A_431 = arith.constant 48 : index
      %get3A_432 = tpu.vector_load %arg11[%get3A_430, %get3A_431] {strides = array<i32>} : memref<512x64xf32, #tpu.memory_space<vmem>>, vector<16xf32>,
      %get3A_433 = arith.index_cast %add3A_391 : i32 to index
      %get3A_434 = arith.constant 48 : index
      %get3A_435 = tpu.vector_load %arg12[%get3A_433, %get3A_434] {strides = array<i32>} : memref<512x64xf32, #tpu.memory_space<vmem>>, vector<16xf32>,
      %get3A_436 = arith.index_cast %add3A_391 : i32 to index
      %get3A_437 = arith.constant 48 : index
      %get3A_438 = tpu.vector_load %arg13[%get3A_436, %get3A_437] {strides = array<i32>} : memref<512x64xf32, #tpu.memory_space<vmem>>, vector<16xf32>,
      %sub3A_439 = arith.subf %get3A_435, %get3A_438 : vector<16xf32>
      %mul3A_440 = arith.mulf %get3A_432, %sub3A_439 : vector<16xf32>
      %add3A_441 = arith.addf %add3A_429, %mul3A_440 : vector<16xf32>
      %eq3A_442 = arith.constant 2 : i32
      %eq3A_443 = vector.broadcast %eq3A_442 : i32 to vector<16xi32>
      %eq3A_444 = arith.cmpi eq, %iota3A, %eq3A_443 : vector<16xi32>
      %reduce_sum3A_445 = arith.constant true
      %reduce_sum3A_446 = vector.broadcast %reduce_sum3A_445 : i1 to vector<16xi1>
      %reduce_sum3A_447 = tpu.scan <sum>, %add3A_441 masked %reduce_sum3A_446 : vector<16xf32>, vector<16xi1> -> vector<16xf32>
      %reduce_sum3A_448 = vector.extract %reduce_sum3A_447[15] : f32 from vector<16xf32>
      %broadcast_in_dim3A_449 = vector.broadcast %reduce_sum3A_448 : f32 to vector<16xf32>
      %select_n3A_450 = arith.select %eq3A_444, %broadcast_in_dim3A_449, %select_n3A_387 : vector<16xi1>, vector<16xf32>
      %mul3A_451 = arith.constant 16 : i32
      %mul3A_452 = arith.muli %scan3A_265, %mul3A_451 : i32
      %add3A_453 = arith.constant 3 : i32
      %add3A_454 = arith.addi %mul3A_452, %add3A_453 : i32
      %broadcast_in_dim3A_455 = arith.constant 0.000000e+00 : f32
      %broadcast_in_dim3A_456 = vector.broadcast %broadcast_in_dim3A_455 : f32 to vector<16xf32>
      %get3A_457 = arith.index_cast %add3A_454 : i32 to index
      %get3A_458 = arith.constant 0 : index
      %get3A_459 = tpu.vector_load %arg11[%get3A_457, %get3A_458] {strides = array<i32>} : memref<512x64xf32, #tpu.memory_space<vmem>>, vector<16xf32>,
      %get3A_460 = arith.index_cast %add3A_454 : i32 to index
      %get3A_461 = arith.constant 0 : index
      %get3A_462 = tpu.vector_load %arg12[%get3A_460, %get3A_461] {strides = array<i32>} : memref<512x64xf32, #tpu.memory_space<vmem>>, vector<16xf32>,
      %get3A_463 = arith.index_cast %add3A_454 : i32 to index
      %get3A_464 = arith.constant 0 : index
      %get3A_465 = tpu.vector_load %arg13[%get3A_463, %get3A_464] {strides = array<i32>} : memref<512x64xf32, #tpu.memory_space<vmem>>, vector<16xf32>,
      %sub3A_466 = arith.subf %get3A_462, %get3A_465 : vector<16xf32>
      %mul3A_467 = arith.mulf %get3A_459, %sub3A_466 : vector<16xf32>
      %add3A_468 = arith.addf %broadcast_in_dim3A_456, %mul3A_467 : vector<16xf32>
      %get3A_469 = arith.index_cast %add3A_454 : i32 to index
      %get3A_470 = arith.constant 16 : index
      %get3A_471 = tpu.vector_load %arg11[%get3A_469, %get3A_470] {strides = array<i32>} : memref<512x64xf32, #tpu.memory_space<vmem>>, vector<16xf32>,
      %get3A_472 = arith.index_cast %add3A_454 : i32 to index
      %get3A_473 = arith.constant 16 : index
      %get3A_474 = tpu.vector_load %arg12[%get3A_472, %get3A_473] {strides = array<i32>} : memref<512x64xf32, #tpu.memory_space<vmem>>, vector<16xf32>,
      %get3A_475 = arith.index_cast %add3A_454 : i32 to index
      %get3A_476 = arith.constant 16 : index
      %get3A_477 = tpu.vector_load %arg13[%get3A_475, %get3A_476] {strides = array<i32>} : memref<512x64xf32, #tpu.memory_space<vmem>>, vector<16xf32>,
      %sub3A_478 = arith.subf %get3A_474, %get3A_477 : vector<16xf32>
      %mul3A_479 = arith.mulf %get3A_471, %sub3A_478 : vector<16xf32>
      %add3A_480 = arith.addf %add3A_468, %mul3A_479 : vector<16xf32>
      %get3A_481 = arith.index_cast %add3A_454 : i32 to index
      %get3A_482 = arith.constant 32 : index
      %get3A_483 = tpu.vector_load %arg11[%get3A_481, %get3A_482] {strides = array<i32>} : memref<512x64xf32, #tpu.memory_space<vmem>>, vector<16xf32>,
      %get3A_484 = arith.index_cast %add3A_454 : i32 to index
      %get3A_485 = arith.constant 32 : index
      %get3A_486 = tpu.vector_load %arg12[%get3A_484, %get3A_485] {strides = array<i32>} : memref<512x64xf32, #tpu.memory_space<vmem>>, vector<16xf32>,
      %get3A_487 = arith.index_cast %add3A_454 : i32 to index
      %get3A_488 = arith.constant 32 : index
      %get3A_489 = tpu.vector_load %arg13[%get3A_487, %get3A_488] {strides = array<i32>} : memref<512x64xf32, #tpu.memory_space<vmem>>, vector<16xf32>,
      %sub3A_490 = arith.subf %get3A_486, %get3A_489 : vector<16xf32>
      %mul3A_491 = arith.mulf %get3A_483, %sub3A_490 : vector<16xf32>
      %add3A_492 = arith.addf %add3A_480, %mul3A_491 : vector<16xf32>
      %get3A_493 = arith.index_cast %add3A_454 : i32 to index
      %get3A_494 = arith.constant 48 : index
      %get3A_495 = tpu.vector_load %arg11[%get3A_493, %get3A_494] {strides = array<i32>} : memref<512x64xf32, #tpu.memory_space<vmem>>, vector<16xf32>,
      %get3A_496 = arith.index_cast %add3A_454 : i32 to index
      %get3A_497 = arith.constant 48 : index
      %get3A_498 = tpu.vector_load %arg12[%get3A_496, %get3A_497] {strides = array<i32>} : memref<512x64xf32, #tpu.memory_space<vmem>>, vector<16xf32>,
      %get3A_499 = arith.index_cast %add3A_454 : i32 to index
      %get3A_500 = arith.constant 48 : index
      %get3A_501 = tpu.vector_load %arg13[%get3A_499, %get3A_500] {strides = array<i32>} : memref<512x64xf32, #tpu.memory_space<vmem>>, vector<16xf32>,
      %sub3A_502 = arith.subf %get3A_498, %get3A_501 : vector<16xf32>
      %mul3A_503 = arith.mulf %get3A_495, %sub3A_502 : vector<16xf32>
      %add3A_504 = arith.addf %add3A_492, %mul3A_503 : vector<16xf32>
      %eq3A_505 = arith.constant 3 : i32
      %eq3A_506 = vector.broadcast %eq3A_505 : i32 to vector<16xi32>
      %eq3A_507 = arith.cmpi eq, %iota3A, %eq3A_506 : vector<16xi32>
      %reduce_sum3A_508 = arith.constant true
      %reduce_sum3A_509 = vector.broadcast %reduce_sum3A_508 : i1 to vector<16xi1>
      %reduce_sum3A_510 = tpu.scan <sum>, %add3A_504 masked %reduce_sum3A_509 : vector<16xf32>, vector<16xi1> -> vector<16xf32>
      %reduce_sum3A_511 = vector.extract %reduce_sum3A_510[15] : f32 from vector<16xf32>
      %broadcast_in_dim3A_512 = vector.broadcast %reduce_sum3A_511 : f32 to vector<16xf32>
      %select_n3A_513 = arith.select %eq3A_507, %broadcast_in_dim3A_512, %select_n3A_450 : vector<16xi1>, vector<16xf32>
      %mul3A_514 = arith.constant 16 : i32
      %mul3A_515 = arith.muli %scan3A_265, %mul3A_514 : i32
      %add3A_516 = arith.constant 4 : i32
      %add3A_517 = arith.addi %mul3A_515, %add3A_516 : i32
      %broadcast_in_dim3A_518 = arith.constant 0.000000e+00 : f32
      %broadcast_in_dim3A_519 = vector.broadcast %broadcast_in_dim3A_518 : f32 to vector<16xf32>
      %get3A_520 = arith.index_cast %add3A_517 : i32 to index
      %get3A_521 = arith.constant 0 : index
      %get3A_522 = tpu.vector_load %arg11[%get3A_520, %get3A_521] {strides = array<i32>} : memref<512x64xf32, #tpu.memory_space<vmem>>, vector<16xf32>,
      %get3A_523 = arith.index_cast %add3A_517 : i32 to index
      %get3A_524 = arith.constant 0 : index
      %get3A_525 = tpu.vector_load %arg12[%get3A_523, %get3A_524] {strides = array<i32>} : memref<512x64xf32, #tpu.memory_space<vmem>>, vector<16xf32>,
      %get3A_526 = arith.index_cast %add3A_517 : i32 to index
      %get3A_527 = arith.constant 0 : index
      %get3A_528 = tpu.vector_load %arg13[%get3A_526, %get3A_527] {strides = array<i32>} : memref<512x64xf32, #tpu.memory_space<vmem>>, vector<16xf32>,
      %sub3A_529 = arith.subf %get3A_525, %get3A_528 : vector<16xf32>
      %mul3A_530 = arith.mulf %get3A_522, %sub3A_529 : vector<16xf32>
      %add3A_531 = arith.addf %broadcast_in_dim3A_519, %mul3A_530 : vector<16xf32>
      %get3A_532 = arith.index_cast %add3A_517 : i32 to index
      %get3A_533 = arith.constant 16 : index
      %get3A_534 = tpu.vector_load %arg11[%get3A_532, %get3A_533] {strides = array<i32>} : memref<512x64xf32, #tpu.memory_space<vmem>>, vector<16xf32>,
      %get3A_535 = arith.index_cast %add3A_517 : i32 to index
      %get3A_536 = arith.constant 16 : index
      %get3A_537 = tpu.vector_load %arg12[%get3A_535, %get3A_536] {strides = array<i32>} : memref<512x64xf32, #tpu.memory_space<vmem>>, vector<16xf32>,
      %get3A_538 = arith.index_cast %add3A_517 : i32 to index
      %get3A_539 = arith.constant 16 : index
      %get3A_540 = tpu.vector_load %arg13[%get3A_538, %get3A_539] {strides = array<i32>} : memref<512x64xf32, #tpu.memory_space<vmem>>, vector<16xf32>,
      %sub3A_541 = arith.subf %get3A_537, %get3A_540 : vector<16xf32>
      %mul3A_542 = arith.mulf %get3A_534, %sub3A_541 : vector<16xf32>
      %add3A_543 = arith.addf %add3A_531, %mul3A_542 : vector<16xf32>
      %get3A_544 = arith.index_cast %add3A_517 : i32 to index
      %get3A_545 = arith.constant 32 : index
      %get3A_546 = tpu.vector_load %arg11[%get3A_544, %get3A_545] {strides = array<i32>} : memref<512x64xf32, #tpu.memory_space<vmem>>, vector<16xf32>,
      %get3A_547 = arith.index_cast %add3A_517 : i32 to index
      %get3A_548 = arith.constant 32 : index
      %get3A_549 = tpu.vector_load %arg12[%get3A_547, %get3A_548] {strides = array<i32>} : memref<512x64xf32, #tpu.memory_space<vmem>>, vector<16xf32>,
      %get3A_550 = arith.index_cast %add3A_517 : i32 to index
      %get3A_551 = arith.constant 32 : index
      %get3A_552 = tpu.vector_load %arg13[%get3A_550, %get3A_551] {strides = array<i32>} : memref<512x64xf32, #tpu.memory_space<vmem>>, vector<16xf32>,
      %sub3A_553 = arith.subf %get3A_549, %get3A_552 : vector<16xf32>
      %mul3A_554 = arith.mulf %get3A_546, %sub3A_553 : vector<16xf32>
      %add3A_555 = arith.addf %add3A_543, %mul3A_554 : vector<16xf32>
      %get3A_556 = arith.index_cast %add3A_517 : i32 to index
      %get3A_557 = arith.constant 48 : index
      %get3A_558 = tpu.vector_load %arg11[%get3A_556, %get3A_557] {strides = array<i32>} : memref<512x64xf32, #tpu.memory_space<vmem>>, vector<16xf32>,
      %get3A_559 = arith.index_cast %add3A_517 : i32 to index
      %get3A_560 = arith.constant 48 : index
      %get3A_561 = tpu.vector_load %arg12[%get3A_559, %get3A_560] {strides = array<i32>} : memref<512x64xf32, #tpu.memory_space<vmem>>, vector<16xf32>,
      %get3A_562 = arith.index_cast %add3A_517 : i32 to index
      %get3A_563 = arith.constant 48 : index
      %get3A_564 = tpu.vector_load %arg13[%get3A_562, %get3A_563] {strides = array<i32>} : memref<512x64xf32, #tpu.memory_space<vmem>>, vector<16xf32>,
      %sub3A_565 = arith.subf %get3A_561, %get3A_564 : vector<16xf32>
      %mul3A_566 = arith.mulf %get3A_558, %sub3A_565 : vector<16xf32>
      %add3A_567 = arith.addf %add3A_555, %mul3A_566 : vector<16xf32>
      %eq3A_568 = arith.constant 4 : i32
      %eq3A_569 = vector.broadcast %eq3A_568 : i32 to vector<16xi32>
      %eq3A_570 = arith.cmpi eq, %iota3A, %eq3A_569 : vector<16xi32>
      %reduce_sum3A_571 = arith.constant true
      %reduce_sum3A_572 = vector.broadcast %reduce_sum3A_571 : i1 to vector<16xi1>
      %reduce_sum3A_573 = tpu.scan <sum>, %add3A_567 masked %reduce_sum3A_572 : vector<16xf32>, vector<16xi1> -> vector<16xf32>
      %reduce_sum3A_574 = vector.extract %reduce_sum3A_573[15] : f32 from vector<16xf32>
      %broadcast_in_dim3A_575 = vector.broadcast %reduce_sum3A_574 : f32 to vector<16xf32>
      %select_n3A_576 = arith.select %eq3A_570, %broadcast_in_dim3A_575, %select_n3A_513 : vector<16xi1>, vector<16xf32>
      %mul3A_577 = arith.constant 16 : i32
      %mul3A_578 = arith.muli %scan3A_265, %mul3A_577 : i32
      %add3A_579 = arith.constant 5 : i32
      %add3A_580 = arith.addi %mul3A_578, %add3A_579 : i32
      %broadcast_in_dim3A_581 = arith.constant 0.000000e+00 : f32
      %broadcast_in_dim3A_582 = vector.broadcast %broadcast_in_dim3A_581 : f32 to vector<16xf32>
      %get3A_583 = arith.index_cast %add3A_580 : i32 to index
      %get3A_584 = arith.constant 0 : index
      %get3A_585 = tpu.vector_load %arg11[%get3A_583, %get3A_584] {strides = array<i32>} : memref<512x64xf32, #tpu.memory_space<vmem>>, vector<16xf32>,
      %get3A_586 = arith.index_cast %add3A_580 : i32 to index
      %get3A_587 = arith.constant 0 : index
      %get3A_588 = tpu.vector_load %arg12[%get3A_586, %get3A_587] {strides = array<i32>} : memref<512x64xf32, #tpu.memory_space<vmem>>, vector<16xf32>,
      %get3A_589 = arith.index_cast %add3A_580 : i32 to index
      %get3A_590 = arith.constant 0 : index
      %get3A_591 = tpu.vector_load %arg13[%get3A_589, %get3A_590] {strides = array<i32>} : memref<512x64xf32, #tpu.memory_space<vmem>>, vector<16xf32>,
      %sub3A_592 = arith.subf %get3A_588, %get3A_591 : vector<16xf32>
      %mul3A_593 = arith.mulf %get3A_585, %sub3A_592 : vector<16xf32>
      %add3A_594 = arith.addf %broadcast_in_dim3A_582, %mul3A_593 : vector<16xf32>
      %get3A_595 = arith.index_cast %add3A_580 : i32 to index
      %get3A_596 = arith.constant 16 : index
      %get3A_597 = tpu.vector_load %arg11[%get3A_595, %get3A_596] {strides = array<i32>} : memref<512x64xf32, #tpu.memory_space<vmem>>, vector<16xf32>,
      %get3A_598 = arith.index_cast %add3A_580 : i32 to index
      %get3A_599 = arith.constant 16 : index
      %get3A_600 = tpu.vector_load %arg12[%get3A_598, %get3A_599] {strides = array<i32>} : memref<512x64xf32, #tpu.memory_space<vmem>>, vector<16xf32>,
      %get3A_601 = arith.index_cast %add3A_580 : i32 to index
      %get3A_602 = arith.constant 16 : index
      %get3A_603 = tpu.vector_load %arg13[%get3A_601, %get3A_602] {strides = array<i32>} : memref<512x64xf32, #tpu.memory_space<vmem>>, vector<16xf32>,
      %sub3A_604 = arith.subf %get3A_600, %get3A_603 : vector<16xf32>
      %mul3A_605 = arith.mulf %get3A_597, %sub3A_604 : vector<16xf32>
      %add3A_606 = arith.addf %add3A_594, %mul3A_605 : vector<16xf32>
      %get3A_607 = arith.index_cast %add3A_580 : i32 to index
      %get3A_608 = arith.constant 32 : index
      %get3A_609 = tpu.vector_load %arg11[%get3A_607, %get3A_608] {strides = array<i32>} : memref<512x64xf32, #tpu.memory_space<vmem>>, vector<16xf32>,
      %get3A_610 = arith.index_cast %add3A_580 : i32 to index
      %get3A_611 = arith.constant 32 : index
      %get3A_612 = tpu.vector_load %arg12[%get3A_610, %get3A_611] {strides = array<i32>} : memref<512x64xf32, #tpu.memory_space<vmem>>, vector<16xf32>,
      %get3A_613 = arith.index_cast %add3A_580 : i32 to index
      %get3A_614 = arith.constant 32 : index
      %get3A_615 = tpu.vector_load %arg13[%get3A_613, %get3A_614] {strides = array<i32>} : memref<512x64xf32, #tpu.memory_space<vmem>>, vector<16xf32>,
      %sub3A_616 = arith.subf %get3A_612, %get3A_615 : vector<16xf32>
      %mul3A_617 = arith.mulf %get3A_609, %sub3A_616 : vector<16xf32>
      %add3A_618 = arith.addf %add3A_606, %mul3A_617 : vector<16xf32>
      %get3A_619 = arith.index_cast %add3A_580 : i32 to index
      %get3A_620 = arith.constant 48 : index
      %get3A_621 = tpu.vector_load %arg11[%get3A_619, %get3A_620] {strides = array<i32>} : memref<512x64xf32, #tpu.memory_space<vmem>>, vector<16xf32>,
      %get3A_622 = arith.index_cast %add3A_580 : i32 to index
      %get3A_623 = arith.constant 48 : index
      %get3A_624 = tpu.vector_load %arg12[%get3A_622, %get3A_623] {strides = array<i32>} : memref<512x64xf32, #tpu.memory_space<vmem>>, vector<16xf32>,
      %get3A_625 = arith.index_cast %add3A_580 : i32 to index
      %get3A_626 = arith.constant 48 : index
      %get3A_627 = tpu.vector_load %arg13[%get3A_625, %get3A_626] {strides = array<i32>} : memref<512x64xf32, #tpu.memory_space<vmem>>, vector<16xf32>,
      %sub3A_628 = arith.subf %get3A_624, %get3A_627 : vector<16xf32>
      %mul3A_629 = arith.mulf %get3A_621, %sub3A_628 : vector<16xf32>
      %add3A_630 = arith.addf %add3A_618, %mul3A_629 : vector<16xf32>
      %eq3A_631 = arith.constant 5 : i32
      %eq3A_632 = vector.broadcast %eq3A_631 : i32 to vector<16xi32>
      %eq3A_633 = arith.cmpi eq, %iota3A, %eq3A_632 : vector<16xi32>
      %reduce_sum3A_634 = arith.constant true
      %reduce_sum3A_635 = vector.broadcast %reduce_sum3A_634 : i1 to vector<16xi1>
      %reduce_sum3A_636 = tpu.scan <sum>, %add3A_630 masked %reduce_sum3A_635 : vector<16xf32>, vector<16xi1> -> vector<16xf32>
      %reduce_sum3A_637 = vector.extract %reduce_sum3A_636[15] : f32 from vector<16xf32>
      %broadcast_in_dim3A_638 = vector.broadcast %reduce_sum3A_637 : f32 to vector<16xf32>
      %select_n3A_639 = arith.select %eq3A_633, %broadcast_in_dim3A_638, %select_n3A_576 : vector<16xi1>, vector<16xf32>
      %mul3A_640 = arith.constant 16 : i32
      %mul3A_641 = arith.muli %scan3A_265, %mul3A_640 : i32
      %add3A_642 = arith.constant 6 : i32
      %add3A_643 = arith.addi %mul3A_641, %add3A_642 : i32
      %broadcast_in_dim3A_644 = arith.constant 0.000000e+00 : f32
      %broadcast_in_dim3A_645 = vector.broadcast %broadcast_in_dim3A_644 : f32 to vector<16xf32>
      %get3A_646 = arith.index_cast %add3A_643 : i32 to index
      %get3A_647 = arith.constant 0 : index
      %get3A_648 = tpu.vector_load %arg11[%get3A_646, %get3A_647] {strides = array<i32>} : memref<512x64xf32, #tpu.memory_space<vmem>>, vector<16xf32>,
      %get3A_649 = arith.index_cast %add3A_643 : i32 to index
      %get3A_650 = arith.constant 0 : index
      %get3A_651 = tpu.vector_load %arg12[%get3A_649, %get3A_650] {strides = array<i32>} : memref<512x64xf32, #tpu.memory_space<vmem>>, vector<16xf32>,
      %get3A_652 = arith.index_cast %add3A_643 : i32 to index
      %get3A_653 = arith.constant 0 : index
      %get3A_654 = tpu.vector_load %arg13[%get3A_652, %get3A_653] {strides = array<i32>} : memref<512x64xf32, #tpu.memory_space<vmem>>, vector<16xf32>,
      %sub3A_655 = arith.subf %get3A_651, %get3A_654 : vector<16xf32>
      %mul3A_656 = arith.mulf %get3A_648, %sub3A_655 : vector<16xf32>
      %add3A_657 = arith.addf %broadcast_in_dim3A_645, %mul3A_656 : vector<16xf32>
      %get3A_658 = arith.index_cast %add3A_643 : i32 to index
      %get3A_659 = arith.constant 16 : index
      %get3A_660 = tpu.vector_load %arg11[%get3A_658, %get3A_659] {strides = array<i32>} : memref<512x64xf32, #tpu.memory_space<vmem>>, vector<16xf32>,
      %get3A_661 = arith.index_cast %add3A_643 : i32 to index
      %get3A_662 = arith.constant 16 : index
      %get3A_663 = tpu.vector_load %arg12[%get3A_661, %get3A_662] {strides = array<i32>} : memref<512x64xf32, #tpu.memory_space<vmem>>, vector<16xf32>,
      %get3A_664 = arith.index_cast %add3A_643 : i32 to index
      %get3A_665 = arith.constant 16 : index
      %get3A_666 = tpu.vector_load %arg13[%get3A_664, %get3A_665] {strides = array<i32>} : memref<512x64xf32, #tpu.memory_space<vmem>>, vector<16xf32>,
      %sub3A_667 = arith.subf %get3A_663, %get3A_666 : vector<16xf32>
      %mul3A_668 = arith.mulf %get3A_660, %sub3A_667 : vector<16xf32>
      %add3A_669 = arith.addf %add3A_657, %mul3A_668 : vector<16xf32>
      %get3A_670 = arith.index_cast %add3A_643 : i32 to index
      %get3A_671 = arith.constant 32 : index
      %get3A_672 = tpu.vector_load %arg11[%get3A_670, %get3A_671] {strides = array<i32>} : memref<512x64xf32, #tpu.memory_space<vmem>>, vector<16xf32>,
      %get3A_673 = arith.index_cast %add3A_643 : i32 to index
      %get3A_674 = arith.constant 32 : index
      %get3A_675 = tpu.vector_load %arg12[%get3A_673, %get3A_674] {strides = array<i32>} : memref<512x64xf32, #tpu.memory_space<vmem>>, vector<16xf32>,
      %get3A_676 = arith.index_cast %add3A_643 : i32 to index
      %get3A_677 = arith.constant 32 : index
      %get3A_678 = tpu.vector_load %arg13[%get3A_676, %get3A_677] {strides = array<i32>} : memref<512x64xf32, #tpu.memory_space<vmem>>, vector<16xf32>,
      %sub3A_679 = arith.subf %get3A_675, %get3A_678 : vector<16xf32>
      %mul3A_680 = arith.mulf %get3A_672, %sub3A_679 : vector<16xf32>
      %add3A_681 = arith.addf %add3A_669, %mul3A_680 : vector<16xf32>
      %get3A_682 = arith.index_cast %add3A_643 : i32 to index
      %get3A_683 = arith.constant 48 : index
      %get3A_684 = tpu.vector_load %arg11[%get3A_682, %get3A_683] {strides = array<i32>} : memref<512x64xf32, #tpu.memory_space<vmem>>, vector<16xf32>,
      %get3A_685 = arith.index_cast %add3A_643 : i32 to index
      %get3A_686 = arith.constant 48 : index
      %get3A_687 = tpu.vector_load %arg12[%get3A_685, %get3A_686] {strides = array<i32>} : memref<512x64xf32, #tpu.memory_space<vmem>>, vector<16xf32>,
      %get3A_688 = arith.index_cast %add3A_643 : i32 to index
      %get3A_689 = arith.constant 48 : index
      %get3A_690 = tpu.vector_load %arg13[%get3A_688, %get3A_689] {strides = array<i32>} : memref<512x64xf32, #tpu.memory_space<vmem>>, vector<16xf32>,
      %sub3A_691 = arith.subf %get3A_687, %get3A_690 : vector<16xf32>
      %mul3A_692 = arith.mulf %get3A_684, %sub3A_691 : vector<16xf32>
      %add3A_693 = arith.addf %add3A_681, %mul3A_692 : vector<16xf32>
      %eq3A_694 = arith.constant 6 : i32
      %eq3A_695 = vector.broadcast %eq3A_694 : i32 to vector<16xi32>
      %eq3A_696 = arith.cmpi eq, %iota3A, %eq3A_695 : vector<16xi32>
      %reduce_sum3A_697 = arith.constant true
      %reduce_sum3A_698 = vector.broadcast %reduce_sum3A_697 : i1 to vector<16xi1>
      %reduce_sum3A_699 = tpu.scan <sum>, %add3A_693 masked %reduce_sum3A_698 : vector<16xf32>, vector<16xi1> -> vector<16xf32>
      %reduce_sum3A_700 = vector.extract %reduce_sum3A_699[15] : f32 from vector<16xf32>
      %broadcast_in_dim3A_701 = vector.broadcast %reduce_sum3A_700 : f32 to vector<16xf32>
      %select_n3A_702 = arith.select %eq3A_696, %broadcast_in_dim3A_701, %select_n3A_639 : vector<16xi1>, vector<16xf32>
      %mul3A_703 = arith.constant 16 : i32
      %mul3A_704 = arith.muli %scan3A_265, %mul3A_703 : i32
      %add3A_705 = arith.constant 7 : i32
      %add3A_706 = arith.addi %mul3A_704, %add3A_705 : i32
      %broadcast_in_dim3A_707 = arith.constant 0.000000e+00 : f32
      %broadcast_in_dim3A_708 = vector.broadcast %broadcast_in_dim3A_707 : f32 to vector<16xf32>
      %get3A_709 = arith.index_cast %add3A_706 : i32 to index
      %get3A_710 = arith.constant 0 : index
      %get3A_711 = tpu.vector_load %arg11[%get3A_709, %get3A_710] {strides = array<i32>} : memref<512x64xf32, #tpu.memory_space<vmem>>, vector<16xf32>,
      %get3A_712 = arith.index_cast %add3A_706 : i32 to index
      %get3A_713 = arith.constant 0 : index
      %get3A_714 = tpu.vector_load %arg12[%get3A_712, %get3A_713] {strides = array<i32>} : memref<512x64xf32, #tpu.memory_space<vmem>>, vector<16xf32>,
      %get3A_715 = arith.index_cast %add3A_706 : i32 to index
      %get3A_716 = arith.constant 0 : index
      %get3A_717 = tpu.vector_load %arg13[%get3A_715, %get3A_716] {strides = array<i32>} : memref<512x64xf32, #tpu.memory_space<vmem>>, vector<16xf32>,
      %sub3A_718 = arith.subf %get3A_714, %get3A_717 : vector<16xf32>
      %mul3A_719 = arith.mulf %get3A_711, %sub3A_718 : vector<16xf32>
      %add3A_720 = arith.addf %broadcast_in_dim3A_708, %mul3A_719 : vector<16xf32>
      %get3A_721 = arith.index_cast %add3A_706 : i32 to index
      %get3A_722 = arith.constant 16 : index
      %get3A_723 = tpu.vector_load %arg11[%get3A_721, %get3A_722] {strides = array<i32>} : memref<512x64xf32, #tpu.memory_space<vmem>>, vector<16xf32>,
      %get3A_724 = arith.index_cast %add3A_706 : i32 to index
      %get3A_725 = arith.constant 16 : index
      %get3A_726 = tpu.vector_load %arg12[%get3A_724, %get3A_725] {strides = array<i32>} : memref<512x64xf32, #tpu.memory_space<vmem>>, vector<16xf32>,
      %get3A_727 = arith.index_cast %add3A_706 : i32 to index
      %get3A_728 = arith.constant 16 : index
      %get3A_729 = tpu.vector_load %arg13[%get3A_727, %get3A_728] {strides = array<i32>} : memref<512x64xf32, #tpu.memory_space<vmem>>, vector<16xf32>,
      %sub3A_730 = arith.subf %get3A_726, %get3A_729 : vector<16xf32>
      %mul3A_731 = arith.mulf %get3A_723, %sub3A_730 : vector<16xf32>
      %add3A_732 = arith.addf %add3A_720, %mul3A_731 : vector<16xf32>
      %get3A_733 = arith.index_cast %add3A_706 : i32 to index
      %get3A_734 = arith.constant 32 : index
      %get3A_735 = tpu.vector_load %arg11[%get3A_733, %get3A_734] {strides = array<i32>} : memref<512x64xf32, #tpu.memory_space<vmem>>, vector<16xf32>,
      %get3A_736 = arith.index_cast %add3A_706 : i32 to index
      %get3A_737 = arith.constant 32 : index
      %get3A_738 = tpu.vector_load %arg12[%get3A_736, %get3A_737] {strides = array<i32>} : memref<512x64xf32, #tpu.memory_space<vmem>>, vector<16xf32>,
      %get3A_739 = arith.index_cast %add3A_706 : i32 to index
      %get3A_740 = arith.constant 32 : index
      %get3A_741 = tpu.vector_load %arg13[%get3A_739, %get3A_740] {strides = array<i32>} : memref<512x64xf32, #tpu.memory_space<vmem>>, vector<16xf32>,
      %sub3A_742 = arith.subf %get3A_738, %get3A_741 : vector<16xf32>
      %mul3A_743 = arith.mulf %get3A_735, %sub3A_742 : vector<16xf32>
      %add3A_744 = arith.addf %add3A_732, %mul3A_743 : vector<16xf32>
      %get3A_745 = arith.index_cast %add3A_706 : i32 to index
      %get3A_746 = arith.constant 48 : index
      %get3A_747 = tpu.vector_load %arg11[%get3A_745, %get3A_746] {strides = array<i32>} : memref<512x64xf32, #tpu.memory_space<vmem>>, vector<16xf32>,
      %get3A_748 = arith.index_cast %add3A_706 : i32 to index
      %get3A_749 = arith.constant 48 : index
      %get3A_750 = tpu.vector_load %arg12[%get3A_748, %get3A_749] {strides = array<i32>} : memref<512x64xf32, #tpu.memory_space<vmem>>, vector<16xf32>,
      %get3A_751 = arith.index_cast %add3A_706 : i32 to index
      %get3A_752 = arith.constant 48 : index
      %get3A_753 = tpu.vector_load %arg13[%get3A_751, %get3A_752] {strides = array<i32>} : memref<512x64xf32, #tpu.memory_space<vmem>>, vector<16xf32>,
      %sub3A_754 = arith.subf %get3A_750, %get3A_753 : vector<16xf32>
      %mul3A_755 = arith.mulf %get3A_747, %sub3A_754 : vector<16xf32>
      %add3A_756 = arith.addf %add3A_744, %mul3A_755 : vector<16xf32>
      %eq3A_757 = arith.constant 7 : i32
      %eq3A_758 = vector.broadcast %eq3A_757 : i32 to vector<16xi32>
      %eq3A_759 = arith.cmpi eq, %iota3A, %eq3A_758 : vector<16xi32>
      %reduce_sum3A_760 = arith.constant true
      %reduce_sum3A_761 = vector.broadcast %reduce_sum3A_760 : i1 to vector<16xi1>
      %reduce_sum3A_762 = tpu.scan <sum>, %add3A_756 masked %reduce_sum3A_761 : vector<16xf32>, vector<16xi1> -> vector<16xf32>
      %reduce_sum3A_763 = vector.extract %reduce_sum3A_762[15] : f32 from vector<16xf32>
      %broadcast_in_dim3A_764 = vector.broadcast %reduce_sum3A_763 : f32 to vector<16xf32>
      %select_n3A_765 = arith.select %eq3A_759, %broadcast_in_dim3A_764, %select_n3A_702 : vector<16xi1>, vector<16xf32>
      %mul3A_766 = arith.constant 16 : i32
      %mul3A_767 = arith.muli %scan3A_265, %mul3A_766 : i32
      %add3A_768 = arith.constant 8 : i32
      %add3A_769 = arith.addi %mul3A_767, %add3A_768 : i32
      %broadcast_in_dim3A_770 = arith.constant 0.000000e+00 : f32
      %broadcast_in_dim3A_771 = vector.broadcast %broadcast_in_dim3A_770 : f32 to vector<16xf32>
      %get3A_772 = arith.index_cast %add3A_769 : i32 to index
      %get3A_773 = arith.constant 0 : index
      %get3A_774 = tpu.vector_load %arg11[%get3A_772, %get3A_773] {strides = array<i32>} : memref<512x64xf32, #tpu.memory_space<vmem>>, vector<16xf32>,
      %get3A_775 = arith.index_cast %add3A_769 : i32 to index
      %get3A_776 = arith.constant 0 : index
      %get3A_777 = tpu.vector_load %arg12[%get3A_775, %get3A_776] {strides = array<i32>} : memref<512x64xf32, #tpu.memory_space<vmem>>, vector<16xf32>,
      %get3A_778 = arith.index_cast %add3A_769 : i32 to index
      %get3A_779 = arith.constant 0 : index
      %get3A_780 = tpu.vector_load %arg13[%get3A_778, %get3A_779] {strides = array<i32>} : memref<512x64xf32, #tpu.memory_space<vmem>>, vector<16xf32>,
      %sub3A_781 = arith.subf %get3A_777, %get3A_780 : vector<16xf32>
      %mul3A_782 = arith.mulf %get3A_774, %sub3A_781 : vector<16xf32>
      %add3A_783 = arith.addf %broadcast_in_dim3A_771, %mul3A_782 : vector<16xf32>
      %get3A_784 = arith.index_cast %add3A_769 : i32 to index
      %get3A_785 = arith.constant 16 : index
      %get3A_786 = tpu.vector_load %arg11[%get3A_784, %get3A_785] {strides = array<i32>} : memref<512x64xf32, #tpu.memory_space<vmem>>, vector<16xf32>,
      %get3A_787 = arith.index_cast %add3A_769 : i32 to index
      %get3A_788 = arith.constant 16 : index
      %get3A_789 = tpu.vector_load %arg12[%get3A_787, %get3A_788] {strides = array<i32>} : memref<512x64xf32, #tpu.memory_space<vmem>>, vector<16xf32>,
      %get3A_790 = arith.index_cast %add3A_769 : i32 to index
      %get3A_791 = arith.constant 16 : index
      %get3A_792 = tpu.vector_load %arg13[%get3A_790, %get3A_791] {strides = array<i32>} : memref<512x64xf32, #tpu.memory_space<vmem>>, vector<16xf32>,
      %sub3A_793 = arith.subf %get3A_789, %get3A_792 : vector<16xf32>
      %mul3A_794 = arith.mulf %get3A_786, %sub3A_793 : vector<16xf32>
      %add3A_795 = arith.addf %add3A_783, %mul3A_794 : vector<16xf32>
      %get3A_796 = arith.index_cast %add3A_769 : i32 to index
      %get3A_797 = arith.constant 32 : index
      %get3A_798 = tpu.vector_load %arg11[%get3A_796, %get3A_797] {strides = array<i32>} : memref<512x64xf32, #tpu.memory_space<vmem>>, vector<16xf32>,
      %get3A_799 = arith.index_cast %add3A_769 : i32 to index
      %get3A_800 = arith.constant 32 : index
      %get3A_801 = tpu.vector_load %arg12[%get3A_799, %get3A_800] {strides = array<i32>} : memref<512x64xf32, #tpu.memory_space<vmem>>, vector<16xf32>,
      %get3A_802 = arith.index_cast %add3A_769 : i32 to index
      %get3A_803 = arith.constant 32 : index
      %get3A_804 = tpu.vector_load %arg13[%get3A_802, %get3A_803] {strides = array<i32>} : memref<512x64xf32, #tpu.memory_space<vmem>>, vector<16xf32>,
      %sub3A_805 = arith.subf %get3A_801, %get3A_804 : vector<16xf32>
      %mul3A_806 = arith.mulf %get3A_798, %sub3A_805 : vector<16xf32>
      %add3A_807 = arith.addf %add3A_795, %mul3A_806 : vector<16xf32>
      %get3A_808 = arith.index_cast %add3A_769 : i32 to index
      %get3A_809 = arith.constant 48 : index
      %get3A_810 = tpu.vector_load %arg11[%get3A_808, %get3A_809] {strides = array<i32>} : memref<512x64xf32, #tpu.memory_space<vmem>>, vector<16xf32>,
      %get3A_811 = arith.index_cast %add3A_769 : i32 to index
      %get3A_812 = arith.constant 48 : index
      %get3A_813 = tpu.vector_load %arg12[%get3A_811, %get3A_812] {strides = array<i32>} : memref<512x64xf32, #tpu.memory_space<vmem>>, vector<16xf32>,
      %get3A_814 = arith.index_cast %add3A_769 : i32 to index
      %get3A_815 = arith.constant 48 : index
      %get3A_816 = tpu.vector_load %arg13[%get3A_814, %get3A_815] {strides = array<i32>} : memref<512x64xf32, #tpu.memory_space<vmem>>, vector<16xf32>,
      %sub3A_817 = arith.subf %get3A_813, %get3A_816 : vector<16xf32>
      %mul3A_818 = arith.mulf %get3A_810, %sub3A_817 : vector<16xf32>
      %add3A_819 = arith.addf %add3A_807, %mul3A_818 : vector<16xf32>
      %eq3A_820 = arith.constant 8 : i32
      %eq3A_821 = vector.broadcast %eq3A_820 : i32 to vector<16xi32>
      %eq3A_822 = arith.cmpi eq, %iota3A, %eq3A_821 : vector<16xi32>
      %reduce_sum3A_823 = arith.constant true
      %reduce_sum3A_824 = vector.broadcast %reduce_sum3A_823 : i1 to vector<16xi1>
      %reduce_sum3A_825 = tpu.scan <sum>, %add3A_819 masked %reduce_sum3A_824 : vector<16xf32>, vector<16xi1> -> vector<16xf32>
      %reduce_sum3A_826 = vector.extract %reduce_sum3A_825[15] : f32 from vector<16xf32>
      %broadcast_in_dim3A_827 = vector.broadcast %reduce_sum3A_826 : f32 to vector<16xf32>
      %select_n3A_828 = arith.select %eq3A_822, %broadcast_in_dim3A_827, %select_n3A_765 : vector<16xi1>, vector<16xf32>
      %mul3A_829 = arith.constant 16 : i32
      %mul3A_830 = arith.muli %scan3A_265, %mul3A_829 : i32
      %add3A_831 = arith.constant 9 : i32
      %add3A_832 = arith.addi %mul3A_830, %add3A_831 : i32
      %broadcast_in_dim3A_833 = arith.constant 0.000000e+00 : f32
      %broadcast_in_dim3A_834 = vector.broadcast %broadcast_in_dim3A_833 : f32 to vector<16xf32>
      %get3A_835 = arith.index_cast %add3A_832 : i32 to index
      %get3A_836 = arith.constant 0 : index
      %get3A_837 = tpu.vector_load %arg11[%get3A_835, %get3A_836] {strides = array<i32>} : memref<512x64xf32, #tpu.memory_space<vmem>>, vector<16xf32>,
      %get3A_838 = arith.index_cast %add3A_832 : i32 to index
      %get3A_839 = arith.constant 0 : index
      %get3A_840 = tpu.vector_load %arg12[%get3A_838, %get3A_839] {strides = array<i32>} : memref<512x64xf32, #tpu.memory_space<vmem>>, vector<16xf32>,
      %get3A_841 = arith.index_cast %add3A_832 : i32 to index
      %get3A_842 = arith.constant 0 : index
      %get3A_843 = tpu.vector_load %arg13[%get3A_841, %get3A_842] {strides = array<i32>} : memref<512x64xf32, #tpu.memory_space<vmem>>, vector<16xf32>,
      %sub3A_844 = arith.subf %get3A_840, %get3A_843 : vector<16xf32>
      %mul3A_845 = arith.mulf %get3A_837, %sub3A_844 : vector<16xf32>
      %add3A_846 = arith.addf %broadcast_in_dim3A_834, %mul3A_845 : vector<16xf32>
      %get3A_847 = arith.index_cast %add3A_832 : i32 to index
      %get3A_848 = arith.constant 16 : index
      %get3A_849 = tpu.vector_load %arg11[%get3A_847, %get3A_848] {strides = array<i32>} : memref<512x64xf32, #tpu.memory_space<vmem>>, vector<16xf32>,
      %get3A_850 = arith.index_cast %add3A_832 : i32 to index
      %get3A_851 = arith.constant 16 : index
      %get3A_852 = tpu.vector_load %arg12[%get3A_850, %get3A_851] {strides = array<i32>} : memref<512x64xf32, #tpu.memory_space<vmem>>, vector<16xf32>,
      %get3A_853 = arith.index_cast %add3A_832 : i32 to index
      %get3A_854 = arith.constant 16 : index
      %get3A_855 = tpu.vector_load %arg13[%get3A_853, %get3A_854] {strides = array<i32>} : memref<512x64xf32, #tpu.memory_space<vmem>>, vector<16xf32>,
      %sub3A_856 = arith.subf %get3A_852, %get3A_855 : vector<16xf32>
      %mul3A_857 = arith.mulf %get3A_849, %sub3A_856 : vector<16xf32>
      %add3A_858 = arith.addf %add3A_846, %mul3A_857 : vector<16xf32>
      %get3A_859 = arith.index_cast %add3A_832 : i32 to index
      %get3A_860 = arith.constant 32 : index
      %get3A_861 = tpu.vector_load %arg11[%get3A_859, %get3A_860] {strides = array<i32>} : memref<512x64xf32, #tpu.memory_space<vmem>>, vector<16xf32>,
      %get3A_862 = arith.index_cast %add3A_832 : i32 to index
      %get3A_863 = arith.constant 32 : index
      %get3A_864 = tpu.vector_load %arg12[%get3A_862, %get3A_863] {strides = array<i32>} : memref<512x64xf32, #tpu.memory_space<vmem>>, vector<16xf32>,
      %get3A_865 = arith.index_cast %add3A_832 : i32 to index
      %get3A_866 = arith.constant 32 : index
      %get3A_867 = tpu.vector_load %arg13[%get3A_865, %get3A_866] {strides = array<i32>} : memref<512x64xf32, #tpu.memory_space<vmem>>, vector<16xf32>,
      %sub3A_868 = arith.subf %get3A_864, %get3A_867 : vector<16xf32>
      %mul3A_869 = arith.mulf %get3A_861, %sub3A_868 : vector<16xf32>
      %add3A_870 = arith.addf %add3A_858, %mul3A_869 : vector<16xf32>
      %get3A_871 = arith.index_cast %add3A_832 : i32 to index
      %get3A_872 = arith.constant 48 : index
      %get3A_873 = tpu.vector_load %arg11[%get3A_871, %get3A_872] {strides = array<i32>} : memref<512x64xf32, #tpu.memory_space<vmem>>, vector<16xf32>,
      %get3A_874 = arith.index_cast %add3A_832 : i32 to index
      %get3A_875 = arith.constant 48 : index
      %get3A_876 = tpu.vector_load %arg12[%get3A_874, %get3A_875] {strides = array<i32>} : memref<512x64xf32, #tpu.memory_space<vmem>>, vector<16xf32>,
      %get3A_877 = arith.index_cast %add3A_832 : i32 to index
      %get3A_878 = arith.constant 48 : index
      %get3A_879 = tpu.vector_load %arg13[%get3A_877, %get3A_878] {strides = array<i32>} : memref<512x64xf32, #tpu.memory_space<vmem>>, vector<16xf32>,
      %sub3A_880 = arith.subf %get3A_876, %get3A_879 : vector<16xf32>
      %mul3A_881 = arith.mulf %get3A_873, %sub3A_880 : vector<16xf32>
      %add3A_882 = arith.addf %add3A_870, %mul3A_881 : vector<16xf32>
      %eq3A_883 = arith.constant 9 : i32
      %eq3A_884 = vector.broadcast %eq3A_883 : i32 to vector<16xi32>
      %eq3A_885 = arith.cmpi eq, %iota3A, %eq3A_884 : vector<16xi32>
      %reduce_sum3A_886 = arith.constant true
      %reduce_sum3A_887 = vector.broadcast %reduce_sum3A_886 : i1 to vector<16xi1>
      %reduce_sum3A_888 = tpu.scan <sum>, %add3A_882 masked %reduce_sum3A_887 : vector<16xf32>, vector<16xi1> -> vector<16xf32>
      %reduce_sum3A_889 = vector.extract %reduce_sum3A_888[15] : f32 from vector<16xf32>
      %broadcast_in_dim3A_890 = vector.broadcast %reduce_sum3A_889 : f32 to vector<16xf32>
      %select_n3A_891 = arith.select %eq3A_885, %broadcast_in_dim3A_890, %select_n3A_828 : vector<16xi1>, vector<16xf32>
      %mul3A_892 = arith.constant 16 : i32
      %mul3A_893 = arith.muli %scan3A_265, %mul3A_892 : i32
      %add3A_894 = arith.constant 10 : i32
      %add3A_895 = arith.addi %mul3A_893, %add3A_894 : i32
      %broadcast_in_dim3A_896 = arith.constant 0.000000e+00 : f32
      %broadcast_in_dim3A_897 = vector.broadcast %broadcast_in_dim3A_896 : f32 to vector<16xf32>
      %get3A_898 = arith.index_cast %add3A_895 : i32 to index
      %get3A_899 = arith.constant 0 : index
      %get3A_900 = tpu.vector_load %arg11[%get3A_898, %get3A_899] {strides = array<i32>} : memref<512x64xf32, #tpu.memory_space<vmem>>, vector<16xf32>,
      %get3A_901 = arith.index_cast %add3A_895 : i32 to index
      %get3A_902 = arith.constant 0 : index
      %get3A_903 = tpu.vector_load %arg12[%get3A_901, %get3A_902] {strides = array<i32>} : memref<512x64xf32, #tpu.memory_space<vmem>>, vector<16xf32>,
      %get3A_904 = arith.index_cast %add3A_895 : i32 to index
      %get3A_905 = arith.constant 0 : index
      %get3A_906 = tpu.vector_load %arg13[%get3A_904, %get3A_905] {strides = array<i32>} : memref<512x64xf32, #tpu.memory_space<vmem>>, vector<16xf32>,
      %sub3A_907 = arith.subf %get3A_903, %get3A_906 : vector<16xf32>
      %mul3A_908 = arith.mulf %get3A_900, %sub3A_907 : vector<16xf32>
      %add3A_909 = arith.addf %broadcast_in_dim3A_897, %mul3A_908 : vector<16xf32>
      %get3A_910 = arith.index_cast %add3A_895 : i32 to index
      %get3A_911 = arith.constant 16 : index
      %get3A_912 = tpu.vector_load %arg11[%get3A_910, %get3A_911] {strides = array<i32>} : memref<512x64xf32, #tpu.memory_space<vmem>>, vector<16xf32>,
      %get3A_913 = arith.index_cast %add3A_895 : i32 to index
      %get3A_914 = arith.constant 16 : index
      %get3A_915 = tpu.vector_load %arg12[%get3A_913, %get3A_914] {strides = array<i32>} : memref<512x64xf32, #tpu.memory_space<vmem>>, vector<16xf32>,
      %get3A_916 = arith.index_cast %add3A_895 : i32 to index
      %get3A_917 = arith.constant 16 : index
      %get3A_918 = tpu.vector_load %arg13[%get3A_916, %get3A_917] {strides = array<i32>} : memref<512x64xf32, #tpu.memory_space<vmem>>, vector<16xf32>,
      %sub3A_919 = arith.subf %get3A_915, %get3A_918 : vector<16xf32>
      %mul3A_920 = arith.mulf %get3A_912, %sub3A_919 : vector<16xf32>
      %add3A_921 = arith.addf %add3A_909, %mul3A_920 : vector<16xf32>
      %get3A_922 = arith.index_cast %add3A_895 : i32 to index
      %get3A_923 = arith.constant 32 : index
      %get3A_924 = tpu.vector_load %arg11[%get3A_922, %get3A_923] {strides = array<i32>} : memref<512x64xf32, #tpu.memory_space<vmem>>, vector<16xf32>,
      %get3A_925 = arith.index_cast %add3A_895 : i32 to index
      %get3A_926 = arith.constant 32 : index
      %get3A_927 = tpu.vector_load %arg12[%get3A_925, %get3A_926] {strides = array<i32>} : memref<512x64xf32, #tpu.memory_space<vmem>>, vector<16xf32>,
      %get3A_928 = arith.index_cast %add3A_895 : i32 to index
      %get3A_929 = arith.constant 32 : index
      %get3A_930 = tpu.vector_load %arg13[%get3A_928, %get3A_929] {strides = array<i32>} : memref<512x64xf32, #tpu.memory_space<vmem>>, vector<16xf32>,
      %sub3A_931 = arith.subf %get3A_927, %get3A_930 : vector<16xf32>
      %mul3A_932 = arith.mulf %get3A_924, %sub3A_931 : vector<16xf32>
      %add3A_933 = arith.addf %add3A_921, %mul3A_932 : vector<16xf32>
      %get3A_934 = arith.index_cast %add3A_895 : i32 to index
      %get3A_935 = arith.constant 48 : index
      %get3A_936 = tpu.vector_load %arg11[%get3A_934, %get3A_935] {strides = array<i32>} : memref<512x64xf32, #tpu.memory_space<vmem>>, vector<16xf32>,
      %get3A_937 = arith.index_cast %add3A_895 : i32 to index
      %get3A_938 = arith.constant 48 : index
      %get3A_939 = tpu.vector_load %arg12[%get3A_937, %get3A_938] {strides = array<i32>} : memref<512x64xf32, #tpu.memory_space<vmem>>, vector<16xf32>,
      %get3A_940 = arith.index_cast %add3A_895 : i32 to index
      %get3A_941 = arith.constant 48 : index
      %get3A_942 = tpu.vector_load %arg13[%get3A_940, %get3A_941] {strides = array<i32>} : memref<512x64xf32, #tpu.memory_space<vmem>>, vector<16xf32>,
      %sub3A_943 = arith.subf %get3A_939, %get3A_942 : vector<16xf32>
      %mul3A_944 = arith.mulf %get3A_936, %sub3A_943 : vector<16xf32>
      %add3A_945 = arith.addf %add3A_933, %mul3A_944 : vector<16xf32>
      %eq3A_946 = arith.constant 10 : i32
      %eq3A_947 = vector.broadcast %eq3A_946 : i32 to vector<16xi32>
      %eq3A_948 = arith.cmpi eq, %iota3A, %eq3A_947 : vector<16xi32>
      %reduce_sum3A_949 = arith.constant true
      %reduce_sum3A_950 = vector.broadcast %reduce_sum3A_949 : i1 to vector<16xi1>
      %reduce_sum3A_951 = tpu.scan <sum>, %add3A_945 masked %reduce_sum3A_950 : vector<16xf32>, vector<16xi1> -> vector<16xf32>
      %reduce_sum3A_952 = vector.extract %reduce_sum3A_951[15] : f32 from vector<16xf32>
      %broadcast_in_dim3A_953 = vector.broadcast %reduce_sum3A_952 : f32 to vector<16xf32>
      %select_n3A_954 = arith.select %eq3A_948, %broadcast_in_dim3A_953, %select_n3A_891 : vector<16xi1>, vector<16xf32>
      %mul3A_955 = arith.constant 16 : i32
      %mul3A_956 = arith.muli %scan3A_265, %mul3A_955 : i32
      %add3A_957 = arith.constant 11 : i32
      %add3A_958 = arith.addi %mul3A_956, %add3A_957 : i32
      %broadcast_in_dim3A_959 = arith.constant 0.000000e+00 : f32
      %broadcast_in_dim3A_960 = vector.broadcast %broadcast_in_dim3A_959 : f32 to vector<16xf32>
      %get3A_961 = arith.index_cast %add3A_958 : i32 to index
      %get3A_962 = arith.constant 0 : index
      %get3A_963 = tpu.vector_load %arg11[%get3A_961, %get3A_962] {strides = array<i32>} : memref<512x64xf32, #tpu.memory_space<vmem>>, vector<16xf32>,
      %get3A_964 = arith.index_cast %add3A_958 : i32 to index
      %get3A_965 = arith.constant 0 : index
      %get3A_966 = tpu.vector_load %arg12[%get3A_964, %get3A_965] {strides = array<i32>} : memref<512x64xf32, #tpu.memory_space<vmem>>, vector<16xf32>,
      %get3A_967 = arith.index_cast %add3A_958 : i32 to index
      %get3A_968 = arith.constant 0 : index
      %get3A_969 = tpu.vector_load %arg13[%get3A_967, %get3A_968] {strides = array<i32>} : memref<512x64xf32, #tpu.memory_space<vmem>>, vector<16xf32>,
      %sub3A_970 = arith.subf %get3A_966, %get3A_969 : vector<16xf32>
      %mul3A_971 = arith.mulf %get3A_963, %sub3A_970 : vector<16xf32>
      %add3A_972 = arith.addf %broadcast_in_dim3A_960, %mul3A_971 : vector<16xf32>
      %get3A_973 = arith.index_cast %add3A_958 : i32 to index
      %get3A_974 = arith.constant 16 : index
      %get3A_975 = tpu.vector_load %arg11[%get3A_973, %get3A_974] {strides = array<i32>} : memref<512x64xf32, #tpu.memory_space<vmem>>, vector<16xf32>,
      %get3A_976 = arith.index_cast %add3A_958 : i32 to index
      %get3A_977 = arith.constant 16 : index
      %get3A_978 = tpu.vector_load %arg12[%get3A_976, %get3A_977] {strides = array<i32>} : memref<512x64xf32, #tpu.memory_space<vmem>>, vector<16xf32>,
      %get3A_979 = arith.index_cast %add3A_958 : i32 to index
      %get3A_980 = arith.constant 16 : index
      %get3A_981 = tpu.vector_load %arg13[%get3A_979, %get3A_980] {strides = array<i32>} : memref<512x64xf32, #tpu.memory_space<vmem>>, vector<16xf32>,
      %sub3A_982 = arith.subf %get3A_978, %get3A_981 : vector<16xf32>
      %mul3A_983 = arith.mulf %get3A_975, %sub3A_982 : vector<16xf32>
      %add3A_984 = arith.addf %add3A_972, %mul3A_983 : vector<16xf32>
      %get3A_985 = arith.index_cast %add3A_958 : i32 to index
      %get3A_986 = arith.constant 32 : index
      %get3A_987 = tpu.vector_load %arg11[%get3A_985, %get3A_986] {strides = array<i32>} : memref<512x64xf32, #tpu.memory_space<vmem>>, vector<16xf32>,
      %get3A_988 = arith.index_cast %add3A_958 : i32 to index
      %get3A_989 = arith.constant 32 : index
      %get3A_990 = tpu.vector_load %arg12[%get3A_988, %get3A_989] {strides = array<i32>} : memref<512x64xf32, #tpu.memory_space<vmem>>, vector<16xf32>,
      %get3A_991 = arith.index_cast %add3A_958 : i32 to index
      %get3A_992 = arith.constant 32 : index
      %get3A_993 = tpu.vector_load %arg13[%get3A_991, %get3A_992] {strides = array<i32>} : memref<512x64xf32, #tpu.memory_space<vmem>>, vector<16xf32>,
      %sub3A_994 = arith.subf %get3A_990, %get3A_993 : vector<16xf32>
      %mul3A_995 = arith.mulf %get3A_987, %sub3A_994 : vector<16xf32>
      %add3A_996 = arith.addf %add3A_984, %mul3A_995 : vector<16xf32>
      %get3A_997 = arith.index_cast %add3A_958 : i32 to index
      %get3A_998 = arith.constant 48 : index
      %get3A_999 = tpu.vector_load %arg11[%get3A_997, %get3A_998] {strides = array<i32>} : memref<512x64xf32, #tpu.memory_space<vmem>>, vector<16xf32>,
      %get3A_1000 = arith.index_cast %add3A_958 : i32 to index
      %get3A_1001 = arith.constant 48 : index
      %get3A_1002 = tpu.vector_load %arg12[%get3A_1000, %get3A_1001] {strides = array<i32>} : memref<512x64xf32, #tpu.memory_space<vmem>>, vector<16xf32>,
      %get3A_1003 = arith.index_cast %add3A_958 : i32 to index
      %get3A_1004 = arith.constant 48 : index
      %get3A_1005 = tpu.vector_load %arg13[%get3A_1003, %get3A_1004] {strides = array<i32>} : memref<512x64xf32, #tpu.memory_space<vmem>>, vector<16xf32>,
      %sub3A_1006 = arith.subf %get3A_1002, %get3A_1005 : vector<16xf32>
      %mul3A_1007 = arith.mulf %get3A_999, %sub3A_1006 : vector<16xf32>
      %add3A_1008 = arith.addf %add3A_996, %mul3A_1007 : vector<16xf32>
      %eq3A_1009 = arith.constant 11 : i32
      %eq3A_1010 = vector.broadcast %eq3A_1009 : i32 to vector<16xi32>
      %eq3A_1011 = arith.cmpi eq, %iota3A, %eq3A_1010 : vector<16xi32>
      %reduce_sum3A_1012 = arith.constant true
      %reduce_sum3A_1013 = vector.broadcast %reduce_sum3A_1012 : i1 to vector<16xi1>
      %reduce_sum3A_1014 = tpu.scan <sum>, %add3A_1008 masked %reduce_sum3A_1013 : vector<16xf32>, vector<16xi1> -> vector<16xf32>
      %reduce_sum3A_1015 = vector.extract %reduce_sum3A_1014[15] : f32 from vector<16xf32>
      %broadcast_in_dim3A_1016 = vector.broadcast %reduce_sum3A_1015 : f32 to vector<16xf32>
      %select_n3A_1017 = arith.select %eq3A_1011, %broadcast_in_dim3A_1016, %select_n3A_954 : vector<16xi1>, vector<16xf32>
      %mul3A_1018 = arith.constant 16 : i32
      %mul3A_1019 = arith.muli %scan3A_265, %mul3A_1018 : i32
      %add3A_1020 = arith.constant 12 : i32
      %add3A_1021 = arith.addi %mul3A_1019, %add3A_1020 : i32
      %broadcast_in_dim3A_1022 = arith.constant 0.000000e+00 : f32
      %broadcast_in_dim3A_1023 = vector.broadcast %broadcast_in_dim3A_1022 : f32 to vector<16xf32>
      %get3A_1024 = arith.index_cast %add3A_1021 : i32 to index
      %get3A_1025 = arith.constant 0 : index
      %get3A_1026 = tpu.vector_load %arg11[%get3A_1024, %get3A_1025] {strides = array<i32>} : memref<512x64xf32, #tpu.memory_space<vmem>>, vector<16xf32>,
      %get3A_1027 = arith.index_cast %add3A_1021 : i32 to index
      %get3A_1028 = arith.constant 0 : index
      %get3A_1029 = tpu.vector_load %arg12[%get3A_1027, %get3A_1028] {strides = array<i32>} : memref<512x64xf32, #tpu.memory_space<vmem>>, vector<16xf32>,
      %get3A_1030 = arith.index_cast %add3A_1021 : i32 to index
      %get3A_1031 = arith.constant 0 : index
      %get3A_1032 = tpu.vector_load %arg13[%get3A_1030, %get3A_1031] {strides = array<i32>} : memref<512x64xf32, #tpu.memory_space<vmem>>, vector<16xf32>,
      %sub3A_1033 = arith.subf %get3A_1029, %get3A_1032 : vector<16xf32>
      %mul3A_1034 = arith.mulf %get3A_1026, %sub3A_1033 : vector<16xf32>
      %add3A_1035 = arith.addf %broadcast_in_dim3A_1023, %mul3A_1034 : vector<16xf32>
      %get3A_1036 = arith.index_cast %add3A_1021 : i32 to index
      %get3A_1037 = arith.constant 16 : index
      %get3A_1038 = tpu.vector_load %arg11[%get3A_1036, %get3A_1037] {strides = array<i32>} : memref<512x64xf32, #tpu.memory_space<vmem>>, vector<16xf32>,
      %get3A_1039 = arith.index_cast %add3A_1021 : i32 to index
      %get3A_1040 = arith.constant 16 : index
      %get3A_1041 = tpu.vector_load %arg12[%get3A_1039, %get3A_1040] {strides = array<i32>} : memref<512x64xf32, #tpu.memory_space<vmem>>, vector<16xf32>,
      %get3A_1042 = arith.index_cast %add3A_1021 : i32 to index
      %get3A_1043 = arith.constant 16 : index
      %get3A_1044 = tpu.vector_load %arg13[%get3A_1042, %get3A_1043] {strides = array<i32>} : memref<512x64xf32, #tpu.memory_space<vmem>>, vector<16xf32>,
      %sub3A_1045 = arith.subf %get3A_1041, %get3A_1044 : vector<16xf32>
      %mul3A_1046 = arith.mulf %get3A_1038, %sub3A_1045 : vector<16xf32>
      %add3A_1047 = arith.addf %add3A_1035, %mul3A_1046 : vector<16xf32>
      %get3A_1048 = arith.index_cast %add3A_1021 : i32 to index
      %get3A_1049 = arith.constant 32 : index
      %get3A_1050 = tpu.vector_load %arg11[%get3A_1048, %get3A_1049] {strides = array<i32>} : memref<512x64xf32, #tpu.memory_space<vmem>>, vector<16xf32>,
      %get3A_1051 = arith.index_cast %add3A_1021 : i32 to index
      %get3A_1052 = arith.constant 32 : index
      %get3A_1053 = tpu.vector_load %arg12[%get3A_1051, %get3A_1052] {strides = array<i32>} : memref<512x64xf32, #tpu.memory_space<vmem>>, vector<16xf32>,
      %get3A_1054 = arith.index_cast %add3A_1021 : i32 to index
      %get3A_1055 = arith.constant 32 : index
      %get3A_1056 = tpu.vector_load %arg13[%get3A_1054, %get3A_1055] {strides = array<i32>} : memref<512x64xf32, #tpu.memory_space<vmem>>, vector<16xf32>,
      %sub3A_1057 = arith.subf %get3A_1053, %get3A_1056 : vector<16xf32>
      %mul3A_1058 = arith.mulf %get3A_1050, %sub3A_1057 : vector<16xf32>
      %add3A_1059 = arith.addf %add3A_1047, %mul3A_1058 : vector<16xf32>
      %get3A_1060 = arith.index_cast %add3A_1021 : i32 to index
      %get3A_1061 = arith.constant 48 : index
      %get3A_1062 = tpu.vector_load %arg11[%get3A_1060, %get3A_1061] {strides = array<i32>} : memref<512x64xf32, #tpu.memory_space<vmem>>, vector<16xf32>,
      %get3A_1063 = arith.index_cast %add3A_1021 : i32 to index
      %get3A_1064 = arith.constant 48 : index
      %get3A_1065 = tpu.vector_load %arg12[%get3A_1063, %get3A_1064] {strides = array<i32>} : memref<512x64xf32, #tpu.memory_space<vmem>>, vector<16xf32>,
      %get3A_1066 = arith.index_cast %add3A_1021 : i32 to index
      %get3A_1067 = arith.constant 48 : index
      %get3A_1068 = tpu.vector_load %arg13[%get3A_1066, %get3A_1067] {strides = array<i32>} : memref<512x64xf32, #tpu.memory_space<vmem>>, vector<16xf32>,
      %sub3A_1069 = arith.subf %get3A_1065, %get3A_1068 : vector<16xf32>
      %mul3A_1070 = arith.mulf %get3A_1062, %sub3A_1069 : vector<16xf32>
      %add3A_1071 = arith.addf %add3A_1059, %mul3A_1070 : vector<16xf32>
      %eq3A_1072 = arith.constant 12 : i32
      %eq3A_1073 = vector.broadcast %eq3A_1072 : i32 to vector<16xi32>
      %eq3A_1074 = arith.cmpi eq, %iota3A, %eq3A_1073 : vector<16xi32>
      %reduce_sum3A_1075 = arith.constant true
      %reduce_sum3A_1076 = vector.broadcast %reduce_sum3A_1075 : i1 to vector<16xi1>
      %reduce_sum3A_1077 = tpu.scan <sum>, %add3A_1071 masked %reduce_sum3A_1076 : vector<16xf32>, vector<16xi1> -> vector<16xf32>
      %reduce_sum3A_1078 = vector.extract %reduce_sum3A_1077[15] : f32 from vector<16xf32>
      %broadcast_in_dim3A_1079 = vector.broadcast %reduce_sum3A_1078 : f32 to vector<16xf32>
      %select_n3A_1080 = arith.select %eq3A_1074, %broadcast_in_dim3A_1079, %select_n3A_1017 : vector<16xi1>, vector<16xf32>
      %mul3A_1081 = arith.constant 16 : i32
      %mul3A_1082 = arith.muli %scan3A_265, %mul3A_1081 : i32
      %add3A_1083 = arith.constant 13 : i32
      %add3A_1084 = arith.addi %mul3A_1082, %add3A_1083 : i32
      %broadcast_in_dim3A_1085 = arith.constant 0.000000e+00 : f32
      %broadcast_in_dim3A_1086 = vector.broadcast %broadcast_in_dim3A_1085 : f32 to vector<16xf32>
      %get3A_1087 = arith.index_cast %add3A_1084 : i32 to index
      %get3A_1088 = arith.constant 0 : index
      %get3A_1089 = tpu.vector_load %arg11[%get3A_1087, %get3A_1088] {strides = array<i32>} : memref<512x64xf32, #tpu.memory_space<vmem>>, vector<16xf32>,
      %get3A_1090 = arith.index_cast %add3A_1084 : i32 to index
      %get3A_1091 = arith.constant 0 : index
      %get3A_1092 = tpu.vector_load %arg12[%get3A_1090, %get3A_1091] {strides = array<i32>} : memref<512x64xf32, #tpu.memory_space<vmem>>, vector<16xf32>,
      %get3A_1093 = arith.index_cast %add3A_1084 : i32 to index
      %get3A_1094 = arith.constant 0 : index
      %get3A_1095 = tpu.vector_load %arg13[%get3A_1093, %get3A_1094] {strides = array<i32>} : memref<512x64xf32, #tpu.memory_space<vmem>>, vector<16xf32>,
      %sub3A_1096 = arith.subf %get3A_1092, %get3A_1095 : vector<16xf32>
      %mul3A_1097 = arith.mulf %get3A_1089, %sub3A_1096 : vector<16xf32>
      %add3A_1098 = arith.addf %broadcast_in_dim3A_1086, %mul3A_1097 : vector<16xf32>
      %get3A_1099 = arith.index_cast %add3A_1084 : i32 to index
      %get3A_1100 = arith.constant 16 : index
      %get3A_1101 = tpu.vector_load %arg11[%get3A_1099, %get3A_1100] {strides = array<i32>} : memref<512x64xf32, #tpu.memory_space<vmem>>, vector<16xf32>,
      %get3A_1102 = arith.index_cast %add3A_1084 : i32 to index
      %get3A_1103 = arith.constant 16 : index
      %get3A_1104 = tpu.vector_load %arg12[%get3A_1102, %get3A_1103] {strides = array<i32>} : memref<512x64xf32, #tpu.memory_space<vmem>>, vector<16xf32>,
      %get3A_1105 = arith.index_cast %add3A_1084 : i32 to index
      %get3A_1106 = arith.constant 16 : index
      %get3A_1107 = tpu.vector_load %arg13[%get3A_1105, %get3A_1106] {strides = array<i32>} : memref<512x64xf32, #tpu.memory_space<vmem>>, vector<16xf32>,
      %sub3A_1108 = arith.subf %get3A_1104, %get3A_1107 : vector<16xf32>
      %mul3A_1109 = arith.mulf %get3A_1101, %sub3A_1108 : vector<16xf32>
      %add3A_1110 = arith.addf %add3A_1098, %mul3A_1109 : vector<16xf32>
      %get3A_1111 = arith.index_cast %add3A_1084 : i32 to index
      %get3A_1112 = arith.constant 32 : index
      %get3A_1113 = tpu.vector_load %arg11[%get3A_1111, %get3A_1112] {strides = array<i32>} : memref<512x64xf32, #tpu.memory_space<vmem>>, vector<16xf32>,
      %get3A_1114 = arith.index_cast %add3A_1084 : i32 to index
      %get3A_1115 = arith.constant 32 : index
      %get3A_1116 = tpu.vector_load %arg12[%get3A_1114, %get3A_1115] {strides = array<i32>} : memref<512x64xf32, #tpu.memory_space<vmem>>, vector<16xf32>,
      %get3A_1117 = arith.index_cast %add3A_1084 : i32 to index
      %get3A_1118 = arith.constant 32 : index
      %get3A_1119 = tpu.vector_load %arg13[%get3A_1117, %get3A_1118] {strides = array<i32>} : memref<512x64xf32, #tpu.memory_space<vmem>>, vector<16xf32>,
      %sub3A_1120 = arith.subf %get3A_1116, %get3A_1119 : vector<16xf32>
      %mul3A_1121 = arith.mulf %get3A_1113, %sub3A_1120 : vector<16xf32>
      %add3A_1122 = arith.addf %add3A_1110, %mul3A_1121 : vector<16xf32>
      %get3A_1123 = arith.index_cast %add3A_1084 : i32 to index
      %get3A_1124 = arith.constant 48 : index
      %get3A_1125 = tpu.vector_load %arg11[%get3A_1123, %get3A_1124] {strides = array<i32>} : memref<512x64xf32, #tpu.memory_space<vmem>>, vector<16xf32>,
      %get3A_1126 = arith.index_cast %add3A_1084 : i32 to index
      %get3A_1127 = arith.constant 48 : index
      %get3A_1128 = tpu.vector_load %arg12[%get3A_1126, %get3A_1127] {strides = array<i32>} : memref<512x64xf32, #tpu.memory_space<vmem>>, vector<16xf32>,
      %get3A_1129 = arith.index_cast %add3A_1084 : i32 to index
      %get3A_1130 = arith.constant 48 : index
      %get3A_1131 = tpu.vector_load %arg13[%get3A_1129, %get3A_1130] {strides = array<i32>} : memref<512x64xf32, #tpu.memory_space<vmem>>, vector<16xf32>,
      %sub3A_1132 = arith.subf %get3A_1128, %get3A_1131 : vector<16xf32>
      %mul3A_1133 = arith.mulf %get3A_1125, %sub3A_1132 : vector<16xf32>
      %add3A_1134 = arith.addf %add3A_1122, %mul3A_1133 : vector<16xf32>
      %eq3A_1135 = arith.constant 13 : i32
      %eq3A_1136 = vector.broadcast %eq3A_1135 : i32 to vector<16xi32>
      %eq3A_1137 = arith.cmpi eq, %iota3A, %eq3A_1136 : vector<16xi32>
      %reduce_sum3A_1138 = arith.constant true
      %reduce_sum3A_1139 = vector.broadcast %reduce_sum3A_1138 : i1 to vector<16xi1>
      %reduce_sum3A_1140 = tpu.scan <sum>, %add3A_1134 masked %reduce_sum3A_1139 : vector<16xf32>, vector<16xi1> -> vector<16xf32>
      %reduce_sum3A_1141 = vector.extract %reduce_sum3A_1140[15] : f32 from vector<16xf32>
      %broadcast_in_dim3A_1142 = vector.broadcast %reduce_sum3A_1141 : f32 to vector<16xf32>
      %select_n3A_1143 = arith.select %eq3A_1137, %broadcast_in_dim3A_1142, %select_n3A_1080 : vector<16xi1>, vector<16xf32>
      %mul3A_1144 = arith.constant 16 : i32
      %mul3A_1145 = arith.muli %scan3A_265, %mul3A_1144 : i32
      %add3A_1146 = arith.constant 14 : i32
      %add3A_1147 = arith.addi %mul3A_1145, %add3A_1146 : i32
      %broadcast_in_dim3A_1148 = arith.constant 0.000000e+00 : f32
      %broadcast_in_dim3A_1149 = vector.broadcast %broadcast_in_dim3A_1148 : f32 to vector<16xf32>
      %get3A_1150 = arith.index_cast %add3A_1147 : i32 to index
      %get3A_1151 = arith.constant 0 : index
      %get3A_1152 = tpu.vector_load %arg11[%get3A_1150, %get3A_1151] {strides = array<i32>} : memref<512x64xf32, #tpu.memory_space<vmem>>, vector<16xf32>,
      %get3A_1153 = arith.index_cast %add3A_1147 : i32 to index
      %get3A_1154 = arith.constant 0 : index
      %get3A_1155 = tpu.vector_load %arg12[%get3A_1153, %get3A_1154] {strides = array<i32>} : memref<512x64xf32, #tpu.memory_space<vmem>>, vector<16xf32>,
      %get3A_1156 = arith.index_cast %add3A_1147 : i32 to index
      %get3A_1157 = arith.constant 0 : index
      %get3A_1158 = tpu.vector_load %arg13[%get3A_1156, %get3A_1157] {strides = array<i32>} : memref<512x64xf32, #tpu.memory_space<vmem>>, vector<16xf32>,
      %sub3A_1159 = arith.subf %get3A_1155, %get3A_1158 : vector<16xf32>
      %mul3A_1160 = arith.mulf %get3A_1152, %sub3A_1159 : vector<16xf32>
      %add3A_1161 = arith.addf %broadcast_in_dim3A_1149, %mul3A_1160 : vector<16xf32>
      %get3A_1162 = arith.index_cast %add3A_1147 : i32 to index
      %get3A_1163 = arith.constant 16 : index
      %get3A_1164 = tpu.vector_load %arg11[%get3A_1162, %get3A_1163] {strides = array<i32>} : memref<512x64xf32, #tpu.memory_space<vmem>>, vector<16xf32>,
      %get3A_1165 = arith.index_cast %add3A_1147 : i32 to index
      %get3A_1166 = arith.constant 16 : index
      %get3A_1167 = tpu.vector_load %arg12[%get3A_1165, %get3A_1166] {strides = array<i32>} : memref<512x64xf32, #tpu.memory_space<vmem>>, vector<16xf32>,
      %get3A_1168 = arith.index_cast %add3A_1147 : i32 to index
      %get3A_1169 = arith.constant 16 : index
      %get3A_1170 = tpu.vector_load %arg13[%get3A_1168, %get3A_1169] {strides = array<i32>} : memref<512x64xf32, #tpu.memory_space<vmem>>, vector<16xf32>,
      %sub3A_1171 = arith.subf %get3A_1167, %get3A_1170 : vector<16xf32>
      %mul3A_1172 = arith.mulf %get3A_1164, %sub3A_1171 : vector<16xf32>
      %add3A_1173 = arith.addf %add3A_1161, %mul3A_1172 : vector<16xf32>
      %get3A_1174 = arith.index_cast %add3A_1147 : i32 to index
      %get3A_1175 = arith.constant 32 : index
      %get3A_1176 = tpu.vector_load %arg11[%get3A_1174, %get3A_1175] {strides = array<i32>} : memref<512x64xf32, #tpu.memory_space<vmem>>, vector<16xf32>,
      %get3A_1177 = arith.index_cast %add3A_1147 : i32 to index
      %get3A_1178 = arith.constant 32 : index
      %get3A_1179 = tpu.vector_load %arg12[%get3A_1177, %get3A_1178] {strides = array<i32>} : memref<512x64xf32, #tpu.memory_space<vmem>>, vector<16xf32>,
      %get3A_1180 = arith.index_cast %add3A_1147 : i32 to index
      %get3A_1181 = arith.constant 32 : index
      %get3A_1182 = tpu.vector_load %arg13[%get3A_1180, %get3A_1181] {strides = array<i32>} : memref<512x64xf32, #tpu.memory_space<vmem>>, vector<16xf32>,
      %sub3A_1183 = arith.subf %get3A_1179, %get3A_1182 : vector<16xf32>
      %mul3A_1184 = arith.mulf %get3A_1176, %sub3A_1183 : vector<16xf32>
      %add3A_1185 = arith.addf %add3A_1173, %mul3A_1184 : vector<16xf32>
      %get3A_1186 = arith.index_cast %add3A_1147 : i32 to index
      %get3A_1187 = arith.constant 48 : index
      %get3A_1188 = tpu.vector_load %arg11[%get3A_1186, %get3A_1187] {strides = array<i32>} : memref<512x64xf32, #tpu.memory_space<vmem>>, vector<16xf32>,
      %get3A_1189 = arith.index_cast %add3A_1147 : i32 to index
      %get3A_1190 = arith.constant 48 : index
      %get3A_1191 = tpu.vector_load %arg12[%get3A_1189, %get3A_1190] {strides = array<i32>} : memref<512x64xf32, #tpu.memory_space<vmem>>, vector<16xf32>,
      %get3A_1192 = arith.index_cast %add3A_1147 : i32 to index
      %get3A_1193 = arith.constant 48 : index
      %get3A_1194 = tpu.vector_load %arg13[%get3A_1192, %get3A_1193] {strides = array<i32>} : memref<512x64xf32, #tpu.memory_space<vmem>>, vector<16xf32>,
      %sub3A_1195 = arith.subf %get3A_1191, %get3A_1194 : vector<16xf32>
      %mul3A_1196 = arith.mulf %get3A_1188, %sub3A_1195 : vector<16xf32>
      %add3A_1197 = arith.addf %add3A_1185, %mul3A_1196 : vector<16xf32>
      %eq3A_1198 = arith.constant 14 : i32
      %eq3A_1199 = vector.broadcast %eq3A_1198 : i32 to vector<16xi32>
      %eq3A_1200 = arith.cmpi eq, %iota3A, %eq3A_1199 : vector<16xi32>
      %reduce_sum3A_1201 = arith.constant true
      %reduce_sum3A_1202 = vector.broadcast %reduce_sum3A_1201 : i1 to vector<16xi1>
      %reduce_sum3A_1203 = tpu.scan <sum>, %add3A_1197 masked %reduce_sum3A_1202 : vector<16xf32>, vector<16xi1> -> vector<16xf32>
      %reduce_sum3A_1204 = vector.extract %reduce_sum3A_1203[15] : f32 from vector<16xf32>
      %broadcast_in_dim3A_1205 = vector.broadcast %reduce_sum3A_1204 : f32 to vector<16xf32>
      %select_n3A_1206 = arith.select %eq3A_1200, %broadcast_in_dim3A_1205, %select_n3A_1143 : vector<16xi1>, vector<16xf32>
      %mul3A_1207 = arith.constant 16 : i32
      %mul3A_1208 = arith.muli %scan3A_265, %mul3A_1207 : i32
      %add3A_1209 = arith.constant 15 : i32
      %add3A_1210 = arith.addi %mul3A_1208, %add3A_1209 : i32
      %broadcast_in_dim3A_1211 = arith.constant 0.000000e+00 : f32
      %broadcast_in_dim3A_1212 = vector.broadcast %broadcast_in_dim3A_1211 : f32 to vector<16xf32>
      %get3A_1213 = arith.index_cast %add3A_1210 : i32 to index
      %get3A_1214 = arith.constant 0 : index
      %get3A_1215 = tpu.vector_load %arg11[%get3A_1213, %get3A_1214] {strides = array<i32>} : memref<512x64xf32, #tpu.memory_space<vmem>>, vector<16xf32>,
      %get3A_1216 = arith.index_cast %add3A_1210 : i32 to index
      %get3A_1217 = arith.constant 0 : index
      %get3A_1218 = tpu.vector_load %arg12[%get3A_1216, %get3A_1217] {strides = array<i32>} : memref<512x64xf32, #tpu.memory_space<vmem>>, vector<16xf32>,
      %get3A_1219 = arith.index_cast %add3A_1210 : i32 to index
      %get3A_1220 = arith.constant 0 : index
      %get3A_1221 = tpu.vector_load %arg13[%get3A_1219, %get3A_1220] {strides = array<i32>} : memref<512x64xf32, #tpu.memory_space<vmem>>, vector<16xf32>,
      %sub3A_1222 = arith.subf %get3A_1218, %get3A_1221 : vector<16xf32>
      %mul3A_1223 = arith.mulf %get3A_1215, %sub3A_1222 : vector<16xf32>
      %add3A_1224 = arith.addf %broadcast_in_dim3A_1212, %mul3A_1223 : vector<16xf32>
      %get3A_1225 = arith.index_cast %add3A_1210 : i32 to index
      %get3A_1226 = arith.constant 16 : index
      %get3A_1227 = tpu.vector_load %arg11[%get3A_1225, %get3A_1226] {strides = array<i32>} : memref<512x64xf32, #tpu.memory_space<vmem>>, vector<16xf32>,
      %get3A_1228 = arith.index_cast %add3A_1210 : i32 to index
      %get3A_1229 = arith.constant 16 : index
      %get3A_1230 = tpu.vector_load %arg12[%get3A_1228, %get3A_1229] {strides = array<i32>} : memref<512x64xf32, #tpu.memory_space<vmem>>, vector<16xf32>,
      %get3A_1231 = arith.index_cast %add3A_1210 : i32 to index
      %get3A_1232 = arith.constant 16 : index
      %get3A_1233 = tpu.vector_load %arg13[%get3A_1231, %get3A_1232] {strides = array<i32>} : memref<512x64xf32, #tpu.memory_space<vmem>>, vector<16xf32>,
      %sub3A_1234 = arith.subf %get3A_1230, %get3A_1233 : vector<16xf32>
      %mul3A_1235 = arith.mulf %get3A_1227, %sub3A_1234 : vector<16xf32>
      %add3A_1236 = arith.addf %add3A_1224, %mul3A_1235 : vector<16xf32>
      %get3A_1237 = arith.index_cast %add3A_1210 : i32 to index
      %get3A_1238 = arith.constant 32 : index
      %get3A_1239 = tpu.vector_load %arg11[%get3A_1237, %get3A_1238] {strides = array<i32>} : memref<512x64xf32, #tpu.memory_space<vmem>>, vector<16xf32>,
      %get3A_1240 = arith.index_cast %add3A_1210 : i32 to index
      %get3A_1241 = arith.constant 32 : index
      %get3A_1242 = tpu.vector_load %arg12[%get3A_1240, %get3A_1241] {strides = array<i32>} : memref<512x64xf32, #tpu.memory_space<vmem>>, vector<16xf32>,
      %get3A_1243 = arith.index_cast %add3A_1210 : i32 to index
      %get3A_1244 = arith.constant 32 : index
      %get3A_1245 = tpu.vector_load %arg13[%get3A_1243, %get3A_1244] {strides = array<i32>} : memref<512x64xf32, #tpu.memory_space<vmem>>, vector<16xf32>,
      %sub3A_1246 = arith.subf %get3A_1242, %get3A_1245 : vector<16xf32>
      %mul3A_1247 = arith.mulf %get3A_1239, %sub3A_1246 : vector<16xf32>
      %add3A_1248 = arith.addf %add3A_1236, %mul3A_1247 : vector<16xf32>
      %get3A_1249 = arith.index_cast %add3A_1210 : i32 to index
      %get3A_1250 = arith.constant 48 : index
      %get3A_1251 = tpu.vector_load %arg11[%get3A_1249, %get3A_1250] {strides = array<i32>} : memref<512x64xf32, #tpu.memory_space<vmem>>, vector<16xf32>,
      %get3A_1252 = arith.index_cast %add3A_1210 : i32 to index
      %get3A_1253 = arith.constant 48 : index
      %get3A_1254 = tpu.vector_load %arg12[%get3A_1252, %get3A_1253] {strides = array<i32>} : memref<512x64xf32, #tpu.memory_space<vmem>>, vector<16xf32>,
      %get3A_1255 = arith.index_cast %add3A_1210 : i32 to index
      %get3A_1256 = arith.constant 48 : index
      %get3A_1257 = tpu.vector_load %arg13[%get3A_1255, %get3A_1256] {strides = array<i32>} : memref<512x64xf32, #tpu.memory_space<vmem>>, vector<16xf32>,
      %sub3A_1258 = arith.subf %get3A_1254, %get3A_1257 : vector<16xf32>
      %mul3A_1259 = arith.mulf %get3A_1251, %sub3A_1258 : vector<16xf32>
      %add3A_1260 = arith.addf %add3A_1248, %mul3A_1259 : vector<16xf32>
      %eq3A_1261 = arith.constant 15 : i32
      %eq3A_1262 = vector.broadcast %eq3A_1261 : i32 to vector<16xi32>
      %eq3A_1263 = arith.cmpi eq, %iota3A, %eq3A_1262 : vector<16xi32>
      %reduce_sum3A_1264 = arith.constant true
      %reduce_sum3A_1265 = vector.broadcast %reduce_sum3A_1264 : i1 to vector<16xi1>
      %reduce_sum3A_1266 = tpu.scan <sum>, %add3A_1260 masked %reduce_sum3A_1265 : vector<16xf32>, vector<16xi1> -> vector<16xf32>
      %reduce_sum3A_1267 = vector.extract %reduce_sum3A_1266[15] : f32 from vector<16xf32>
      %broadcast_in_dim3A_1268 = vector.broadcast %reduce_sum3A_1267 : f32 to vector<16xf32>
      %select_n3A_1269 = arith.select %eq3A_1263, %broadcast_in_dim3A_1268, %select_n3A_1206 : vector<16xi1>, vector<16xf32>
      %mul3A_1270 = arith.constant 16 : i32
      %mul3A_1271 = arith.muli %scan3A_265, %mul3A_1270 : i32
      %swap3A = arith.index_cast %mul3A_1271 : i32 to index
      %swap3A_1272 = tpu.vector_load %arg14[%swap3A] {strides = array<i32>} : memref<512xf32, #tpu.memory_space<vmem>>, vector<16xf32>,
      tpu.vector_store %arg14[%swap3A], %select_n3A_1269 {strides = array<i32>} : memref<512xf32, #tpu.memory_space<vmem>>, vector<16xf32>,
    }
    %scan3A_264 = arith.constant 32 : i32
    "tpu.region"() ({
      %run_scoped3A_265 = tpu.sem_alloc : memref<!tpu.dma_semaphore, #tpu.memory_space<semaphore_mem>>
      %dma_start3A_266 = tpu.memref_slice %arg7[%mul3A_2] : memref<16384xf32, #tpu.memory_space<hbm>> -> memref<512xf32, #tpu.memory_space<hbm>>
      %dma_start3A_267 = tpu.memref_slice %arg7[%mul3A_2] : memref<16384xf32, #tpu.memory_space<hbm>> -> memref<512xf32, #tpu.memory_space<hbm>>
      tpu.enqueue_dma source(%arg14 : memref<512xf32, #tpu.memory_space<vmem>>) target(%dma_start3A_267 : memref<512xf32, #tpu.memory_space<hbm>>) target_semaphore(%run_scoped3A_265 : memref<!tpu.dma_semaphore, #tpu.memory_space<semaphore_mem>>)
      %dma_wait3A_268 = tpu.memref_slice %arg7[%mul3A_2] : memref<16384xf32, #tpu.memory_space<hbm>> -> memref<512xf32, #tpu.memory_space<hbm>>
      %dma_wait3A_269 = tpu.memref_slice %arg7[%mul3A_2] : memref<16384xf32, #tpu.memory_space<hbm>> -> memref<512xf32, #tpu.memory_space<hbm>>
      tpu.wait_dma2 semaphore(%run_scoped3A_265 : memref<!tpu.dma_semaphore, #tpu.memory_space<semaphore_mem>>) src(%arg14 : memref<512xf32, #tpu.memory_space<vmem>>) dst(%dma_wait3A_269 : memref<512xf32, #tpu.memory_space<hbm>>)
      tpu.yield
    }) : () -> ()
    return
  }
}

module attributes {stable_mosaic.version = 14 : i64} {
  func.func @_loss_body(%arg0: memref<128x128xf32, #tpu.memory_space<vmem>>, %arg1: memref<1x1xf32, #tpu.memory_space<smem>>) attributes {dimension_semantics = [], scalar_prefetch = 0 : i64, scratch_operands = 0 : i64, tpu.core_type = #tpu.core_type<tc>} {
    %get3A = arith.constant 0 : index
    %get3A_0 = arith.constant 0 : index
    %get3A_1 = vector.load %arg0[%get3A, %get3A_0] : memref<128x128xf32, #tpu.memory_space<vmem>>, vector<128x128xf32>
    %abs3A = math.absf %get3A_1 : vector<128x128xf32>
    %neg3A = arith.constant 0.000000e+00 : f32
    %neg3A_2 = vector.broadcast %neg3A : f32 to vector<128x128xf32>
    %neg3A_3 = arith.subf %neg3A_2, %abs3A : vector<128x128xf32>
    %exp3A = math.exp %neg3A_3 : vector<128x128xf32>
    %min3A = arith.constant 0.000000e+00 : f32
    %min3A_4 = vector.broadcast %min3A : f32 to vector<128x128xf32>
    %min3A_5 = arith.minimumf %get3A_1, %min3A_4 : vector<128x128xf32>
    %add3A = arith.constant 1.000000e+00 : f32
    %add3A_6 = vector.broadcast %add3A : f32 to vector<128x128xf32>
    %add3A_7 = arith.addf %add3A_6, %exp3A : vector<128x128xf32>
    %log3A = math.log %add3A_7 : vector<128x128xf32>
    %sub3A = arith.subf %min3A_5, %log3A : vector<128x128xf32>
    %reduce_sum3A = vector.shape_cast %sub3A : vector<128x128xf32> to vector<1x128x128xf32>
    %reduce_sum3A_8 = arith.constant dense<0.000000e+00> : vector<1xf32>
    %reduce_sum3A_9 = vector.multi_reduction <add>, %reduce_sum3A, %reduce_sum3A_8 [1, 2] : vector<1x128x128xf32> to vector<1xf32>
    %reduce_sum3A_10 = vector.shape_cast %reduce_sum3A_9 : vector<1xf32> to vector<1x1x1xf32>
    %reduce_sum3A_11 = vector.extract %reduce_sum3A_10[0, 0, 0] : f32 from vector<1x1x1xf32>
    %neg3A_12 = arith.constant 0.000000e+00 : f32
    %neg3A_13 = arith.subf %neg3A_12, %reduce_sum3A_11 : f32
    %swap3A = arith.constant 0 : index
    %swap3A_14 = arith.constant 0 : index
    %swap3A_15 = memref.load %arg1[%swap3A, %swap3A_14] : memref<1x1xf32, #tpu.memory_space<smem>>
    memref.store %neg3A_13, %arg1[%swap3A, %swap3A_14] : memref<1x1xf32, #tpu.memory_space<smem>>
    return
  }
}

</mosaic_0001>

<sc_bundles>
// kernel: kernel.4.cloned.1.call-start
scs
__scs_entry_jumppad:
0x0: {  	(pc) =	sbr.rel $0x88, $3  }
0x1: {  	(tag) =	ssettag $0x0;
	lr =	simm.s32 $0x1  }
0x2: {  	[smem:$0x3F9C] =	sst lr;
	_ =	strace $0xD0000000  }
0x3: {  	_ = 	snop  }
0x4: {  	_ = 	snop  }
0x5: {  	_ = 	snop  }
0x6: {  	_ = 	snop  }
0x7: {  	_ = 	snop  }
__scs_overlays_trampoline_lowered:
0x8: {  	[smem:$0x3FAB] =	sst s0  }
0x9: {  	[smem:$0x3FAC] =	sst s1  }
0xa: {  	[smem:$0x3FAD] =	sst s2  }
0xb: {  	[smem:$0x3FAE] =	sst s3  }
0xc: {  	[smem:$0x3FAF] =	sst s4  }
0xd: {  	[smem:$0x3FB0] =	sst s5  }
0xe: {  	[smem:$0x3FB1] =	sst s6  }
0xf: {  	[smem:$0x3FB2] =	sst s7  }
0x10: {  	[smem:$0x3FB3] =	sst s8  }
0x11: {  	[smem:$0x3FB4] =	sst s9;
	s0 =	simm.s32 @!p0 $0x0  }
0x12: {  	s1 =	sld [smem:$0x3F9A];
	s0 =	simm.s32 @p0 $0x1  }
0x13: {  	[smem:$0x3FB5] =	sst s0;
	s0 =	simm.s32 @!p1 $0x0  }
0x14: {  	s2 =	sld [smem:$0x3F99];
	s0 =	simm.s32 @p1 $0x1  }
0x15: {  	[smem:$0x3FB6] =	sst s0;
	s0 =	simm.s32 @!p2 $0x0  }
0x16: {  	s3 =	sld [smem:$0x3FDB];
	s0 =	simm.s32 @p2 $0x1  }
0x17: {  	s4 =	simm.s32 $0x1BF5;
	[smem:$0x3FB8] =	sst s0  }
0x18: {  	s0 =	sld [smem:$0x3F9B];
	_ =	swait.ge [sflag:s4], $0x0  }
0x19: {  	s7 =	sld [smem:$0x3F9C]  }
0x1a: {  	s8 =	sadd.s32 $0xFFFFE003, lr  }
0x1b: {  	s9 =	sadd.s32 $0xFFFFFEF7, lr;
	s5 =	simm.s32 $0xFFFFFFFF;
	p2 =	slt.u32 s8, $0xFFFFF086  }
0x1c: {  	p1 =	slt.u32 s9, $0xF7A;
	s5 =	simm.s32 @!p2 $0x0  }
0x1d: {  	s5 =	simm.s32 @p1 $0x1;
	p0 =	seq.s32 s7, s2  }
0x1e: {  	s7 =	smul.u32 @!p0 $0xF7A, s2;
	p2 =	seq.s32 @!p0 s5, $0x0  }
0x1f: {  	s9 =	smul.u32 $0xF7A, s1;
	s8 =	simm.s32 @!p0 $0x1BF5;
	p2 =	por !p2, p0  }
0x20: {  	[sflag:s8] =	ssyncset.s32 @!p0 $0xFFFFF086;
	s6 =	sadd.s32 @!p0 s3, s7;
	s7 =	simm.s32 @!p0 $0x108  }
0x21: {  	s3 =	sadd.s32 s3, s9;
	s6 =	sadd.s32 @!p0 $0x88, s6;
	s7 =	simm.s32 @p2 $0x1082  }
0x22: {  	[simem:s7], [sflag:s8] =	dma.local @!p0 [hbm:s6], $0xF7A  }
0x23: {  	s9 =	sor.u32 $0xD0000000, s2;
	s6 =	simm.s32 $0x108;
	_ =	swait.ge @!p0 [sflag:s8], $0x0  }
0x24: {  	s3 =	sadd.s32 $0x88, s3;
	s6 =	simm.s32 @!p1 $0x1082;
	[sflag:s4] =	ssyncset.s32 $0xFFFFF086  }
0x25: {  	[simem:s6], [sflag:s4] =	dma.local [hbm:s3], $0xF7A  }
0x26: {  	[smem:$0x3F9C] =	sst s1;
	(tag) =	ssettag s2;
	_ =	strace s9  }
0x27: {  	s1 =	sld [smem:$0x3FAC]  }
0x28: {  	s2 =	sld [smem:$0x3FAD]  }
0x29: {  	s4 =	sld [smem:$0x3FAF]  }
0x2a: {  	p0 =	seq.s32 s5, $0x0;
	s5 =	sld [smem:$0x3FB0]  }
0x2b: {  	s6 =	sld [smem:$0x3FB1]  }
0x2c: {  	s7 =	sld [smem:$0x3FB2]  }
0x2d: {  	s3 =	simm.s32 $0x108;
	s8 =	sld [smem:$0x3FB3]  }
0x2e: {  	s3 =	simm.s32 @!p0 $0x1082;
	s9 =	sld [smem:$0x3FB4]  }
0x2f: {  	lr =	sadd.s32 s0, s3;
	s0 =	sld [smem:$0x3FAB]  }
0x30: {  	s3 =	sld [smem:$0x3FAE]  }
0x31: {  	[smem:$0x3FB7] =	sst s10  }
0x32: {  	s10 =	sld [smem:$0x3FB5];
	_ =	sdelay $0x3  }
0x33: {  	p0 =	seq.s32 s10, $0x1;
	s10 =	sld [smem:$0x3FB7];
	_ =	sdelay $0x3  }
0x34: {  	[smem:$0x3FB7] =	sst s10  }
0x35: {  	s10 =	sld [smem:$0x3FB6];
	_ =	sdelay $0x3  }
0x36: {  	p1 =	seq.s32 s10, $0x1;
	s10 =	sld [smem:$0x3FB7];
	_ =	sdelay $0x3  }
0x37: {  	[smem:$0x3FB7] =	sst s10  }
0x38: {  	s10 =	sld [smem:$0x3FB8]  }
0x39: {  	_ = 	snop;
	(pc) =	sbr.ind lr, $3  }
0x3a: {  	_ = 	snop  }
0x3b: {  	_ = 	snop  }
0x3c: {  	p2 =	seq.s32 s10, $0x1;
	s10 =	sld [smem:$0x3FB7]  }
0x3d: {  	_ =	shalt  }
0x3e: {  	_ =	shalt  }
0x3f: {  	_ =	shalt  }
0x40: {  	_ =	shalt  }
0x41: {  	_ =	shalt  }
0x42: {  	_ =	shalt  }
0x43: {  	_ =	shalt  }
0x44: {  	_ =	shalt  }
0x45: {  	_ =	shalt  }
0x46: {  	_ =	shalt  }
0x47: {  	_ =	shalt  }
0x48: {  	_ =	shalt  }
0x49: {  	_ =	shalt  }
0x4a: {  	_ =	shalt  }
0x4b: {  	_ =	shalt  }
0x4c: {  	_ =	shalt  }
0x4d: {  	_ =	shalt  }
0x4e: {  	_ =	shalt  }
0x4f: {  	_ =	shalt  }
0x50: {  	_ =	shalt  }
0x51: {  	_ =	shalt  }
0x52: {  	_ =	shalt  }
0x53: {  	_ =	shalt  }
0x54: {  	_ =	shalt  }
0x55: {  	_ =	shalt  }
0x56: {  	_ =	shalt  }
0x57: {  	_ =	shalt  }
0x58: {  	_ =	shalt  }
0x59: {  	_ =	shalt  }
0x5a: {  	_ =	shalt  }
0x5b: {  	_ =	shalt  }
0x5c: {  	_ =	shalt  }
0x5d: {  	_ =	shalt  }
0x5e: {  	_ =	shalt  }
0x5f: {  	_ =	shalt  }
0x60: {  	_ =	shalt  }
0x61: {  	_ =	shalt  }
0x62: {  	_ =	shalt  }
0x63: {  	_ =	shalt  }
0x64: {  	_ =	shalt  }
0x65: {  	_ =	shalt  }
0x66: {  	_ =	shalt  }
0x67: {  	_ =	shalt  }
0x68: {  	_ =	shalt  }
0x69: {  	_ =	shalt  }
0x6a: {  	_ =	shalt  }
0x6b: {  	_ =	shalt  }
0x6c: {  	_ =	shalt  }
0x6d: {  	_ =	shalt  }
0x6e: {  	_ =	shalt  }
0x6f: {  	_ =	shalt  }
0x70: {  	_ =	shalt  }
0x71: {  	_ =	shalt  }
0x72: {  	_ =	shalt  }
0x73: {  	_ =	shalt  }
0x74: {  	_ =	shalt  }
0x75: {  	_ =	shalt  }
0x76: {  	_ =	shalt  }
0x77: {  	_ =	shalt  }
0x78: {  	_ =	shalt  }
0x79: {  	_ =	shalt  }
0x7a: {  	_ =	shalt  }
0x7b: {  	_ =	shalt  }
0x7c: {  	_ =	shalt  }
0x7d: {  	_ =	shalt  }
0x7e: {  	_ =	shalt  }
0x7f: {  	_ =	shalt  }
0x80: {  	_ =	shalt  }
0x81: {  	_ =	shalt  }
0x82: {  	_ =	shalt  }
0x83: {  	_ =	shalt  }
0x84: {  	_ =	shalt  }
0x85: {  	_ =	shalt  }
0x86: {  	_ =	shalt  }
0x87: {  	_ =	shalt  }
.Lfunc_end0:
.L_simem_size_0:
called_computation_lowered:
.L_overlay_start_0:
0x88: {  	s2 =	sld [smem:$0x3FD9]  }
0x89: {  	s3 =	sld [smem:$0x3FFE];
	_ =	sdelay $0x1  }
0x8a: {  	s1 =	srdreg.scid  }
0x8b: {  	s0 =	sand.u32 $0x1, s1  }
0x8c: {  	s17 =	sshll.u32 s0, $0xA;
	s2 =	sadd.s32 s3, s2  }
0x8d: {  	s2 =	sadd.s32 s2, s17  }
0x8e: {  	[smem:$0x3FC3] =	sst s2  }
0x8f: {  	_ = 	snop  }
0x90: {  	s2 =	sld [smem:$0x3FC9]  }
0x91: {  	s18 =	sld [smem:$0x3FC8]  }
0x92: {  	s4 =	sld [smem:$0x3FC7];
	(tm) =	ssettm $0x1  }
0x93: {  	s5 =	sld [smem:$0x3FFB];
	_ =	sdelay $0x3  }
0x94: {  	_ =	strace s5  }
0x95: {  	s5 =	sld [smem:$0x3FFC];
	_ =	sdelay $0x3  }
0x96: {  	_ =	strace s5  }
0x97: {  	s5 =	sld [smem:$0x3FFD];
	_ =	sdelay $0x3  }
0x98: {  	_ =	strace s5  }
0x99: {  	_ =	strace $0x8FFFFFFF  }
0x9a: {  	s19 =	sld [smem:$0x3FDB];
	_ =	sdelay $0x1  }
0x9b: {  	s6 =	simm.s32 $_scs_section_size  }
0x9c: {  	s7 =	simm.s32 $_size__tile_overlayer_lowered;
	s8 =	simm.s32 $_tile_overlayer_lowered  }
0x9d: {  	s22 =	simm.s32 $0x1BFF;
	s21 =	sshll.u32 s8, $0x1;
	s5 =	sadd.s32 s6, s19  }
0x9e: {  	s9 =	simm.s32 $0x0;
	s20 =	sshll.u32 s7, $0x1;
	s7 =	sadd.s32 s21, s5  }
0x9f: {  	[timem:s9], [sflag:s22] =	dma.local [hbm:s7], s20  }
0xa0: {  	_ =	swait.ge [sflag:s22], s20  }
0xa1: {  	s6 =	ssub.s32 $0x0, s20;
	[sflag:s22] =	ssyncset.done $0x0  }
0xa2: {  	[sflag:s22] =	ssyncadd.s32 s6;
	_ =	sdelay $0x1  }
0xa3: {  	s23 =	simm.s32 $0x1B8B  }
0xa4: {  	_ =	swait.ge [sflag:s23], $0x1  }
0xa5: {  	[sflag:s23] =	ssyncset.done $0x0  }
0xa6: {  	s25 =	simm.s32 $0x1B8E;
	s24 =	sld [smem:$0x3FFE];
	[sflag:s23] =	ssyncadd.s32 $0xFFFFFFFF  }
0xa7: {  	s26 =	simm.s32 $execute0_lowered;
	[smem:$0x3FD2] =	sst s25  }
0xa8: {  	s7 =	sshll.u32 s26, $0x1;
	_ =	strace $0x80000046;
	[dreg:$0x1] =	wrdreg $0xFFFFFFFF  }
0xa9: {  	s28 =	simm.s32 $_size_execute0_lowered;
	s5 =	sadd.s32 s5, s7;
	[dreg:$0x0] =	wrdreg $0x0  }
0xaa: {  	s7 =	sshll.u32 s28, $0x1;
	[dreg:$0x2] =	wrdreg s5  }
0xab: {  	[dreg:$0x3] =	wrdreg s7  }
0xac: {  	[dreg:$0x4] =	wrdreg $0xC0  }
0xad: {  	_ =	task [dreg:s9], $0x5FFFF  }
0xae: {  	[dreg:$0x1] =	wrdreg $0xFFFFFFFF  }
0xaf: {  	[dreg:$0x0] =	wrdreg $0x60  }
0xb0: {  	[dreg:$0x2] =	wrdreg s2  }
0xb1: {  	[dreg:$0x3] =	wrdreg s18  }
0xb2: {  	[dreg:$0x4] =	wrdreg s4  }
0xb3: {  	[dreg:$0x5] =	wrdreg s24  }
0xb4: {  	[dreg:$0x6] =	wrdreg $0x9  }
0xb5: {  	_ =	task.clear_ibuf [dreg:s9], $0x7FFFF;
	_ =	strace $0x90000046  }
0xb6: {  	s29 =	simm.s32 $0x9;
	_ =	strace $0x80000048  }
0xb7: {  	_ =	swait.ge [sflag:s29], $0x1  }
0xb8: {  	[sflag:s29] =	ssyncadd.s32 $0xFFFFFFFF  }
0xb9: {  	_ =	strace $0x90000048  }
0xba: {  	_ =	sfence  }
0xbb: {  	s30 =	sld [smem:$0x0];
	_ =	sdelay $0x2  }
0xbc: {  	s31 =	sshll.u32 s1, $0xD;
	s1 =	sshrl.u32 s1, $0x2  }
0xbd: {  	s3 =	sand.u32 $0x4000, s31;
	s1 =	sadd.s32 s1, s30  }
0xbe: {  	s0 =	sor.u32 s3, s0;
	s1 =	sshll.u32 s1, $0x11  }
0xbf: {  	s0 =	sor.u32 s1, s0  }
0xc0: {  	s0 =	sadd.s32 $0x8F2B, s0  }
0xc1: {  	[sflag:s0] =	ssyncadd.remote.s32 $0x1  }
0xc2: {  	_ =	sfence.sel $0xFFFF  }
0xc3: {  	[dreg:$0x0] =	wrdreg $0xFFFFFFFF;
	(pc) =	sbr.abs _section_cstart, $3  }
0xc4: {  	[dreg:$0x1] =	wrdreg $0xFFFFFFFF  }
0xc5: {  	_ =	task.clear_ibuf [dreg:s9], $0x2FFFF;
	_ =	strace $0x9FFFFFFF  }
0xc6: {  	(tm) =	ssettm $0x7FFFFFFF  }
0xc7: {  	_ =	shalt  }
tec
execute0_lowered:
.L_overlay_start_1:
0x0: {  	(tag) =	ssettag $0x1  }
0x1: {  	s0 =	rddreg [dreg:$0x0]  }
0x2: {  	s1 =	rddreg [dreg:$0x1]  }
0x3: {  	s16 =	rddreg [dreg:$0x2]  }
0x4: {  	s5 =	rddreg [dreg:$0x3]  }
0x5: {  	s2 =	simm.s32 $0x0;
	s3 =	srdreg.scid;
	s6 =	stileid.u32  }
0x6: {  	s22 =	simm.s32 $0x80;
	s20 =	simm.s32 $0x0;
	s28 =	simm.s32 $0x300  }
0x7: {  	s29 =	simm.s32 $0x500;
	s31 =	simm.s32 $0x380;
	[smem:$0x7FF] =	sst s2  }
0x8: {  	s4 =	sand.u32 $0x1, s3;
	s6 =	sshll.u32 s6, $0x7;
	s3 =	sadd.s32 $0xF42A00, s5  }
0x9: {  	_ =	strace $0x80000047;
	s7 =	sshll.u32 s4, $0x6;
	s24 =	ssub.s32 $0x2, s4  }
0xa: {  	s4 =	sadd.s32 $0x16E3C00, s5;
	s13 =	sor.u32 s7, s6;
	s25 =	sshrl.u32 s24, $0x1  }
0xb: {  	s6 =	simm.s32 $0x580;
	s17 =	sadd.s32 s13, s5;
	s18 =	ssub.s32 s24, s25  }
0xc: {  	s26 =	sadd.s32 s0, s13;
	s10 =	sor.u32 $0x10, s13;
	s30 =	sadd.s32 s1, s13  }
0xd: {  	s7 =	sadd.s32 s16, s13;
	s14 =	sor.u32 $0x20, s13;
	[dreg:$0x5] =	wrdreg s26  }
0xe: {  	s19 =	sor.u32 $0x30, s13;
	s25 =	simm.s32 $0x480;
	[dreg:$0x6] =	wrdreg s30  }
0xf: {  	vm0 =	vmmov $0x1;
	vm1 =	vmmov $0x3;
	vm2 =	vmmov $0x7;
	s8 =	sadd.s32 s0, s10;
	s9 =	sadd.s32 s1, s10;
	s10 =	sadd.s32 s16, s10  }
0x10: {  	vm3 =	vmmov $0xf;
	vm4 =	vmmov $0x1f;
	vm5 =	vmmov $0x3f;
	s11 =	sadd.s32 s0, s14;
	s12 =	sadd.s32 s1, s14;
	s13 =	sadd.s32 s16, s14  }
0x11: {  	vm6 =	vmmov $0x7f;
	vm7 =	vmmov $0xff;
	vm8 =	vmmov $0x1ff;
	s14 =	sadd.s32 s0, s19;
	s15 =	sadd.s32 s1, s19;
	s16 =	sadd.s32 s16, s19  }
0x12: {  	vm9 =	vmmov $0x3ff;
	vm10 =	vmmov $0x7ff;
	vm11 =	vmmov $0xfff;
	s17 =	sadd.s32 $0x600, s17;
	s18 =	smax.u32 s18, $0x1;
	s19 =	simm.s32 $0x2  }
0x13: {  	vm12 =	vmmov $0x1fff;
	vm13 =	vmmov $0x3fff;
	vm14 =	vmmov $0x7fff;
	s0 =	simm.s32 $0x1;
	s1 =	simm.s32 $0x18600;
	s26 =	simm.s32 $0x100  }
.LBB2_1:
0x14: {  	s5 =	rddreg [dreg:$0x5]  }
0x15: {  	[tilespmem:s2], [sflag:$0x2] =	stream.linear.gather [hbm4b:s5+s2], $0x80, $0x38;
	[tilespmem:$0x18800] =	vst v63  }
0x16: {  	_ =	swait.ge [sflag:s19], $0x80  }
0x17: {  	[sflag:s19] =	ssyncset.done $0x0  }
0x18: {  	s21 =	simm.s32 $0x200;
	s24 =	rddreg [dreg:$0x6];
	[sflag:s19] =	ssyncadd.s32 $0xFFFFFF80  }
0x19: {  	[tilespmem:s21], [sflag:$0x2] =	stream.linear.gather [hbm4b:s24+s2], $0x80, $0x38;
	[tilespmem:$0x18800] =	vst v63  }
0x1a: {  	_ =	swait.ge [sflag:s19], $0x80  }
0x1b: {  	[sflag:s19] =	ssyncset.done $0x0  }
0x1c: {  	s23 =	simm.s32 $0x400;
	[sflag:s19] =	ssyncadd.s32 $0xFFFFFF80  }
0x1d: {  	[tilespmem:s23], [sflag:$0x2] =	stream.linear.gather [hbm4b:s7+s2], $0x80, $0x38;
	[tilespmem:$0x18800] =	vst v63  }
0x1e: {  	_ =	swait.ge [sflag:s19], $0x80  }
0x1f: {  	[sflag:s19] =	ssyncset.done $0x0  }
0x20: {  	[sflag:s19] =	ssyncadd.s32 $0xFFFFFF80  }
0x21: {  	[tilespmem:s22], [sflag:$0x2] =	stream.linear.gather [hbm4b:s8+s2], $0x80, $0x38;
	[tilespmem:$0x18800] =	vst v63  }
0x22: {  	_ =	swait.ge [sflag:s19], $0x80  }
0x23: {  	[sflag:s19] =	ssyncset.done $0x0  }
0x24: {  	s24 =	simm.s32 $0x280;
	[sflag:s19] =	ssyncadd.s32 $0xFFFFFF80  }
0x25: {  	[tilespmem:s24], [sflag:$0x2] =	stream.linear.gather [hbm4b:s9+s2], $0x80, $0x38;
	[tilespmem:$0x18800] =	vst v63  }
0x26: {  	_ =	swait.ge [sflag:s19], $0x80  }
0x27: {  	[sflag:s19] =	ssyncset.done $0x0  }
0x28: {  	[sflag:s19] =	ssyncadd.s32 $0xFFFFFF80  }
0x29: {  	[tilespmem:s25], [sflag:$0x2] =	stream.linear.gather [hbm4b:s10+s2], $0x80, $0x38;
	[tilespmem:$0x18800] =	vst v63  }
0x2a: {  	_ =	swait.ge [sflag:s19], $0x80  }
0x2b: {  	[sflag:s19] =	ssyncset.done $0x0  }
0x2c: {  	[sflag:s19] =	ssyncadd.s32 $0xFFFFFF80  }
0x2d: {  	[tilespmem:s26], [sflag:$0x2] =	stream.linear.gather [hbm4b:s11+s2], $0x80, $0x38;
	[tilespmem:$0x18800] =	vst v63  }
0x2e: {  	_ =	swait.ge [sflag:s19], $0x80  }
0x2f: {  	[sflag:s19] =	ssyncset.done $0x0  }
0x30: {  	[sflag:s19] =	ssyncadd.s32 $0xFFFFFF80  }
0x31: {  	[tilespmem:s28], [sflag:$0x2] =	stream.linear.gather [hbm4b:s12+s2], $0x80, $0x38;
	[tilespmem:$0x18800] =	vst v63  }
0x32: {  	_ =	swait.ge [sflag:s19], $0x80  }
0x33: {  	[sflag:s19] =	ssyncset.done $0x0  }
0x34: {  	[sflag:s19] =	ssyncadd.s32 $0xFFFFFF80  }
0x35: {  	[tilespmem:s29], [sflag:$0x2] =	stream.linear.gather [hbm4b:s13+s2], $0x80, $0x38;
	[tilespmem:$0x18800] =	vst v63  }
0x36: {  	_ =	swait.ge [sflag:s19], $0x80  }
0x37: {  	[sflag:s19] =	ssyncset.done $0x0  }
0x38: {  	s5 =	simm.s32 $0x180;
	[sflag:s19] =	ssyncadd.s32 $0xFFFFFF80  }
0x39: {  	[tilespmem:s5], [sflag:$0x2] =	stream.linear.gather [hbm4b:s14+s2], $0x80, $0x38;
	[tilespmem:$0x18800] =	vst v63  }
0x3a: {  	_ =	swait.ge [sflag:s19], $0x80  }
0x3b: {  	[sflag:s19] =	ssyncset.done $0x0  }
0x3c: {  	[sflag:s19] =	ssyncadd.s32 $0xFFFFFF80  }
0x3d: {  	[tilespmem:s31], [sflag:$0x2] =	stream.linear.gather [hbm4b:s15+s2], $0x80, $0x38;
	[tilespmem:$0x18800] =	vst v63  }
0x3e: {  	_ =	swait.ge [sflag:s19], $0x80  }
0x3f: {  	[sflag:s19] =	ssyncset.done $0x0  }
0x40: {  	[sflag:s19] =	ssyncadd.s32 $0xFFFFFF80  }
0x41: {  	[tilespmem:s6], [sflag:$0x2] =	stream.linear.gather [hbm4b:s16+s2], $0x80, $0x38;
	[tilespmem:$0x18800] =	vst v63  }
0x42: {  	_ =	swait.ge [sflag:s19], $0x80  }
0x43: {  	[sflag:s19] =	ssyncset.done $0x0  }
0x44: {  	s30 =	simm.s32 $0x600;
	[sflag:s19] =	ssyncadd.s32 $0xFFFFFF80  }
0x45: {  	[tilespmem:s30], [sflag:$0x1] =	stream.indirect.gather [hbm4b:s3+s22], $0x40, s2, s22, $0xb8;
	[tilespmem:$0x18800] =	vst v63  }
0x46: {  	s30 =	simm.s32 $0x8600  }
0x47: {  	[tilespmem:s30], [sflag:$0x1] =	stream.indirect.gather [hbm4b:s4+s22], $0x40, s21, s22, $0xb8;
	[tilespmem:$0x18800] =	vst v63  }
0x48: {  	s30 =	simm.s32 $0x10600  }
0x49: {  	[tilespmem:s30], [sflag:$0x1] =	stream.indirect.gather [hbm4b:s4+s22], $0x40, s23, s22, $0xb8;
	[tilespmem:$0x18800] =	vst v63  }
0x4a: {  	s30 =	simm.s32 $0x2600  }
0x4b: {  	[tilespmem:s30], [sflag:$0x1] =	stream.indirect.gather [hbm4b:s3+s22], $0x40, s22, s22, $0xb8;
	[tilespmem:$0x18800] =	vst v63  }
0x4c: {  	s23 =	simm.s32 $0xA600  }
0x4d: {  	[tilespmem:s23], [sflag:$0x1] =	stream.indirect.gather [hbm4b:s4+s22], $0x40, s24, s22, $0xb8;
	[tilespmem:$0x18800] =	vst v63  }
0x4e: {  	s24 =	simm.s32 $0x12600  }
0x4f: {  	[tilespmem:s24], [sflag:$0x1] =	stream.indirect.gather [hbm4b:s4+s22], $0x40, s25, s22, $0xb8;
	[tilespmem:$0x18800] =	vst v63  }
0x50: {  	s30 =	simm.s32 $0x4600  }
0x51: {  	[tilespmem:s30], [sflag:$0x1] =	stream.indirect.gather [hbm4b:s3+s22], $0x40, s26, s22, $0xb8;
	[tilespmem:$0x18800] =	vst v63  }
0x52: {  	s23 =	simm.s32 $0xC600  }
0x53: {  	[tilespmem:s23], [sflag:$0x1] =	stream.indirect.gather [hbm4b:s4+s22], $0x40, s28, s22, $0xb8;
	[tilespmem:$0x18800] =	vst v63  }
0x54: {  	s24 =	simm.s32 $0x14600  }
0x55: {  	[tilespmem:s24], [sflag:$0x1] =	stream.indirect.gather [hbm4b:s4+s22], $0x40, s29, s22, $0xb8;
	[tilespmem:$0x18800] =	vst v63  }
0x56: {  	s30 =	simm.s32 $0x6600  }
0x57: {  	[tilespmem:s30], [sflag:$0x1] =	stream.indirect.gather [hbm4b:s3+s22], $0x40, s5, s22, $0xb8;
	[tilespmem:$0x18800] =	vst v63  }
0x58: {  	s23 =	simm.s32 $0xE600  }
0x59: {  	[tilespmem:s23], [sflag:$0x1] =	stream.indirect.gather [hbm4b:s4+s22], $0x40, s31, s22, $0xb8;
	[tilespmem:$0x18800] =	vst v63  }
0x5a: {  	s24 =	simm.s32 $0x16600  }
0x5b: {  	[tilespmem:s24], [sflag:$0x1] =	stream.indirect.gather [hbm4b:s4+s22], $0x40, s6, s22, $0xb8;
	[tilespmem:$0x18800] =	vst v63  }
0x5c: {  	_ =	swait.ge [sflag:s0], $0x2000  }
0x5d: {  	[sflag:s0] =	ssyncset.done $0x0  }
0x5e: {  	[sflag:s0] =	ssyncadd.s32 $0xFFFFE000  }
0x5f: {  	_ =	swait.ge [sflag:s0], $0x2000  }
0x60: {  	[sflag:s0] =	ssyncset.done $0x0  }
0x61: {  	[sflag:s0] =	ssyncadd.s32 $0xFFFFE000  }
0x62: {  	_ =	swait.ge [sflag:s0], $0x2000  }
0x63: {  	[sflag:s0] =	ssyncset.done $0x0  }
0x64: {  	[sflag:s0] =	ssyncadd.s32 $0xFFFFE000  }
0x65: {  	_ =	swait.ge [sflag:s0], $0x2000  }
0x66: {  	[sflag:s0] =	ssyncset.done $0x0  }
0x67: {  	[sflag:s0] =	ssyncadd.s32 $0xFFFFE000  }
0x68: {  	_ =	swait.ge [sflag:s0], $0x2000  }
0x69: {  	[sflag:s0] =	ssyncset.done $0x0  }
0x6a: {  	[sflag:s0] =	ssyncadd.s32 $0xFFFFE000  }
0x6b: {  	_ =	swait.ge [sflag:s0], $0x2000  }
0x6c: {  	[sflag:s0] =	ssyncset.done $0x0  }
0x6d: {  	[sflag:s0] =	ssyncadd.s32 $0xFFFFE000  }
0x6e: {  	_ =	swait.ge [sflag:s0], $0x2000  }
0x6f: {  	[sflag:s0] =	ssyncset.done $0x0  }
0x70: {  	[sflag:s0] =	ssyncadd.s32 $0xFFFFE000  }
0x71: {  	_ =	swait.ge [sflag:s0], $0x2000  }
0x72: {  	[sflag:s0] =	ssyncset.done $0x0  }
0x73: {  	[sflag:s0] =	ssyncadd.s32 $0xFFFFE000  }
0x74: {  	_ =	swait.ge [sflag:s0], $0x2000  }
0x75: {  	[sflag:s0] =	ssyncset.done $0x0  }
0x76: {  	[sflag:s0] =	ssyncadd.s32 $0xFFFFE000  }
0x77: {  	_ =	swait.ge [sflag:s0], $0x2000  }
0x78: {  	[sflag:s0] =	ssyncset.done $0x0  }
0x79: {  	[sflag:s0] =	ssyncadd.s32 $0xFFFFE000  }
0x7a: {  	_ =	swait.ge [sflag:s0], $0x2000  }
0x7b: {  	[sflag:s0] =	ssyncset.done $0x0  }
0x7c: {  	[sflag:s0] =	ssyncadd.s32 $0xFFFFE000  }
0x7d: {  	_ =	swait.ge [sflag:s0], $0x2000  }
0x7e: {  	[sflag:s0] =	ssyncset.done $0x0  }
0x7f: {  	s30 =	simm.s32 $0x0;
	[sflag:s0] =	ssyncadd.s32 $0xFFFFE000  }
0x80: {  	v0 =	vld [tilespmem:s30+$0x89F0];
	_ =	sdelay $0x4  }
0x81: {  	[tilespmem:$0x1FB90] =	vst v0;
	v0 =	vld [tilespmem:s30+$0x9B0];
	_ =	sdelay $0x4  }
0x82: {  	[tilespmem:$0x1F7A0] =	vst v0;
	v0 =	vld [tilespmem:s30+$0x9D0];
	_ =	sdelay $0x4  }
0x83: {  	[tilespmem:$0x1FB60] =	vst v0;
	v0 =	vld [tilespmem:s30+$0x89E0];
	_ =	sdelay $0x4  }
0x84: {  	[tilespmem:$0x1FB80] =	vst v0;
	v0 =	vld [tilespmem:s30+$0x9A0];
	_ =	sdelay $0x1  }
0x85: {  	v56 =	vld [tilespmem:s30+$0x89B0]  }
0x86: {  	v47 =	vld [tilespmem:s30+$0x109B0]  }
0x87: {  	v54 =	vld [tilespmem:s30+$0x109D0]  }
0x88: {  	[tilespmem:$0x1F790] =	vst v0;
	v0 =	vld [tilespmem:s30+$0x9C0]  }
0x89: {  	v57 =	vld [tilespmem:s30+$0x89A0]  }
0x8a: {  	v58 =	vld [tilespmem:s30+$0x109A0]  }
0x8b: {  	v59 =	vld [tilespmem:s30+$0x89C0]  }
0x8c: {  	v60 =	vld [tilespmem:s30+$0x109C0]  }
0x8d: {  	[tilespmem:$0x1FB50] =	vst v0;
	v0 =	vld [tilespmem:s30+$0x89D0]  }
0x8e: {  	v61 =	vld [tilespmem:s30+$0x8930]  }
0x8f: {  	v62 =	vld [tilespmem:s30+$0x10930]  }
0x90: {  	v63 =	vld [tilespmem:s30+$0x8960]  }
0x91: {  	v2 =	vld [tilespmem:s30+$0x820]  }
0x92: {  	[tilespmem:$0x1F770] =	vst v0;
	v0 =	vld [tilespmem:s30+$0x930]  }
0x93: {  	v43 =	vld [tilespmem:s30+$0x10960]  }
0x94: {  	v18 =	vld [tilespmem:s30+$0x980]  }
0x95: {  	v16 =	vld [tilespmem:s30+$0x8990]  }
0x96: {  	[tilespmem:$0x1F900] =	vst v2;
	v2 =	vld [tilespmem:s30+$0x850]  }
0x97: {  	[tilespmem:$0x1F7D0] =	vst v0;
	v0 =	vld [tilespmem:s30+$0x8970]  }
0x98: {  	v15 =	vld [tilespmem:s30+$0x10990]  }
0x99: {  	v35 =	vld [tilespmem:s30+$0x88F0]  }
0x9a: {  	v33 =	vld [tilespmem:s30+$0x108F0]  }
0x9b: {  	[tilespmem:$0x1F840] =	vst v2;
	v2 =	vld [tilespmem:s30+$0x8860]  }
0x9c: {  	[tilespmem:$0x1FB30] =	vst v0;
	v0 =	vld [tilespmem:s30+$0x10970]  }
0x9d: {  	v42 =	vld [tilespmem:s30+$0x8920]  }
0x9e: {  	v39 =	vld [tilespmem:s30+$0x10920]  }
0x9f: {  	v41 =	vld [tilespmem:s30+$0x8950]  }
0xa0: {  	[tilespmem:$0x1F820] =	vst v2;
	v2 =	vld [tilespmem:s30+$0x880]  }
0xa1: {  	[tilespmem:$0x1FB40] =	vst v0;
	v0 =	vld [tilespmem:s30+$0x990]  }
0xa2: {  	v38 =	vld [tilespmem:s30+$0x10950]  }
0xa3: {  	v9 =	vld [tilespmem:s30+$0x8980]  }
0xa4: {  	v6 =	vld [tilespmem:s30+$0x10980]  }
0xa5: {  	[tilespmem:$0x1FAD0] =	vst v2;
	v2 =	vld [tilespmem:s30+$0x8890]  }
0xa6: {  	[tilespmem:$0x1F780] =	vst v0;
	v0 =	vld [tilespmem:s30+$0x8F0]  }
0xa7: {  	v40 =	vld [tilespmem:s30+$0x88E0]  }
0xa8: {  	v37 =	vld [tilespmem:s30+$0x108E0]  }
0xa9: {  	v14 =	vld [tilespmem:s30+$0x900]  }
0xaa: {  	[tilespmem:$0x1F850] =	vst v2;
	v2 =	vld [tilespmem:s30+$0x10890]  }
0xab: {  	[tilespmem:$0x1F830] =	vst v0;
	v0 =	vld [tilespmem:s30+$0x920]  }
0xac: {  	v13 =	vld [tilespmem:s30+$0x8910]  }
0xad: {  	v12 =	vld [tilespmem:s30+$0x10910]  }
0xae: {  	v55 =	vld [tilespmem:s30+$0x8940]  }
0xaf: {  	[tilespmem:$0x1F860] =	vst v2;
	v2 =	vld [tilespmem:s30+$0x7B0]  }
0xb0: {  	[tilespmem:$0x1F7C0] =	vst v0;
	v0 =	vld [tilespmem:s30+$0x8E0]  }
0xb1: {  	v52 =	vld [tilespmem:s30+$0x10940]  }
0xb2: {  	v36 =	vld [tilespmem:s30+$0x8870]  }
0xb3: {  	v34 =	vld [tilespmem:s30+$0x10870]  }
0xb4: {  	[tilespmem:$0x1F9F0] =	vst v2;
	v2 =	vld [tilespmem:s30+$0x7E0]  }
0xb5: {  	[tilespmem:$0x1F810] =	vst v0;
	v0 =	vld [tilespmem:s30+$0x910]  }
0xb6: {  	v22 =	vld [tilespmem:s30+$0x8C0]  }
0xb7: {  	v23 =	vld [tilespmem:s30+$0x88D0]  }
0xb8: {  	v21 =	vld [tilespmem:s30+$0x108D0]  }
0xb9: {  	[tilespmem:$0x1FAE0] =	vst v2;
	v2 =	vld [tilespmem:s30+$0x87F0]  }
0xba: {  	[tilespmem:$0x1F7B0] =	vst v0;
	v0 =	vld [tilespmem:s30+$0x940]  }
0xbb: {  	v1 =	vld [tilespmem:s30+$0x8900]  }
0xbc: {  	v50 =	vld [tilespmem:s30+$0x8830]  }
0xbd: {  	v7 =	vld [tilespmem:s30+$0x760]  }
0xbe: {  	[tilespmem:$0x1FAF0] =	vst v2;
	v2 =	vld [tilespmem:s30+$0x810]  }
0xbf: {  	[tilespmem:$0x1FB00] =	vst v0;
	v0 =	vld [tilespmem:s30+$0x870]  }
0xc0: {  	v45 =	vld [tilespmem:s30+$0x10830]  }
0xc1: {  	v46 =	vld [tilespmem:s30+$0x10860]  }
0xc2: {  	[tilespmem:$0x1FA20] =	vst v7;
	v7 =	vld [tilespmem:s30+$0x8770]  }
0xc3: {  	[tilespmem:$0x1F8E0] =	vst v2;
	v2 =	vld [tilespmem:s30+$0x8820]  }
0xc4: {  	[tilespmem:$0x1F8B0] =	vst v0;
	v0 =	vld [tilespmem:s30+$0x8A0]  }
0xc5: {  	v5 =	vld [tilespmem:s30+$0x88C0]  }
0xc6: {  	v4 =	vld [tilespmem:s30+$0x108C0]  }
0xc7: {  	[tilespmem:$0x1F8F0] =	vst v7;
	v7 =	vld [tilespmem:s30+$0x790]  }
0xc8: {  	[tilespmem:$0x1F870] =	vst v2;
	v2 =	vld [tilespmem:s30+$0x8880]  }
0xc9: {  	[tilespmem:$0x1FB10] =	vst v0;
	v0 =	vld [tilespmem:s30+$0x88B0]  }
0xca: {  	v51 =	vld [tilespmem:s30+$0x10820]  }
0xcb: {  	v20 =	vld [tilespmem:s30+$0x840]  }
0xcc: {  	[tilespmem:$0x1F940] =	vst v7;
	v7 =	vld [tilespmem:s30+$0x87A0]  }
0xcd: {  	[tilespmem:$0x1F890] =	vst v2;
	v2 =	vld [tilespmem:s30+$0x10880]  }
0xce: {  	[tilespmem:$0x1FB20] =	vst v0;
	v0 =	vld [tilespmem:s30+$0x8D0]  }
0xcf: {  	v19 =	vld [tilespmem:s30+$0x8850]  }
0xd0: {  	v17 =	vld [tilespmem:s30+$0x10850]  }
0xd1: {  	[tilespmem:$0x1F910] =	vst v7;
	v7 =	vld [tilespmem:s30+$0x107A0]  }
0xd2: {  	[tilespmem:$0x1F8A0] =	vst v2;
	v2 =	vld [tilespmem:s30+$0x770]  }
0xd3: {  	[tilespmem:$0x1F7E0] =	vst v0;
	v0 =	vld [tilespmem:s30+$0x830]  }
0xd4: {  	v48 =	vld [tilespmem:s30+$0x87B0]  }
0xd5: {  	v44 =	vld [tilespmem:s30+$0x107B0]  }
0xd6: {  	[tilespmem:$0x1F920] =	vst v7;
	v7 =	vld [tilespmem:s30+$0x7C0]  }
0xd7: {  	[tilespmem:$0x1FA40] =	vst v2;
	v2 =	vld [tilespmem:s30+$0x7A0]  }
0xd8: {  	[tilespmem:$0x1F930] =	vst v0;
	v0 =	vld [tilespmem:s30+$0x860]  }
0xd9: {  	v32 =	vld [tilespmem:s30+$0x800]  }
0xda: {  	v31 =	vld [tilespmem:s30+$0x8810]  }
0xdb: {  	[tilespmem:$0x1FAA0] =	vst v7;
	v7 =	vld [tilespmem:s30+$0x87D0]  }
0xdc: {  	[tilespmem:$0x1F990] =	vst v2;
	v2 =	vld [tilespmem:s30+$0x87E0]  }
0xdd: {  	[tilespmem:$0x1F880] =	vst v0;
	v0 =	vld [tilespmem:s30+$0x88A0]  }
0xde: {  	v30 =	vld [tilespmem:s30+$0x10810]  }
0xdf: {  	v3 =	vld [tilespmem:s30+$0x8840]  }
0xe0: {  	[tilespmem:$0x1F950] =	vst v7;
	v7 =	vld [tilespmem:s30+$0x107D0]  }
0xe1: {  	[tilespmem:$0x1F8C0] =	vst v2;
	v2 =	vld [tilespmem:s30+$0x107E0]  }
0xe2: {  	[tilespmem:$0x1F7F0] =	vst v0;
	v0 =	vld [tilespmem:s30+$0x108A0]  }
0xe3: {  	v49 =	vld [tilespmem:s30+$0x10770]  }
0xe4: {  	v11 =	vld [tilespmem:s30+$0x8800]  }
0xe5: {  	v10 =	vld [tilespmem:s30+$0x10800];
	[tilespmem:$0x1F960] =	vst v7  }
0xe6: {  	[tilespmem:$0x1F8D0] =	vst v2;
	v2 =	vld [tilespmem:s30+$0x10840]  }
0xe7: {  	[tilespmem:$0x1F800] =	vst v0;
	v0 =	vld [tilespmem:s30+$0x10900]  }
0xe8: {  	v7 =	vld [tilespmem:s30+$0x6F0]  }
0xe9: {  	v27 =	vld [tilespmem:s30+$0x780]  }
0xea: {  	v26 =	vld [tilespmem:s30+$0x8790]  }
0xeb: {  	v24 =	vld [tilespmem:s30+$0x10790]  }
0xec: {  	v29 =	vld [tilespmem:s30+$0x740]  }
0xed: {  	v28 =	vld [tilespmem:s30+$0x8750]  }
0xee: {  	v25 =	vld [tilespmem:s30+$0x10750]  }
0xef: {  	v8 =	vld [tilespmem:s30+$0x8780]  }
0xf0: {  	v53 =	vld [tilespmem:s30+$0x630]  }
0xf1: {  	v6 =	vsub.f32 v9, v6;
	v9 =	vld [tilespmem:s30+$0x106B0]  }
0xf2: {  	v56 =	vsub.f32 v56, v47;
	v47 =	vld [tilespmem:s30+$0x6D0]  }
0xf3: {  	v6 =	vmul.f32 v6, v18;
	v18 =	vsub.f32 v16, v15;
	v15 =	vld [tilespmem:$0x1F770]  }
0xf4: {  	v57 =	vsub.f32 v57, v58;
	v58 =	vld [tilespmem:s30+$0x106E0]  }
0xf5: {  	v61 =	vsub.f32 v61, v62;
	v62 =	vld [tilespmem:$0x1F780]  }
0xf6: {  	v33 =	vsub.f32 v35, v33;
	v35 =	vld [tilespmem:s30+$0x10710]  }
0xf7: {  	v12 =	vsub.f32 v13, v12;
	v13 =	vsub.f32 v42, v39;
	v39 =	vld [tilespmem:s30+$0x8740]  }
0xf8: {  	v21 =	vsub.f32 v23, v21;
	v23 =	vsub.f32 v36, v34;
	v36 =	vld [tilespmem:s30+$0x690]  }
0xf9: {  	v3 =	vsub.f32 v3, v2;
	v2 =	vld [tilespmem:$0x1F7F0]  }
0xfa: {  	v37 =	vsub.f32 v40, v37;
	v40 =	vld [tilespmem:s30+$0x86A0]  }
0xfb: {  	v34 =	vld [tilespmem:s30+$0x106A0]  }
0xfc: {  	v20 =	vmul.f32 v3, v20;
	v3 =	vsub.f32 v19, v17;
	v17 =	vld [tilespmem:s30+$0x6C0]  }
0xfd: {  	[tilespmem:$0x1FA50] =	vst v7;
	v7 =	vld [tilespmem:s30+$0x720]  }
0xfe: {  	v10 =	vsub.f32 v11, v10;
	v19 =	vld [tilespmem:$0x1F820]  }
0xff: {  	v42 =	vld [tilespmem:s30+$0x106D0]  }
0x100: {  	v32 =	vmul.f32 v10, v32;
	v10 =	vld [tilespmem:$0x1F8A0]  }
0x101: {  	v30 =	vsub.f32 v31, v30;
	v31 =	vld [tilespmem:s30+$0x610]  }
0x102: {  	[tilespmem:$0x1FAB0] =	vst v7;
	v7 =	vld [tilespmem:s30+$0x8730]  }
0x103: {  	v16 =	vsub.f32 v59, v60;
	v59 =	vld [tilespmem:$0x1F900]  }
0x104: {  	v50 =	vsub.f32 v50, v45;
	v45 =	vld [tilespmem:s30+$0x680]  }
0x105: {  	v44 =	vsub.f32 v48, v44;
	v48 =	vld [tilespmem:s30+$0x86C0]  }
0x106: {  	v0 =	vsub.f32 v1, v0;
	v1 =	vsub.f32 v63, v43;
	v43 =	vld [tilespmem:s30+$0x8710]  }
0x107: {  	[tilespmem:$0x1FAC0] =	vst v7;
	v7 =	vld [tilespmem:s30+$0x750]  }
0x108: {  	v63 =	vld [tilespmem:$0x1F800]  }
0x109: {  	[tilespmem:$0x1FA90] =	vst v53;
	v53 =	vld [tilespmem:s30+$0x6A0]  }
0x10a: {  	v15 =	vsub.f32 v15, v54;
	v54 =	vld [tilespmem:s30+$0x700]  }
0x10b: {  	v18 =	vmul.f32 v18, v62;
	v62 =	vld [tilespmem:$0x1F7E0]  }
0x10c: {  	[tilespmem:$0x1F9A0] =	vst v7;
	v7 =	vld [tilespmem:s30+$0x8760]  }
0x10d: {  	v19 =	vsub.f32 v19, v46;
	v46 =	vld [tilespmem:s30+$0x10620]  }
0x10e: {  	v6 =	vadd.f32 $0.0e+00, v6;
	v24 =	vsub.f32 v26, v24;
	v26 =	vld [tilespmem:$0x1F910]  }
0x10f: {  	v14 =	vmul.f32 v0, v14;
	v0 =	vsub.f32 v41, v38;
	v38 =	vld [tilespmem:s30+$0x10740]  }
0x110: {  	v6 =	vadd.f32 v18, v6;
	v18 =	vld [tilespmem:$0x1F790]  }
0x111: {  	[tilespmem:$0x1F970] =	vst v7;
	v7 =	vld [tilespmem:s30+$0x10760]  }
0x112: {  	[tilespmem:$0x1FB70] =	vst v15;
	v15 =	vld [tilespmem:s30+$0x86E0]  }
0x113: {  	v2 =	vsub.f32 v2, v63;
	v63 =	vld [tilespmem:$0x1F960]  }
0x114: {  	[tilespmem:$0x1FA80] =	vst v53;
	v53 =	vld [tilespmem:s30+$0x86B0]  }
0x115: {  	v21 =	vmul.f32 v21, v62;
	v62 =	vld [tilespmem:$0x1F950];
	v18 =	vmul.f32 v57, v18  }
0x116: {  	[tilespmem:$0x1F980] =	vst v7;
	v7 =	vld [tilespmem:s30+$0x87C0]  }
0x117: {  	v6 =	vadd.f32 v18, v6;
	v18 =	vld [tilespmem:$0x1F7A0]  }
0x118: {  	v57 =	vsub.f32 v5, v4;
	v4 =	vld [tilespmem:$0x1F7B0]  }
0x119: {  	v5 =	vld [tilespmem:$0x1F7C0]  }
0x11a: {  	v15 =	vsub.f32 v15, v58;
	v58 =	vld [tilespmem:s30+$0x8640]  }
0x11b: {  	[tilespmem:$0x1F9B0] =	vst v7;
	v7 =	vld [tilespmem:s30+$0x107C0]  }
0x11c: {  	[tilespmem:$0x1FA30] =	vst v53;
	v53 =	vld [tilespmem:$0x1F860];
	v18 =	vmul.f32 v56, v18  }
0x11d: {  	v38 =	vsub.f32 v39, v38;
	v39 =	vsub.f32 v62, v63;
	v62 =	vld [tilespmem:s30+$0x10680]  }
0x11e: {  	v63 =	vld [tilespmem:$0x1FA30];
	v60 =	vmul.f32 v13, v5;
	v5 =	vadd.f32 v18, v6;
	v6 =	vmul.f32 v57, v22  }
0x11f: {  	v12 =	vmul.f32 v12, v4;
	v4 =	vld [tilespmem:s30+$0x620]  }
0x120: {  	v6 =	vadd.f32 $0.0e+00, v6;
	[tilespmem:$0x1F9C0] =	vst v7;
	v7 =	vld [tilespmem:s30+$0x6B0]  }
0x121: {  	v14 =	vadd.f32 $0.0e+00, v14;
	v13 =	vld [tilespmem:s30+$0x660]  }
0x122: {  	v6 =	vadd.f32 v21, v6;
	v21 =	vld [tilespmem:$0x1F810]  }
0x123: {  	v14 =	vadd.f32 v12, v14;
	v12 =	vld [tilespmem:$0x1F7D0]  }
0x124: {  	v56 =	vld [tilespmem:$0x1F8D0]  }
0x125: {  	[tilespmem:$0x1FA60] =	vst v7;
	v7 =	vld [tilespmem:s30+$0x6E0]  }
0x126: {  	v18 =	vld [tilespmem:s30+$0x8630]  }
0x127: {  	v22 =	vld [tilespmem:s30+$0x10630];
	v21 =	vmul.f32 v37, v21  }
0x128: {  	v57 =	vld [tilespmem:$0x1F8E0]  }
0x129: {  	v6 =	vadd.f32 v21, v6;
	v21 =	vld [tilespmem:$0x1F830]  }
0x12a: {  	[tilespmem:$0x1FA70] =	vst v7;
	v7 =	vld [tilespmem:s30+$0x86F0]  }
0x12b: {  	v61 =	vmul.f32 v61, v12;
	v12 =	vsub.f32 v55, v52;
	v52 =	vld [tilespmem:$0x1F840]  }
0x12c: {  	v14 =	vadd.f32 v60, v14;
	v60 =	vld [tilespmem:$0x1F930]  }
0x12d: {  	v9 =	vsub.f32 v63, v9;
	v63 =	vld [tilespmem:s30+$0x10660]  }
0x12e: {  	v14 =	vadd.f32 v61, v14;
	v61 =	vld [tilespmem:$0x1F940]  }
0x12f: {  	v21 =	vmul.f32 v33, v21;
	[tilespmem:$0x1F9D0] =	vst v7;
	v7 =	vld [tilespmem:s30+$0x106F0]  }
0x130: {  	v41 =	vmul.f32 v3, v52;
	v52 =	vld [tilespmem:$0x1F9A0]  }
0x131: {  	v11 =	vadd.f32 v21, v6;
	v6 =	vld [tilespmem:$0x1F870]  }
0x132: {  	v3 =	vld [tilespmem:$0x1F850]  }
0x133: {  	v20 =	vadd.f32 $0.0e+00, v20;
	v37 =	vld [tilespmem:s30+$0x10690]  }
0x134: {  	v25 =	vsub.f32 v28, v25;
	v29 =	vmul.f32 v38, v29;
	[tilespmem:$0x1F9E0] =	vst v7;
	v7 =	vld [tilespmem:s30+$0x8720]  }
0x135: {  	v20 =	vadd.f32 v41, v20;
	v41 =	vld [tilespmem:s30+$0x10700]  }
0x136: {  	v29 =	vadd.f32 $0.0e+00, v29;
	v25 =	vmul.f32 v25, v52;
	v55 =	vsub.f32 v6, v51;
	v6 =	vld [tilespmem:$0x1F880]  }
0x137: {  	v3 =	vsub.f32 v3, v53;
	v53 =	vld [tilespmem:$0x1F9B0]  }
0x138: {  	v25 =	vadd.f32 v25, v29;
	v29 =	vld [tilespmem:$0x1FA20]  }
0x139: {  	v32 =	vadd.f32 $0.0e+00, v32;
	v30 =	vmul.f32 v30, v57;
	[tilespmem:$0x1FA00] =	vst v7;
	v7 =	vld [tilespmem:s30+$0x10720]  }
0x13a: {  	v33 =	vld [tilespmem:s30+$0x86D0]  }
0x13b: {  	v30 =	vadd.f32 v30, v32;
	v32 =	vmul.f32 v55, v59;
	v19 =	vmul.f32 v19, v6;
	v6 =	vld [tilespmem:$0x1F890]  }
0x13c: {  	v51 =	vld [tilespmem:$0x1F980]  }
0x13d: {  	v30 =	vadd.f32 v32, v30;
	v32 =	vmul.f32 v50, v60;
	v50 =	vld [tilespmem:$0x1F970]  }
0x13e: {  	[tilespmem:$0x1FA10] =	vst v7;
	v7 =	vld [tilespmem:s30+$0x10780]  }
0x13f: {  	v59 =	vld [tilespmem:s30+$0x8680]  }
0x140: {  	v6 =	vsub.f32 v6, v10;
	v10 =	vld [tilespmem:$0x1F8B0]  }
0x141: {  	v28 =	vadd.f32 v32, v30;
	v30 =	vld [tilespmem:s30+$0x106C0]  }
0x142: {  	v21 =	vld [tilespmem:s30+$0x8700];
	v32 =	vsub.f32 v50, v51  }
0x143: {  	v55 =	vld [tilespmem:$0x1F9C0];
	v7 =	vsub.f32 v8, v7  }
0x144: {  	v18 =	vsub.f32 v18, v22;
	v22 =	vsub.f32 v59, v62;
	v62 =	vld [tilespmem:$0x1FA70];
	v29 =	vmul.f32 v32, v29  }
0x145: {  	v19 =	vadd.f32 v19, v20;
	v20 =	vmul.f32 v23, v10;
	v10 =	vld [tilespmem:$0x1F8C0];
	v7 =	vmul.f32 v7, v27  }
0x146: {  	v30 =	vsub.f32 v48, v30;
	v25 =	vadd.f32 v29, v25;
	v29 =	vld [tilespmem:$0x1FA40]  }
0x147: {  	v24 =	vmul.f32 v24, v61;
	v27 =	vld [tilespmem:$0x1F920];
	v7 =	vadd.f32 $0.0e+00, v7  }
0x148: {  	v17 =	vmul.f32 v30, v17;
	v30 =	vsub.f32 v33, v42;
	v57 =	vld [tilespmem:$0x1F9E0]  }
0x149: {  	v7 =	vadd.f32 v24, v7;
	v24 =	vld [tilespmem:$0x1F990]  }
0x14a: {  	v30 =	vmul.f32 v30, v47;
	v17 =	vadd.f32 $0.0e+00, v17;
	v10 =	vsub.f32 v10, v56;
	v56 =	vld [tilespmem:$0x1F9D0]  }
0x14b: {  	v23 =	vld [tilespmem:s30+$0x8620]  }
0x14c: {  	v17 =	vadd.f32 v30, v17;
	v30 =	vld [tilespmem:s30+$0x10650];
	v26 =	vsub.f32 v26, v27  }
0x14d: {  	v60 =	vld [tilespmem:$0x1FA00]  }
0x14e: {  	v8 =	vadd.f32 v20, v19;
	v20 =	vld [tilespmem:$0x1F8F0];
	v24 =	vmul.f32 v26, v24  }
0x14f: {  	v50 =	vsub.f32 v56, v57;
	v56 =	vld [tilespmem:s30+$0x10600]  }
0x150: {  	v7 =	vadd.f32 v24, v7;
	v24 =	vld [tilespmem:$0x1F9F0]  }
0x151: {  	v61 =	vld [tilespmem:$0x1FA10]  }
0x152: {  	v19 =	vld [tilespmem:s30+$0x8660]  }
0x153: {  	v20 =	vsub.f32 v20, v49;
	v49 =	vld [tilespmem:s30+$0x8610]  }
0x154: {  	v27 =	vld [tilespmem:s30+$0x8690]  }
0x155: {  	v20 =	vmul.f32 v20, v29;
	v29 =	vld [tilespmem:s30+$0x8600];
	v24 =	vmul.f32 v44, v24  }
0x156: {  	v26 =	vld [tilespmem:s30+$0x600]  }
0x157: {  	v7 =	vadd.f32 v24, v7;
	v24 =	vld [tilespmem:s30+$0x10610]  }
0x158: {  	v35 =	vsub.f32 v43, v35;
	(xrf2) =	vadd.scan.msk.f32 $0xffff, v5;
	v51 =	vsub.f32 v60, v61;
	v60 =	vld [tilespmem:s30+$0x10640]  }
0x159: {  	(xrf2) =	vadd.scan.msk.f32 $0xffff, v14;
	v21 =	vsub.f32 v21, v41;
	v38 =	vsub.f32 v53, v55;
	v61 =	vld [tilespmem:s30+$0x8650]  }
0x15a: {  	(xrf2) =	vadd.scan.msk.f32 $0xffff, v11;
	v20 =	vadd.f32 v20, v25;
	v25 =	vld [tilespmem:s30+$0x640];
	v29 =	vsub.f32 v29, v56  }
0x15b: {  	v59 =	vsub.f32 v40, v34;
	v15 =	vmul.f32 v15, v62;
	(xrf2) =	vadd.scan.msk.f32 $0xffff, v8;
	v8 =	vld [tilespmem:$0x1FA90];
	v27 =	vsub.f32 v27, v37  }
0x15c: {  	v22 =	vmul.f32 v22, v45;
	v26 =	vmul.f32 v29, v26;
	v29 =	vld [tilespmem:s30+$0x650];
	v24 =	vsub.f32 v49, v24  }
0x15d: {  	v15 =	vadd.f32 v15, v17;
	v17 =	vsub.f32 v58, v60;
	v27 =	vmul.f32 v27, v36;
	v36 =	vld [tilespmem:s30+$0x8670]  }
0x15e: {  	v23 =	vsub.f32 v23, v46;
	v26 =	vadd.f32 $0.0e+00, v26;
	v24 =	vmul.f32 v24, v31;
	v31 =	vld [tilespmem:s30+$0x10670]  }
0x15f: {  	v22 =	vadd.f32 $0.0e+00, v22;
	v5 =	vmul.f32 v17, v25;
	v17 =	vsub.f32 v61, v30;
	v25 =	vld [tilespmem:s30+$0x710]  }
0x160: {  	v4 =	vmul.f32 v23, v4;
	v23 =	vld [tilespmem:s30+$0x670];
	v19 =	vsub.f32 v19, v63;
	v14 =	vadd.f32 v24, v26  }
0x161: {  	v22 =	vadd.f32 v27, v22;
	v27 =	vld [tilespmem:$0x1FA80];
	v5 =	vadd.f32 $0.0e+00, v5;
	v11 =	vmul.f32 v17, v29  }
0x162: {  	v55 =	vld [tilespmem:$0x1FA50];
	v8 =	vmul.f32 v18, v8;
	v4 =	vadd.f32 v4, v14;
	v14 =	vmul.f32 v21, v54  }
0x163: {  	v57 =	vld [tilespmem:$0x1FA60];
	(xrf2) =	vadd.scan.msk.f32 $0xffff, v28;
	v5 =	vadd.f32 v11, v5;
	v11 =	vmul.f32 v19, v13;
	v13 =	vsub.f32 v36, v31  }
0x164: {  	(xrf2) =	vadd.scan.msk.f32 $0xffff, v7;
	v4 =	vadd.f32 v8, v4;
	v7 =	vadd.f32 $0.0e+00, v14;
	v8 =	vmul.f32 v35, v25  }
0x165: {  	v5 =	vadd.f32 v11, v5;
	v11 =	vmul.f32 v13, v23;
	v13 =	vld [tilespmem:$0x1FAA0]  }
0x166: {  	v27 =	vmul.f32 v59, v27;
	v7 =	vadd.f32 v8, v7;
	v8 =	vld [tilespmem:$0x1FAB0]  }
0x167: {  	v48 =	vmul.f32 v50, v55;
	v18 =	vld [tilespmem:s30+$0x7D0]  }
0x168: {  	v9 =	vmul.f32 v9, v57;
	v22 =	vadd.f32 v27, v22  }
0x169: {  	v15 =	vadd.f32 v48, v15  }
0x16a: {  	(xrf2) =	vadd.scan.msk.f32 $0xffff, v20;
	v9 =	vadd.f32 v9, v22;
	v13 =	vmul.f32 v38, v13  }
0x16b: {  	(xrf2) =	vadd.scan.msk.f32 $0xffff, v15;
	v8 =	vmul.f32 v51, v8  }
0x16c: {  	v17 =	vld [tilespmem:s30+$0x10730];
	(xrf2) =	vadd.scan.msk.f32 $0xffff, v9;
	v5 =	vadd.f32 v11, v5;
	v11 =	vmul.f32 v39, v18;
	v9 =	vadd.f32 $0.0e+00, v13  }
0x16d: {  	(xrf2) =	vadd.scan.msk.f32 $0xffff, v4;
	v4 =	vadd.f32 v8, v7;
	v8 =	vld [tilespmem:$0x1FAD0]  }
0x16e: {  	v9 =	vadd.f32 v11, v9;
	v11 =	vld [tilespmem:$0x1FAE0]  }
0x16f: {  	v20 =	vld [tilespmem:s30+$0x890]  }
0x170: {  	v15 =	vld [tilespmem:$0x1FAC0]  }
0x171: {  	v19 =	vld [tilespmem:s30+$0x730]  }
0x172: {  	v14 =	vld [tilespmem:s30+$0x107F0];
	v6 =	vmul.f32 v6, v8  }
0x173: {  	v10 =	vmul.f32 v10, v11;
	v11 =	vld [tilespmem:$0x1FAF0]  }
0x174: {  	v3 =	vmul.f32 v3, v20;
	v6 =	vadd.f32 $0.0e+00, v6  }
0x175: {  	v15 =	vsub.f32 v15, v17;
	v17 =	vld [tilespmem:s30+$0x7F0]  }
0x176: {  	v3 =	vadd.f32 v3, v6;
	v6 =	vld [tilespmem:$0x1FB10]  }
0x177: {  	v7 =	vmul.f32 v15, v19  }
0x178: {  	v13 =	vld [tilespmem:s30+$0x108B0];
	v11 =	vsub.f32 v11, v14  }
0x179: {  	v4 =	vadd.f32 v7, v4;
	v7 =	vld [tilespmem:s30+$0x960]  }
0x17a: {  	v9 =	vadd.f32 v10, v9;
	v10 =	vmul.f32 v11, v17;
	v11 =	vld [tilespmem:$0x1FB00]  }
0x17b: {  	v2 =	vmul.f32 v2, v6;
	v6 =	vld [tilespmem:$0x1FB20]  }
0x17c: {  	v8 =	vld [tilespmem:s30+$0x950]  }
0x17d: {  	v14 =	vld [tilespmem:s30+$0x8B0];
	_ =	sdelay $0x2  }
0x17e: {  	v11 =	vmul.f32 v12, v11;
	v6 =	vsub.f32 v6, v13  }
0x17f: {  	v1 =	vmul.f32 v1, v7;
	v7 =	vld [tilespmem:$0x1FB50];
	v0 =	vmul.f32 v0, v8;
	v9 =	vadd.f32 v10, v9  }
0x180: {  	v2 =	vadd.f32 v2, v3;
	v10 =	vadd.f32 $0.0e+00, v11;
	v3 =	vmul.f32 v6, v14;
	v6 =	vld [tilespmem:$0x1FB30]  }
0x181: {  	v14 =	vld [tilespmem:$0x1FB40]  }
0x182: {  	v15, _, _ =	vpop (xrf2);
	v0 =	vadd.f32 v0, v10;
	v10 =	vld [tilespmem:$0x1FB70]  }
0x183: {  	(xrf2) =	vadd.scan.msk.f32 $0xffff, v5;
	v5, _, _ =	vpop (xrf2);
	v2 =	vadd.f32 v3, v2;
	v3 =	vld [tilespmem:$0x1FB60]  }
0x184: {  	v18, _, _ =	vpop (xrf2)  }
0x185: {  	v17, _, _ =	vpop (xrf2);
	v13 =	vld [tilespmem:s30+$0x970]  }
0x186: {  	(xrf2) =	vadd.scan.msk.f32 $0xffff, v4;
	v4, _, _ =	vpop (xrf2)  }
0x187: {  	v7 =	vmul.f32 v16, v7;
	v12 =	vld [tilespmem:s30+$0x109E0];
	v11, _, _ =	vpop (xrf2)  }
0x188: {  	v19, _, _ =	vpop (xrf2);
	v6 =	vsub.f32 v6, v14;
	v3 =	vmul.f32 v10, v3;
	v10 =	vld [tilespmem:$0x1FB80]  }
0x189: {  	v8 =	vld [tilespmem:s30+$0x109F0];
	(xrf2) =	vadd.scan.msk.f32 $0xffff, v9;
	v9, _, _ =	vpop (xrf2)  }
0x18a: {  	v0 =	vadd.f32 v1, v0;
	v16, _, _ =	vpop (xrf2);
	v14 =	vld [tilespmem:s30+$0x9E0];
	v1 =	vmul.f32 v6, v13;
	v6 =	vadd.f32 $0.0e+00, v7  }
0x18b: {  	v7, _, _ =	vpop (xrf2);
	v13 =	vld [tilespmem:$0x1FB90]  }
0x18c: {  	v0 =	vadd.f32 v1, v0;
	v1 =	vadd.f32 v3, v6;
	v6 =	vbroadcast v7, $0xF  }
0x18d: {  	v3, _, _ =	vpop (xrf2);
	v10 =	vsub.f32 v10, v12;
	v12 =	vld [tilespmem:s30+$0x9F0]  }
0x18e: {  	(xrf2) =	vadd.scan.msk.f32 $0xffff, v2;
	v3 =	vbroadcast v3, $0xF  }
0x18f: {  	v7 =	vbroadcast v16, $0xF  }
0x190: {  	(xrf2) =	vadd.scan.msk.f32 $0xffff, v0;
	v8 =	vsub.f32 v13, v8;
	v2 =	vmul.f32 v10, v14;
	v0 =	vsel vm0, v6, v3;
	v6, _, _ =	vpop (xrf2)  }
0x191: {  	v3 =	vbroadcast v9, $0xF;
	v6 =	vbroadcast v6, $0xF  }
0x192: {  	v0 =	vsel vm1, v0, v7;
	v1 =	vadd.f32 v2, v1;
	v2 =	vmul.f32 v8, v12  }
0x193: {  	v0 =	vsel vm2, v0, v3  }
0x194: {  	v3 =	vbroadcast v11, $0xF;
	v1 =	vadd.f32 v2, v1;
	v2 =	vbroadcast v19, $0xF  }
0x195: {  	v0 =	vsel vm3, v0, v6;
	v6, _, _ =	vpop (xrf2)  }
0x196: {  	(xrf2) =	vadd.scan.msk.f32 $0xffff, v1;
	v0 =	vsel vm4, v0, v2;
	v1 =	vbroadcast v6, $0xF  }
0x197: {  	v2 =	vbroadcast v4, $0xF;
	v0 =	vsel vm5, v0, v3  }
0x198: {  	v3, _, _ =	vpop (xrf2);
	v0 =	vsel vm6, v0, v1;
	v1 =	vbroadcast v17, $0xF  }
0x199: {  	v0 =	vsel vm7, v0, v2;
	v2 =	vbroadcast v3, $0xF  }
0x19a: {  	v0 =	vsel vm8, v0, v1;
	v1 =	vbroadcast v18, $0xF  }
0x19b: {  	v3, _, _ =	vpop (xrf2);
	v0 =	vsel vm9, v0, v2  }
0x19c: {  	v2 =	vbroadcast v5, $0xF;
	v0 =	vsel vm10, v0, v1;
	v1 =	vbroadcast v3, $0xF;
	_ =	sdelay $0x1  }
0x19d: {  	v0 =	vsel vm11, v0, v2;
	v2 =	vbroadcast v15, $0xF  }
0x19e: {  	v0 =	vsel vm12, v0, v1  }
0x19f: {  	v0 =	vsel vm13, v0, v2;
	v1, _, _ =	vpop (xrf2)  }
0x1a0: {  	v0 =	vsel vm14, v0, v1  }
0x1a1: {  	s21 =	simm.s32 $0x400;
	[tilespmem:s1+$0x0] =	vst v0  }
0x1a2: {  	v44 =	vld [tilespmem:s21+$0x89F0]  }
0x1a3: {  	v0 =	vld [tilespmem:s21+$0x9B0]  }
0x1a4: {  	v47 =	vld [tilespmem:s21+$0x9A0]  }
0x1a5: {  	v27 =	vld [tilespmem:s21+$0x109B0]  }
0x1a6: {  	v28 =	vld [tilespmem:s21+$0x109D0]  }
0x1a7: {  	v33 =	vld [tilespmem:s21+$0x89A0]  }
0x1a8: {  	v36 =	vld [tilespmem:s21+$0x109A0]  }
0x1a9: {  	v37 =	vld [tilespmem:s21+$0x89C0]  }
0x1aa: {  	v38 =	vld [tilespmem:s21+$0x109C0]  }
0x1ab: {  	v39 =	vld [tilespmem:s21+$0x8930]  }
0x1ac: {  	v41 =	vld [tilespmem:s21+$0x10930]  }
0x1ad: {  	v49 =	vld [tilespmem:s21+$0x8960]  }
0x1ae: {  	v50 =	vld [tilespmem:s21+$0x10960]  }
0x1af: {  	v46 =	vld [tilespmem:s21+$0x980]  }
0x1b0: {  	v51 =	vld [tilespmem:s21+$0x8990]  }
0x1b1: {  	[tilespmem:$0x1FD10] =	vst v0;
	v0 =	vld [tilespmem:s21+$0x9D0]  }
0x1b2: {  	v52 =	vld [tilespmem:s21+$0x10990]  }
0x1b3: {  	v53 =	vld [tilespmem:s21+$0x88F0]  }
0x1b4: {  	v54 =	vld [tilespmem:s21+$0x108F0]  }
0x1b5: {  	v55 =	vld [tilespmem:s21+$0x8920]  }
0x1b6: {  	[tilespmem:$0x1FBA0] =	vst v0;
	v0 =	vld [tilespmem:s21+$0x89E0]  }
0x1b7: {  	v56 =	vld [tilespmem:s21+$0x10920]  }
0x1b8: {  	v57 =	vld [tilespmem:s21+$0x8950]  }
0x1b9: {  	v58 =	vld [tilespmem:s21+$0x10950]  }
0x1ba: {  	v29 =	vld [tilespmem:s21+$0x8980]  }
0x1bb: {  	[tilespmem:$0x1FBB0] =	vst v0;
	v0 =	vld [tilespmem:s21+$0x89B0]  }
0x1bc: {  	v59 =	vld [tilespmem:s21+$0x10980]  }
0x1bd: {  	v60 =	vld [tilespmem:s21+$0x88E0]  }
0x1be: {  	v61 =	vld [tilespmem:s21+$0x108E0]  }
0x1bf: {  	v62 =	vld [tilespmem:s21+$0x900]  }
0x1c0: {  	[tilespmem:$0x1FCB0] =	vst v0;
	v0 =	vld [tilespmem:s21+$0x9C0]  }
0x1c1: {  	v63 =	vld [tilespmem:s21+$0x8910]  }
0x1c2: {  	v10 =	vld [tilespmem:s21+$0x10910]  }
0x1c3: {  	v42 =	vld [tilespmem:s21+$0x10940]  }
0x1c4: {  	v26 =	vld [tilespmem:s21+$0x8870]  }
0x1c5: {  	[tilespmem:$0x1FBC0] =	vst v0;
	v0 =	vld [tilespmem:s21+$0x89D0]  }
0x1c6: {  	v20 =	vld [tilespmem:s21+$0x10870]  }
0x1c7: {  	v15 =	vld [tilespmem:s21+$0x8C0]  }
0x1c8: {  	v16 =	vld [tilespmem:s21+$0x88D0]  }
0x1c9: {  	v2 =	vld [tilespmem:s21+$0x820]  }
0x1ca: {  	[tilespmem:$0x1FCC0] =	vst v0;
	v0 =	vld [tilespmem:s21+$0x930]  }
0x1cb: {  	v14 =	vld [tilespmem:s21+$0x108D0]  }
0x1cc: {  	v1 =	vld [tilespmem:s21+$0x8900]  }
0x1cd: {  	v24 =	vld [tilespmem:s21+$0x8830]  }
0x1ce: {  	[tilespmem:$0x1FE80] =	vst v2;
	v2 =	vld [tilespmem:s21+$0x850]  }
0x1cf: {  	[tilespmem:$0x1FD40] =	vst v0;
	v0 =	vld [tilespmem:s21+$0x8970]  }
0x1d0: {  	v32 =	vld [tilespmem:s21+$0x10830]  }
0x1d1: {  	v40 =	vld [tilespmem:s21+$0x10860]  }
0x1d2: {  	v5 =	vld [tilespmem:s21+$0x88C0]  }
0x1d3: {  	[tilespmem:$0x1FDC0] =	vst v2;
	v2 =	vld [tilespmem:s21+$0x8860]  }
0x1d4: {  	[tilespmem:$0x1FBD0] =	vst v0;
	v0 =	vld [tilespmem:s21+$0x10970]  }
0x1d5: {  	v4 =	vld [tilespmem:s21+$0x108C0]  }
0x1d6: {  	v43 =	vld [tilespmem:s21+$0x10820]  }
0x1d7: {  	v13 =	vld [tilespmem:s21+$0x840]  }
0x1d8: {  	[tilespmem:$0x1FDA0] =	vst v2;
	v2 =	vld [tilespmem:s21+$0x880]  }
0x1d9: {  	[tilespmem:$0x1FBE0] =	vst v0;
	v0 =	vld [tilespmem:s21+$0x990]  }
0x1da: {  	v12 =	vld [tilespmem:s21+$0x8850]  }
0x1db: {  	v11 =	vld [tilespmem:s21+$0x10850]  }
0x1dc: {  	v48 =	vld [tilespmem:s21+$0x87B0]  }
0x1dd: {  	[tilespmem:$0x1FC20] =	vst v2;
	v2 =	vld [tilespmem:s21+$0x8890]  }
0x1de: {  	[tilespmem:$0x1FCF0] =	vst v0;
	v0 =	vld [tilespmem:s21+$0x8F0]  }
0x1df: {  	v35 =	vld [tilespmem:s21+$0x107B0]  }
0x1e0: {  	v30 =	vld [tilespmem:s21+$0x800]  }
0x1e1: {  	v31 =	vld [tilespmem:s21+$0x8810]  }
0x1e2: {  	[tilespmem:$0x1FDD0] =	vst v2;
	v2 =	vld [tilespmem:s21+$0x10890]  }
0x1e3: {  	[tilespmem:$0x1FDB0] =	vst v0;
	v0 =	vld [tilespmem:s21+$0x920]  }
0x1e4: {  	v23 =	vld [tilespmem:s21+$0x10810]  }
0x1e5: {  	v3 =	vld [tilespmem:s21+$0x8840]  }
0x1e6: {  	v6 =	vld [tilespmem:s21+$0x760]  }
0x1e7: {  	[tilespmem:$0x1FDE0] =	vst v2;
	v2 =	vld [tilespmem:s21+$0x7B0]  }
0x1e8: {  	[tilespmem:$0x1FD30] =	vst v0;
	v0 =	vld [tilespmem:s21+$0x8E0]  }
0x1e9: {  	v17 =	vld [tilespmem:s21+$0x10770]  }
0x1ea: {  	v9 =	vld [tilespmem:s21+$0x8800]  }
0x1eb: {  	v7 =	vld [tilespmem:s21+$0x6F0]  }
0x1ec: {  	[tilespmem:$0x1FF70] =	vst v2;
	v2 =	vld [tilespmem:s21+$0x7E0]  }
0x1ed: {  	[tilespmem:$0x1FD90] =	vst v0;
	v0 =	vld [tilespmem:s21+$0x910]  }
0x1ee: {  	v21 =	vld [tilespmem:s21+$0x780]  }
0x1ef: {  	v19 =	vld [tilespmem:s21+$0x8790]  }
0x1f0: {  	v18 =	vld [tilespmem:s21+$0x10790]  }
0x1f1: {  	[tilespmem:$0x1FC30] =	vst v2;
	v2 =	vld [tilespmem:s21+$0x87F0]  }
0x1f2: {  	[tilespmem:$0x1FD20] =	vst v0;
	v0 =	vld [tilespmem:s21+$0x940]  }
0x1f3: {  	v25 =	vld [tilespmem:s21+$0x740]  }
0x1f4: {  	v34 =	vld [tilespmem:s21+$0x8750]  }
0x1f5: {  	v22 =	vld [tilespmem:s21+$0x10750]  }
0x1f6: {  	[tilespmem:$0x1FC40] =	vst v2;
	v2 =	vld [tilespmem:s21+$0x810]  }
0x1f7: {  	[tilespmem:$0x1FBF0] =	vst v0;
	v0 =	vld [tilespmem:s21+$0x870]  }
0x1f8: {  	v8 =	vld [tilespmem:s21+$0x8780]  }
0x1f9: {  	v45 =	vld [tilespmem:s21+$0x630]  }
0x1fa: {  	[tilespmem:$0x1FFA0] =	vst v6;
	v6 =	vld [tilespmem:s21+$0x8770]  }
0x1fb: {  	[tilespmem:$0x1FE60] =	vst v2;
	v2 =	vld [tilespmem:s21+$0x8820]  }
0x1fc: {  	[tilespmem:$0x1FE30] =	vst v0;
	v0 =	vld [tilespmem:s21+$0x8A0]  }
0x1fd: {  	[tilespmem:$0x1FFE0] =	vst v7;
	v7 =	vld [tilespmem:s21+$0x720]  }
0x1fe: {  	[tilespmem:$0x1FC90] =	vst v45;
	v45 =	vld [tilespmem:s21+$0x6A0]  }
0x1ff: {  	v59 =	vsub.f32 v29, v59;
	v29 =	vld [tilespmem:s21+$0x106B0]  }
0x200: {  	[tilespmem:$0x1FDF0] =	vst v2;
	v2 =	vld [tilespmem:s21+$0x8880]  }
0x201: {  	v38 =	vsub.f32 v37, v38;
	[tilespmem:$0x1FC00] =	vst v0;
	v0 =	vld [tilespmem:s21+$0x88B0]  }
0x202: {  	v51 =	vsub.f32 v51, v52;
	v52 =	vld [tilespmem:s21+$0x106E0]  }
0x203: {  	[tilespmem:$0x1FCE0] =	vst v38;
	v38 =	vld [tilespmem:s21+$0x610]  }
0x204: {  	[tilespmem:$0x1FE70] =	vst v6;
	v6 =	vld [tilespmem:s21+$0x790]  }
0x205: {  	[tilespmem:$0x1FE10] =	vst v2;
	v2 =	vld [tilespmem:s21+$0x10880]  }
0x206: {  	[tilespmem:$0x1FC10] =	vst v0;
	v0 =	vld [tilespmem:s21+$0x8D0]  }
0x207: {  	[tilespmem:$0x1FFC0] =	vst v29;
	v29 =	vld [tilespmem:$0x1FCB0]  }
0x208: {  	[tilespmem:$0x1FC60] =	vst v7;
	v7 =	vld [tilespmem:s21+$0x8730]  }
0x209: {  	[tilespmem:$0x1FCA0] =	vst v45;
	v45 =	vld [tilespmem:s21+$0x86B0]  }
0x20a: {  	[tilespmem:$0x1FE20] =	vst v2;
	v2 =	vld [tilespmem:s21+$0x770]  }
0x20b: {  	[tilespmem:$0x1FD60] =	vst v0;
	v0 =	vld [tilespmem:s21+$0x8940]  }
0x20c: {  	v27 =	vsub.f32 v29, v27;
	v29 =	vld [tilespmem:$0x1FCC0]  }
0x20d: {  	[tilespmem:$0x1FC70] =	vst v7;
	v7 =	vld [tilespmem:s21+$0x750]  }
0x20e: {  	v59 =	vmul.f32 v59, v46;
	[tilespmem:$0x1FEC0] =	vst v6;
	v46 =	vld [tilespmem:$0x1FCF0]  }
0x20f: {  	[tilespmem:$0x1FFD0] =	vst v2;
	v2 =	vld [tilespmem:s21+$0x7A0]  }
0x210: {  	[tilespmem:$0x1FD50] =	vst v0;
	v0 =	vld [tilespmem:s21+$0x830]  }
0x211: {  	v6 =	vld [tilespmem:s21+$0x87A0];
	[tilespmem:$0x1FFB0] =	vst v45;
	v28 =	vsub.f32 v29, v28  }
0x212: {  	[tilespmem:$0x1FF20] =	vst v7;
	v7 =	vld [tilespmem:s21+$0x8760]  }
0x213: {  	v45 =	vld [tilespmem:s21+$0x6D0];
	[tilespmem:$0x1FCD0] =	vst v28  }
0x214: {  	v28 =	vsub.f32 v33, v36;
	v36 =	vmul.f32 v51, v46;
	v51 =	vadd.f32 $0.0e+00, v59;
	[tilespmem:$0x1FF10] =	vst v2;
	v2 =	vld [tilespmem:s21+$0x87E0]  }
0x215: {  	[tilespmem:$0x1FEB0] =	vst v0;
	v0 =	vld [tilespmem:s21+$0x860]  }
0x216: {  	v11 =	vsub.f32 v12, v11;
	v12 =	vld [tilespmem:$0x1FDA0];
	v28 =	vmul.f32 v28, v47;
	v36 =	vadd.f32 v36, v51  }
0x217: {  	[tilespmem:$0x1FEF0] =	vst v7;
	v7 =	vld [tilespmem:s21+$0x10760]  }
0x218: {  	v36 =	vadd.f32 v28, v36;
	v28 =	vld [tilespmem:$0x1FD10]  }
0x219: {  	[tilespmem:$0x1FE40] =	vst v2;
	v2 =	vld [tilespmem:s21+$0x107E0]  }
0x21a: {  	[tilespmem:$0x1FE00] =	vst v0;
	v0 =	vld [tilespmem:s21+$0x88A0]  }
0x21b: {  	v14 =	vsub.f32 v16, v14;
	v16 =	vld [tilespmem:$0x1FD50]  }
0x21c: {  	[tilespmem:$0x1FE90] =	vst v6;
	v6 =	vld [tilespmem:s21+$0x107A0]  }
0x21d: {  	[tilespmem:$0x1FF00] =	vst v7;
	v7 =	vld [tilespmem:s21+$0x87C0]  }
0x21e: {  	v27 =	vmul.f32 v27, v28;
	[tilespmem:$0x1FE50] =	vst v2;
	v2 =	vld [tilespmem:s21+$0x10840]  }
0x21f: {  	v10 =	vsub.f32 v63, v10;
	[tilespmem:$0x1FD70] =	vst v0;
	v0 =	vld [tilespmem:s21+$0x108A0]  }
0x220: {  	v63 =	vadd.f32 v27, v36;
	v27 =	vsub.f32 v16, v42;
	v16 =	vld [tilespmem:$0x1FD60]  }
0x221: {  	[tilespmem:$0x1FEA0] =	vst v6;
	v6 =	vld [tilespmem:s21+$0x7C0]  }
0x222: {  	[tilespmem:$0x1FF30] =	vst v7;
	v7 =	vld [tilespmem:s21+$0x107C0]  }
0x223: {  	v4 =	vsub.f32 v5, v4;
	v28 =	vld [tilespmem:$0x1FD30]  }
0x224: {  	v2 =	vsub.f32 v3, v2;
	v3 =	vld [tilespmem:$0x1FD70];
	[tilespmem:$0x1FD80] =	vst v0  }
0x225: {  	v4 =	vmul.f32 v4, v15;
	v14 =	vmul.f32 v14, v16;
	v16 =	vld [tilespmem:$0x1FD80]  }
0x226: {  	[tilespmem:$0x1FC50] =	vst v6;
	v6 =	vld [tilespmem:s21+$0x87D0]  }
0x227: {  	v4 =	vadd.f32 $0.0e+00, v4;
	v12 =	vsub.f32 v12, v40;
	v40 =	vld [tilespmem:s21+$0x10600]  }
0x228: {  	v33 =	vsub.f32 v39, v41;
	v41 =	vsub.f32 v55, v56;
	v5 =	vld [tilespmem:$0x1FD20]  }
0x229: {  	[tilespmem:$0x1FF40] =	vst v7;
	v7 =	vld [tilespmem:s21+$0x6B0]  }
0x22a: {  	v37 =	vmul.f32 v41, v28;
	v28 =	vsub.f32 v3, v16;
	v3 =	vadd.f32 v14, v4;
	v4 =	vld [tilespmem:$0x1FD90]  }
0x22b: {  	[tilespmem:$0x1FED0] =	vst v6;
	v6 =	vld [tilespmem:s21+$0x107D0]  }
0x22c: {  	v29 =	vld [tilespmem:s21+$0x86E0]  }
0x22d: {  	v15 =	vld [tilespmem:$0x1FD40];
	v5 =	vmul.f32 v10, v5;
	v10 =	vsub.f32 v60, v61  }
0x22e: {  	[tilespmem:$0x1FFF0] =	vst v7;
	v7 =	vld [tilespmem:s21+$0x6E0]  }
0x22f: {  	v0 =	vld [tilespmem:s21+$0x10900];
	v4 =	vmul.f32 v10, v4  }
0x230: {  	v55 =	vld [tilespmem:s21+$0x8630]  }
0x231: {  	v3 =	vadd.f32 v4, v3;
	v4 =	vld [tilespmem:$0x1FDB0]  }
0x232: {  	v56 =	vld [tilespmem:s21+$0x10630]  }
0x233: {  	[tilespmem:$0x1FC80] =	vst v7;
	v7 =	vld [tilespmem:s21+$0x86F0]  }
0x234: {  	v39 =	vld [tilespmem:s21+$0x8660];
	v0 =	vsub.f32 v1, v0;
	v1 =	vsub.f32 v53, v54  }
0x235: {  	[tilespmem:$0x1FEE0] =	vst v6;
	v6 =	vld [tilespmem:s21+$0x10800]  }
0x236: {  	v1 =	vmul.f32 v1, v4;
	v4 =	vld [tilespmem:$0x1FDC0]  }
0x237: {  	v47 =	vld [tilespmem:s21+$0x10710]  }
0x238: {  	[tilespmem:$0x1FF50] =	vst v7;
	v7 =	vld [tilespmem:s21+$0x106F0]  }
0x239: {  	v2 =	vmul.f32 v2, v13;
	v13 =	vld [tilespmem:$0x1FDE0];
	v0 =	vmul.f32 v0, v62  }
0x23a: {  	v6 =	vsub.f32 v9, v6;
	v9 =	vadd.f32 v1, v3;
	v3 =	vld [tilespmem:$0x1FDF0]  }
0x23b: {  	v0 =	vadd.f32 $0.0e+00, v0;
	v4 =	vmul.f32 v11, v4;
	v11 =	vld [tilespmem:$0x1FDD0]  }
0x23c: {  	v15 =	vmul.f32 v33, v15;
	v33 =	vld [tilespmem:s21+$0x690]  }
0x23d: {  	v59 =	vld [tilespmem:s21+$0x700];
	v0 =	vadd.f32 v5, v0  }
0x23e: {  	[tilespmem:$0x1FF60] =	vst v7;
	v7 =	vld [tilespmem:s21+$0x8720]  }
0x23f: {  	v14 =	vld [tilespmem:$0x1FE10];
	v5 =	vsub.f32 v26, v20;
	v0 =	vadd.f32 v37, v0  }
0x240: {  	v26 =	vsub.f32 v11, v13;
	v13 =	vsub.f32 v3, v43;
	v3 =	vld [tilespmem:$0x1FE00]  }
0x241: {  	v10 =	vadd.f32 v15, v0;
	v15 =	vld [tilespmem:$0x1FE20]  }
0x242: {  	v46 =	vld [tilespmem:s21+$0x8710]  }
0x243: {  	[tilespmem:$0x1FF80] =	vst v7;
	v7 =	vld [tilespmem:s21+$0x10720];
	v2 =	vadd.f32 $0.0e+00, v2  }
0x244: {  	v51 =	vld [tilespmem:s21+$0x660]  }
0x245: {  	v20 =	vld [tilespmem:$0x1FE50];
	v2 =	vadd.f32 v4, v2;
	v4 =	vmul.f32 v12, v3  }
0x246: {  	v6 =	vmul.f32 v6, v30;
	v30 =	vsub.f32 v14, v15;
	v14 =	vld [tilespmem:$0x1FE40]  }
0x247: {  	v2 =	vadd.f32 v4, v2;
	v4 =	vld [tilespmem:$0x1FE30]  }
0x248: {  	[tilespmem:$0x1FF90] =	vst v7;
	v7 =	vld [tilespmem:s21+$0x10780]  }
0x249: {  	[tilespmem:$0x1FD00] =	vst v59;
	v59 =	vsub.f32 v49, v50;
	v50 =	vld [tilespmem:s21+$0x8740]  }
0x24a: {  	v49 =	vld [tilespmem:s21+$0x620]  }
0x24b: {  	v41 =	vld [tilespmem:s21+$0x106A0]  }
0x24c: {  	v12 =	vsub.f32 v31, v23;
	v31 =	vsub.f32 v14, v20;
	v14 =	vld [tilespmem:$0x1FE60];
	v5 =	vmul.f32 v5, v4  }
0x24d: {  	v7 =	vsub.f32 v8, v7;
	v8 =	vld [tilespmem:$0x1FE80]  }
0x24e: {  	v5 =	vadd.f32 v5, v2;
	v2 =	vld [tilespmem:$0x1FE70]  }
0x24f: {  	v60 =	vld [tilespmem:s21+$0x86D0]  }
0x250: {  	v7 =	vmul.f32 v7, v21;
	v21 =	vld [tilespmem:s21+$0x86C0]  }
0x251: {  	v16 =	vld [tilespmem:s21+$0x6C0];
	v12 =	vmul.f32 v12, v14;
	v14 =	vadd.f32 $0.0e+00, v6  }
0x252: {  	v62 =	vld [tilespmem:s21+$0x10740]  }
0x253: {  	v37 =	vld [tilespmem:s21+$0x86A0];
	v8 =	vmul.f32 v13, v8;
	v61 =	vsub.f32 v2, v17;
	v2 =	vadd.f32 v12, v14  }
0x254: {  	v0 =	vsub.f32 v24, v32;
	v24 =	vld [tilespmem:s21+$0x10680]  }
0x255: {  	v2 =	vadd.f32 v8, v2;
	v8 =	vld [tilespmem:$0x1FEB0]  }
0x256: {  	v1 =	vld [tilespmem:s21+$0x8700]  }
0x257: {  	v11 =	vld [tilespmem:s21+$0x106D0]  }
0x258: {  	v13 =	vld [tilespmem:$0x1FE90]  }
0x259: {  	v17 =	vld [tilespmem:$0x1FEA0]  }
0x25a: {  	v3 =	vld [tilespmem:s21+$0x10700];
	v0 =	vmul.f32 v0, v8  }
0x25b: {  	v23 =	vld [tilespmem:s21+$0x8690];
	v12 =	vsub.f32 v19, v18  }
0x25c: {  	v18 =	vsub.f32 v50, v62;
	v62 =	vadd.f32 v0, v2;
	v0 =	vld [tilespmem:$0x1FEF0]  }
0x25d: {  	v2 =	vld [tilespmem:$0x1FF00]  }
0x25e: {  	v13 =	vsub.f32 v13, v17;
	v17 =	vld [tilespmem:$0x1FEC0]  }
0x25f: {  	v20 =	vld [tilespmem:$0x1FF60]  }
0x260: {  	v6 =	vld [tilespmem:s21+$0x10620]  }
0x261: {  	v19 =	vld [tilespmem:$0x1FEE0]  }
0x262: {  	v18 =	vmul.f32 v18, v25;
	v25 =	vsub.f32 v0, v2;
	v0 =	vld [tilespmem:$0x1FF10]  }
0x263: {  	v12 =	vmul.f32 v12, v17;
	v17 =	vld [tilespmem:$0x1FED0]  }
0x264: {  	v4 =	vld [tilespmem:s21+$0x8620]  }
0x265: {  	v7 =	vadd.f32 $0.0e+00, v7;
	v14 =	vld [tilespmem:s21+$0x680]  }
0x266: {  	v8 =	vld [tilespmem:s21+$0x10690]  }
0x267: {  	v2 =	vadd.f32 v12, v7;
	v7 =	vmul.f32 v13, v0;
	v0 =	vld [tilespmem:$0x1FF20]  }
0x268: {  	v32 =	vsub.f32 v17, v19;
	v17 =	vld [tilespmem:$0x1FF50]  }
0x269: {  	v12 =	vld [tilespmem:s21+$0x600]  }
0x26a: {  	v19 =	vsub.f32 v34, v22;
	v7 =	vadd.f32 v7, v2;
	v2 =	vld [tilespmem:$0x1FF70]  }
0x26b: {  	v22 =	vld [tilespmem:s21+$0x106C0]  }
0x26c: {  	v18 =	vadd.f32 $0.0e+00, v18;
	v13 =	vld [tilespmem:$0x1FF40];
	v19 =	vmul.f32 v19, v0  }
0x26d: {  	(xrf2) =	vadd.scan.msk.f32 $0xffff, v63;
	v15 =	vsub.f32 v48, v35;
	v63 =	vsub.f32 v17, v20;
	v20 =	vld [tilespmem:$0x1FF90]  }
0x26e: {  	v18 =	vadd.f32 v19, v18;
	v19 =	vld [tilespmem:$0x1FFA0]  }
0x26f: {  	v15 =	vmul.f32 v15, v2;
	v2 =	vld [tilespmem:$0x1FF80]  }
0x270: {  	v17 =	vld [tilespmem:s21+$0x8680]  }
0x271: {  	v15 =	vadd.f32 v15, v7;
	v7 =	vld [tilespmem:$0x1FFD0]  }
0x272: {  	v0 =	vld [tilespmem:$0x1FF30]  }
0x273: {  	(xrf2) =	vadd.scan.msk.f32 $0xffff, v10;
	v10 =	vsub.f32 v21, v22;
	v25 =	vmul.f32 v25, v19;
	v19 =	vld [tilespmem:$0x1FFB0]  }
0x274: {  	(xrf2) =	vadd.scan.msk.f32 $0xffff, v9;
	v2 =	vsub.f32 v2, v20;
	v20 =	vld [tilespmem:$0x1FFC0]  }
0x275: {  	(xrf2) =	vadd.scan.msk.f32 $0xffff, v5;
	v5 =	vmul.f32 v10, v16;
	v10 =	vld [tilespmem:$0x1FFF0]  }
0x276: {  	v21 =	vadd.f32 v25, v18;
	v25 =	vmul.f32 v61, v7;
	v7 =	vld [tilespmem:$0x1FFE0]  }
0x277: {  	v57 =	vsub.f32 v57, v58;
	v35 =	vsub.f32 v29, v52;
	v34 =	vld [tilespmem:s21+$0x8600]  }
0x278: {  	v9 =	vsub.f32 v55, v56;
	v22 =	vsub.f32 v60, v11;
	v11 =	vld [tilespmem:s21+$0x8640]  }
0x279: {  	v0 =	vsub.f32 v0, v13;
	v13 =	vld [tilespmem:s21+$0x8610];
	v20 =	vsub.f32 v19, v20  }
0x27a: {  	v42 =	vsub.f32 v17, v24;
	v16 =	vadd.f32 v25, v21;
	v21 =	vld [tilespmem:s21+$0x640]  }
0x27b: {  	s23 =	simm.s32 $0x18600;
	s24 =	simm.s32 $0x2000;
	v19 =	vld [tilespmem:s21+$0x10610];
	v25, _, _ =	vpop (xrf2);
	(xrf2) =	vadd.scan.msk.f32 $0xffff, v62;
	v18 =	vmul.f32 v63, v7;
	v7 =	vsub.f32 v46, v47;
	v10 =	vmul.f32 v20, v10  }
.LBB2_2:
0x27c: {  	_ = 	snop  }
0x27d: {  	v8 =	vsub.f32 v23, v8;
	v23 =	vsub.f32 v1, v3;
	v1 =	vld [tilespmem:$0x1FC80]  }
0x27e: {  	v3 =	vsub.f32 v34, v40;
	_ =	sdelay $0x1  }
0x27f: {  	v20 =	vmul.f32 v3, v12;
	v12 =	vsub.f32 v13, v19  }
0x280: {  	v47 =	vadd.f32 $0.0e+00, v5;
	v5, _, _ =	vpop (xrf2);
	(xrf2) =	vadd.scan.msk.f32 $0xffff, v15;
	v14 =	vmul.f32 v42, v14;
	v4 =	vsub.f32 v4, v6  }
0x281: {  	v12 =	vmul.f32 v12, v38;
	v17 =	vmul.f32 v35, v1;
	v1, _, _ =	vpop (xrf2);
	(xrf2) =	vadd.scan.msk.f32 $0xffff, v16;
	v16 =	vadd.f32 $0.0e+00, v20  }
0x282: {  	v14 =	vadd.f32 $0.0e+00, v14;
	v8 =	vmul.f32 v8, v33  }
0x283: {  	v4 =	vmul.f32 v4, v49;
	v12 =	vadd.f32 v12, v16  }
0x284: {  	v8 =	vadd.f32 v8, v14;
	v14 =	vld [tilespmem:$0x1FCA0]  }
0x285: {  	v4 =	vadd.f32 v4, v12;
	v12 =	vld [tilespmem:$0x1FC90];
	_ =	sdelay $0x1  }
0x286: {  	v22 =	vmul.f32 v22, v45  }
0x287: {  	v37 =	vsub.f32 v37, v41  }
0x288: {  	v22 =	vadd.f32 v22, v47  }
0x289: {  	v14 =	vmul.f32 v37, v14;
	v9 =	vmul.f32 v9, v12;
	v12 =	vld [tilespmem:$0x1FD00]  }
0x28a: {  	v15 =	vadd.f32 v17, v22  }
0x28b: {  	v8 =	vadd.f32 v14, v8;
	v14 =	vld [tilespmem:s21+$0x710]  }
0x28c: {  	v20 =	vadd.f32 v18, v15  }
0x28d: {  	v43 =	vld [tilespmem:s21+$0x10640]  }
0x28e: {  	v29 =	vld [tilespmem:s21+$0x8650];
	v3, _, _ =	vpop (xrf2);
	(xrf2) =	vadd.scan.msk.f32 $0xffff, v20;
	v8 =	vadd.f32 v10, v8;
	v20 =	vmul.f32 v23, v12  }
0x28f: {  	v48 =	vld [tilespmem:s21+$0x10650]  }
0x290: {  	v6 =	vld [tilespmem:s21+$0x10660];
	v15, _, _ =	vpop (xrf2);
	(xrf2) =	vadd.scan.msk.f32 $0xffff, v8;
	v7 =	vmul.f32 v7, v14;
	v8 =	vadd.f32 $0.0e+00, v20  }
0x291: {  	v13 =	vld [tilespmem:s21+$0x650]  }
0x292: {  	v7 =	vadd.f32 v7, v8;
	v8 =	vld [tilespmem:$0x1FC60]  }
0x293: {  	v11 =	vsub.f32 v11, v43;
	v19 =	vld [tilespmem:s21+$0x10670]  }
0x294: {  	v17 =	vld [tilespmem:s21+$0x8670]  }
0x295: {  	v11 =	vmul.f32 v11, v21;
	v16 =	vld [tilespmem:s21+$0x670];
	v18 =	vsub.f32 v29, v48  }
0x296: {  	v6 =	vsub.f32 v39, v6;
	v10 =	vld [tilespmem:s21+$0x10730]  }
0x297: {  	v11 =	vadd.f32 $0.0e+00, v11;
	v13 =	vmul.f32 v18, v13;
	v2 =	vmul.f32 v2, v8;
	v8 =	vld [tilespmem:$0x1FC70];
	_ =	sdelay $0x1  }
0x298: {  	v6 =	vmul.f32 v6, v51;
	v11 =	vadd.f32 v13, v11;
	v13 =	vsub.f32 v17, v19;
	v17 =	vld [tilespmem:s21+$0x730];
	_ =	sdelay $0x1  }
0x299: {  	v6 =	vadd.f32 v6, v11;
	v11 =	vmul.f32 v13, v16;
	v13 =	vld [tilespmem:$0x1FC50]  }
0x29a: {  	v8 =	vsub.f32 v8, v10  }
0x29b: {  	v18 =	vld [tilespmem:s21+$0x7D0]  }
0x29c: {  	v2 =	vadd.f32 v2, v7;
	v7 =	vmul.f32 v8, v17;
	v8 =	vld [tilespmem:$0x1FC20];
	_ =	sdelay $0x1  }
0x29d: {  	v4 =	vadd.f32 v9, v4;
	v0 =	vmul.f32 v0, v13;
	v13 =	vld [tilespmem:s21+$0x890]  }
0x29e: {  	v9 =	vld [tilespmem:s21+$0x107F0]  }
0x29f: {  	v12, _, _ =	vpop (xrf2);
	(xrf2) =	vadd.scan.msk.f32 $0xffff, v4;
	v4 =	vadd.f32 v11, v6;
	v6 =	vmul.f32 v32, v18;
	v11 =	vld [tilespmem:s21+$0x108B0];
	v0 =	vadd.f32 $0.0e+00, v0  }
0x2a0: {  	v18 =	vld [tilespmem:$0x1FC10];
	v8 =	vmul.f32 v30, v8  }
0x2a1: {  	v0 =	vadd.f32 v6, v0;
	v17 =	vld [tilespmem:$0x1FC40]  }
0x2a2: {  	v14, _, _ =	vpop (xrf2);
	(xrf2) =	vadd.scan.msk.f32 $0xffff, v4;
	v6 =	vld [tilespmem:$0x1FC30];
	v2 =	vadd.f32 v7, v2;
	v7 =	vmul.f32 v26, v13;
	v4 =	vadd.f32 $0.0e+00, v8  }
0x2a3: {  	v10 =	vld [tilespmem:s21+$0x7F0]  }
0x2a4: {  	v4 =	vadd.f32 v7, v4;
	v7 =	vld [tilespmem:$0x1FC00];
	_ =	sdelay $0x1  }
0x2a5: {  	v9 =	vsub.f32 v17, v9;
	v17 =	vld [tilespmem:s21+$0x8B0]  }
0x2a6: {  	v6 =	vmul.f32 v31, v6  }
0x2a7: {  	v16 =	vld [tilespmem:s21+$0x950];
	v11 =	vsub.f32 v18, v11  }
0x2a8: {  	v0 =	vadd.f32 v6, v0;
	v6 =	vmul.f32 v9, v10;
	v9 =	vld [tilespmem:$0x1FBF0];
	v7 =	vmul.f32 v28, v7;
	_ =	sdelay $0x1  }
0x2a9: {  	v19 =	vld [tilespmem:$0x1FCE0];
	v0 =	vadd.f32 v6, v0;
	v4 =	vadd.f32 v7, v4;
	v7 =	vmul.f32 v11, v17  }
0x2aa: {  	v13, _, _ =	vpop (xrf2);
	(xrf2) =	vadd.scan.msk.f32 $0xffff, v2;
	v8 =	vld [tilespmem:s21+$0x960]  }
0x2ab: {  	v6 =	vmul.f32 v57, v16;
	v16, _, _ =	vpop (xrf2);
	(xrf2) =	vadd.scan.msk.f32 $0xffff, v0;
	v0 =	vadd.f32 v7, v4;
	v4 =	vld [tilespmem:$0x1FBA0]  }
0x2ac: {  	v9 =	vmul.f32 v27, v9;
	v7 =	vld [tilespmem:$0x1FCD0]  }
0x2ad: {  	v10 =	vld [tilespmem:s21+$0x109E0]  }
0x2ae: {  	v2 =	vadd.f32 $0.0e+00, v9;
	v11 =	vld [tilespmem:$0x1FBD0]  }
0x2af: {  	v17 =	vld [tilespmem:$0x1FBE0]  }
0x2b0: {  	v2 =	vadd.f32 v6, v2;
	v6 =	vmul.f32 v59, v8;
	v8 =	vld [tilespmem:$0x1FBC0]  }
0x2b1: {  	v4 =	vmul.f32 v7, v4;
	v7 =	vld [tilespmem:$0x1FBB0]  }
0x2b2: {  	v18 =	vld [tilespmem:s21+$0x970]  }
0x2b3: {  	v9 =	vld [tilespmem:s21+$0x109F0]  }
0x2b4: {  	v11 =	vsub.f32 v11, v17;
	v17 =	vld [tilespmem:s21+$0x9E0]  }
0x2b5: {  	v8 =	vmul.f32 v19, v8  }
0x2b6: {  	v7 =	vsub.f32 v7, v10;
	v10 =	vld [tilespmem:s21+$0x9F0]  }
0x2b7: {  	v2 =	vadd.f32 v6, v2;
	v11 =	vmul.f32 v11, v18;
	v8 =	vadd.f32 $0.0e+00, v8  }
0x2b8: {  	v9 =	vsub.f32 v44, v9;
	v19, _, _ =	vpop (xrf2);
	(xrf2) =	vadd.scan.msk.f32 $0xffff, v0  }
0x2b9: {  	v6, _, _ =	vpop (xrf2);
	v0 =	vadd.f32 v11, v2;
	v2 =	vadd.f32 v4, v8;
	v4 =	vmul.f32 v7, v17  }
0x2ba: {  	v6 =	vbroadcast v6, $0xF;
	v11 =	vbroadcast v19, $0xF  }
0x2bb: {  	v8 =	vbroadcast v16, $0xF;
	(xrf2) =	vadd.scan.msk.f32 $0xffff, v0;
	v2 =	vadd.f32 v4, v2;
	v4 =	vmul.f32 v9, v10  }
0x2bc: {  	v0 =	vsel vm0, v11, v6;
	v6 =	vbroadcast v13, $0xF;
	v7, _, _ =	vpop (xrf2)  }
0x2bd: {  	v0 =	vsel vm1, v0, v8;
	v8 =	vbroadcast v7, $0xF;
	v2 =	vadd.f32 v4, v2  }
0x2be: {  	v0 =	vsel vm2, v0, v6;
	v4 =	vbroadcast v14, $0xF  }
0x2bf: {  	v6 =	vbroadcast v12, $0xF;
	v7, _, _ =	vpop (xrf2);
	v0 =	vsel vm3, v0, v8;
	(xrf2) =	vadd.scan.msk.f32 $0xffff, v2  }
0x2c0: {  	v0 =	vsel vm4, v0, v4;
	v2 =	vbroadcast v7, $0xF  }
0x2c1: {  	v4 =	vbroadcast v15, $0xF;
	v0 =	vsel vm5, v0, v6  }
0x2c2: {  	v0 =	vsel vm6, v0, v2;
	v2 =	vbroadcast v3, $0xF;
	v3, _, _ =	vpop (xrf2)  }
0x2c3: {  	v0 =	vsel vm7, v0, v4;
	v4 =	vbroadcast v3, $0xF  }
0x2c4: {  	v1 =	vbroadcast v1, $0xF;
	v0 =	vsel vm8, v0, v2  }
0x2c5: {  	v3, _, _ =	vpop (xrf2);
	v2 =	vbroadcast v5, $0xF;
	v0 =	vsel vm9, v0, v4  }
0x2c6: {  	v3 =	vbroadcast v3, $0xF;
	v0 =	vsel vm10, v0, v1  }
0x2c7: {  	v0 =	vsel vm11, v0, v2;
	v2 =	vbroadcast v25, $0xF  }
0x2c8: {  	v0 =	vsel vm12, v0, v3  }
0x2c9: {  	v0 =	vsel vm13, v0, v2;
	v1, _, _ =	vpop (xrf2)  }
0x2ca: {  	s23 =	sadd.s32 $0x10, s23;
	v0 =	vsel vm14, v0, v1  }
0x2cb: {  	s21 =	sshra.s32 s24, $0x2;
	[tilespmem:s23+$0x0] =	vst v0  }
0x2cc: {  	v0 =	vld [tilespmem:s21+$0x89F0];
	_ =	sdelay $0x4  }
0x2cd: {  	[tilespmem:$0x1F760] =	vst v0;
	v0 =	vld [tilespmem:s21+$0x9D0];
	_ =	sdelay $0x4  }
0x2ce: {  	[tilespmem:$0x1FBA0] =	vst v0;
	v0 =	vld [tilespmem:s21+$0x89E0];
	_ =	sdelay $0x4  }
0x2cf: {  	[tilespmem:$0x1FBB0] =	vst v0;
	v0 =	vld [tilespmem:s21+$0x9C0];
	_ =	sdelay $0x4  }
0x2d0: {  	[tilespmem:$0x1FBC0] =	vst v0;
	v0 =	vld [tilespmem:s21+$0x8970];
	_ =	sdelay $0x4  }
0x2d1: {  	[tilespmem:$0x1FBD0] =	vst v0;
	v0 =	vld [tilespmem:s21+$0x10970];
	_ =	sdelay $0x4  }
0x2d2: {  	[tilespmem:$0x1FBE0] =	vst v0;
	v0 =	vld [tilespmem:s21+$0x109A0];
	_ =	sdelay $0x4  }
0x2d3: {  	[tilespmem:$0x1F450] =	vst v0;
	v0 =	vld [tilespmem:s21+$0x89C0];
	_ =	sdelay $0x4  }
0x2d4: {  	[tilespmem:$0x1F460] =	vst v0;
	v0 =	vld [tilespmem:s21+$0x109C0];
	_ =	sdelay $0x4  }
0x2d5: {  	[tilespmem:$0x1F470] =	vst v0;
	v0 =	vld [tilespmem:s21+$0x8F0];
	_ =	sdelay $0x4  }
0x2d6: {  	[tilespmem:$0x1F600] =	vst v0;
	v0 =	vld [tilespmem:s21+$0x8930];
	_ =	sdelay $0x4  }
0x2d7: {  	[tilespmem:$0x1F480] =	vst v0;
	v0 =	vld [tilespmem:s21+$0x10930];
	_ =	sdelay $0x4  }
0x2d8: {  	[tilespmem:$0x1F490] =	vst v0;
	v0 =	vld [tilespmem:s21+$0x8960];
	_ =	sdelay $0x4  }
0x2d9: {  	[tilespmem:$0x1F4A0] =	vst v0;
	v0 =	vld [tilespmem:s21+$0x10960];
	_ =	sdelay $0x4  }
0x2da: {  	[tilespmem:$0x1F4B0] =	vst v0;
	v0 =	vld [tilespmem:s21+$0x980];
	_ =	sdelay $0x4  }
0x2db: {  	[tilespmem:$0x1F440] =	vst v0;
	v0 =	vld [tilespmem:s21+$0x8E0];
	_ =	sdelay $0x4  }
0x2dc: {  	[tilespmem:$0x1F5B0] =	vst v0;
	v0 =	vld [tilespmem:s21+$0x88F0];
	_ =	sdelay $0x4  }
0x2dd: {  	[tilespmem:$0x1F4C0] =	vst v0;
	v0 =	vld [tilespmem:s21+$0x108F0];
	_ =	sdelay $0x4  }
0x2de: {  	[tilespmem:$0x1F4D0] =	vst v0;
	v0 =	vld [tilespmem:s21+$0x910];
	_ =	sdelay $0x4  }
0x2df: {  	[tilespmem:$0x1F520] =	vst v0;
	v0 =	vld [tilespmem:s21+$0x8920];
	_ =	sdelay $0x4  }
0x2e0: {  	[tilespmem:$0x1F4E0] =	vst v0;
	v0 =	vld [tilespmem:s21+$0x10920];
	_ =	sdelay $0x4  }
0x2e1: {  	[tilespmem:$0x1F4F0] =	vst v0;
	v0 =	vld [tilespmem:s21+$0x940];
	_ =	sdelay $0x4  }
0x2e2: {  	[tilespmem:$0x1FBF0] =	vst v0;
	v0 =	vld [tilespmem:s21+$0x8950];
	_ =	sdelay $0x4  }
0x2e3: {  	[tilespmem:$0x1F500] =	vst v0;
	v0 =	vld [tilespmem:s21+$0x10950];
	_ =	sdelay $0x4  }
0x2e4: {  	[tilespmem:$0x1F510] =	vst v0;
	v0 =	vld [tilespmem:s21+$0x870];
	_ =	sdelay $0x4  }
0x2e5: {  	[tilespmem:$0x1F660] =	vst v0;
	v0 =	vld [tilespmem:s21+$0x8A0];
	_ =	sdelay $0x4  }
0x2e6: {  	[tilespmem:$0x1FC00] =	vst v0;
	v0 =	vld [tilespmem:s21+$0x88B0];
	_ =	sdelay $0x4  }
0x2e7: {  	[tilespmem:$0x1FC10] =	vst v0;
	v0 =	vld [tilespmem:s21+$0x8D0];
	_ =	sdelay $0x4  }
0x2e8: {  	[tilespmem:$0x1F580] =	vst v0;
	v0 =	vld [tilespmem:s21+$0x88E0];
	_ =	sdelay $0x4  }
0x2e9: {  	[tilespmem:$0x1F530] =	vst v0;
	v0 =	vld [tilespmem:s21+$0x108E0];
	_ =	sdelay $0x4  }
0x2ea: {  	[tilespmem:$0x1F540] =	vst v0;
	v0 =	vld [tilespmem:s21+$0x8940];
	_ =	sdelay $0x4  }
0x2eb: {  	[tilespmem:$0x1F560] =	vst v0;
	v0 =	vld [tilespmem:s21+$0x10940];
	_ =	sdelay $0x4  }
0x2ec: {  	[tilespmem:$0x1F570] =	vst v0;
	v0 =	vld [tilespmem:s21+$0x830];
	_ =	sdelay $0x4  }
0x2ed: {  	[tilespmem:$0x1F6A0] =	vst v0;
	v0 =	vld [tilespmem:s21+$0x860];
	_ =	sdelay $0x4  }
0x2ee: {  	[tilespmem:$0x1F650] =	vst v0;
	v0 =	vld [tilespmem:s21+$0x8870];
	_ =	sdelay $0x4  }
0x2ef: {  	[tilespmem:$0x1F550] =	vst v0;
	v0 =	vld [tilespmem:s21+$0x88A0];
	_ =	sdelay $0x4  }
0x2f0: {  	[tilespmem:$0x1F590] =	vst v0;
	v0 =	vld [tilespmem:s21+$0x108A0];
	_ =	sdelay $0x4  }
0x2f1: {  	[tilespmem:$0x1F5A0] =	vst v0;
	v0 =	vld [tilespmem:s21+$0x820];
	_ =	sdelay $0x4  }
0x2f2: {  	[tilespmem:$0x1F680] =	vst v0;
	v0 =	vld [tilespmem:s21+$0x8830];
	_ =	sdelay $0x4  }
0x2f3: {  	[tilespmem:$0x1F5C0] =	vst v0;
	v0 =	vld [tilespmem:s21+$0x10830];
	_ =	sdelay $0x4  }
0x2f4: {  	[tilespmem:$0x1F5D0] =	vst v0;
	v0 =	vld [tilespmem:s21+$0x850];
	_ =	sdelay $0x4  }
0x2f5: {  	[tilespmem:$0x1F610] =	vst v0;
	v0 =	vld [tilespmem:s21+$0x8860];
	_ =	sdelay $0x4  }
0x2f6: {  	[tilespmem:$0x1F5E0] =	vst v0;
	v0 =	vld [tilespmem:s21+$0x10860];
	_ =	sdelay $0x4  }
0x2f7: {  	[tilespmem:$0x1F5F0] =	vst v0;
	v0 =	vld [tilespmem:s21+$0x880];
	_ =	sdelay $0x4  }
0x2f8: {  	[tilespmem:$0x1FC20] =	vst v0;
	v0 =	vld [tilespmem:s21+$0x8890];
	_ =	sdelay $0x4  }
0x2f9: {  	[tilespmem:$0x1F620] =	vst v0;
	v0 =	vld [tilespmem:s21+$0x10890];
	_ =	sdelay $0x4  }
0x2fa: {  	[tilespmem:$0x1F630] =	vst v0;
	v0 =	vld [tilespmem:s21+$0x7B0];
	_ =	sdelay $0x4  }
0x2fb: {  	[tilespmem:$0x1F710] =	vst v0;
	v0 =	vld [tilespmem:s21+$0x7E0];
	_ =	sdelay $0x4  }
0x2fc: {  	[tilespmem:$0x1FC30] =	vst v0;
	v0 =	vld [tilespmem:s21+$0x87F0];
	_ =	sdelay $0x4  }
0x2fd: {  	[tilespmem:$0x1FC40] =	vst v0;
	v0 =	vld [tilespmem:s21+$0x810];
	_ =	sdelay $0x4  }
0x2fe: {  	[tilespmem:$0x1F670] =	vst v0;
	v0 =	vld [tilespmem:s21+$0x8820];
	_ =	sdelay $0x4  }
0x2ff: {  	[tilespmem:$0x1F640] =	vst v0;
	v0 =	vld [tilespmem:s21+$0x770];
	_ =	sdelay $0x4  }
0x300: {  	[tilespmem:$0x1F730] =	vst v0;
	v0 =	vld [tilespmem:s21+$0x7A0];
	_ =	sdelay $0x4  }
0x301: {  	[tilespmem:$0x1F6F0] =	vst v0;
	v0 =	vld [tilespmem:s21+$0x760];
	_ =	sdelay $0x4  }
0x302: {  	[tilespmem:$0x1F720] =	vst v0;
	v0 =	vld [tilespmem:s21+$0x790];
	_ =	sdelay $0x4  }
0x303: {  	[tilespmem:$0x1F6B0] =	vst v0;
	v0 =	vld [tilespmem:s21+$0x87A0];
	_ =	sdelay $0x4  }
0x304: {  	[tilespmem:$0x1F690] =	vst v0;
	v0 =	vld [tilespmem:s21+$0x7C0];
	_ =	sdelay $0x4  }
0x305: {  	[tilespmem:$0x1FC50] =	vst v0;
	v0 =	vld [tilespmem:s21+$0x87D0];
	_ =	sdelay $0x4  }
0x306: {  	[tilespmem:$0x1F6C0] =	vst v0;
	v0 =	vld [tilespmem:s21+$0x107D0];
	_ =	sdelay $0x4  }
0x307: {  	[tilespmem:$0x1F6D0] =	vst v0;
	v0 =	vld [tilespmem:s21+$0x6F0];
	_ =	sdelay $0x4  }
0x308: {  	[tilespmem:$0x1F740] =	vst v0;
	v0 =	vld [tilespmem:s21+$0x720];
	_ =	sdelay $0x4  }
0x309: {  	[tilespmem:$0x1FC60] =	vst v0;
	v0 =	vld [tilespmem:s21+$0x8730];
	_ =	sdelay $0x4  }
0x30a: {  	[tilespmem:$0x1FC70] =	vst v0;
	v0 =	vld [tilespmem:s21+$0x750];
	_ =	sdelay $0x4  }
0x30b: {  	[tilespmem:$0x1F700] =	vst v0;
	v0 =	vld [tilespmem:s21+$0x8760];
	_ =	sdelay $0x3  }
0x30c: {  	v49 =	vld [tilespmem:s21+$0x9B0]  }
0x30d: {  	[tilespmem:$0x1F6E0] =	vst v0;
	v0 =	vld [tilespmem:s21+$0x6B0]  }
0x30e: {  	v5 =	vld [tilespmem:s21+$0x9A0]  }
0x30f: {  	v1 =	vld [tilespmem:s21+$0x89B0]  }
0x310: {  	v44 =	vld [tilespmem:s21+$0x109B0]  }
0x311: {  	v2 =	vld [tilespmem:s21+$0x89D0]  }
0x312: {  	[tilespmem:$0x1F750] =	vst v0;
	v0 =	vld [tilespmem:s21+$0x6E0]  }
0x313: {  	v46 =	vld [tilespmem:s21+$0x109D0]  }
0x314: {  	v50 =	vld [tilespmem:s21+$0x930]  }
0x315: {  	v3 =	vld [tilespmem:s21+$0x990]  }
0x316: {  	v47 =	vld [tilespmem:s21+$0x89A0]  }
0x317: {  	[tilespmem:$0x1FC80] =	vst v0;
	v0 =	vld [tilespmem:s21+$0x630]  }
0x318: {  	v51 =	vld [tilespmem:s21+$0x920]  }
0x319: {  	v22 =	vld [tilespmem:s21+$0x8990]  }
0x31a: {  	v29 =	vld [tilespmem:s21+$0x8980]  }
0x31b: {  	v52 =	vld [tilespmem:s21+$0x10980]  }
0x31c: {  	[tilespmem:$0x1FC90] =	vst v0;
	v0 =	vld [tilespmem:s21+$0x6A0]  }
0x31d: {  	v21 =	vld [tilespmem:s21+$0x10990]  }
0x31e: {  	v37 =	vld [tilespmem:s21+$0x900];
	v2 =	vsub.f32 v2, v46  }
0x31f: {  	v33 =	vld [tilespmem:s21+$0x8910]  }
0x320: {  	[tilespmem:$0x1FCD0] =	vst v2;
	v2 =	vld [tilespmem:$0x1F450]  }
0x321: {  	[tilespmem:$0x1FCA0] =	vst v0;
	v0 =	vsub.f32 v29, v52;
	v29 =	vld [tilespmem:$0x1F440]  }
0x322: {  	v28 =	vld [tilespmem:s21+$0x10910]  }
0x323: {  	v41 =	vld [tilespmem:s21+$0x10870]  }
0x324: {  	v31 =	vld [tilespmem:s21+$0x8C0]  }
0x325: {  	v1 =	vsub.f32 v1, v44;
	v44 =	vld [tilespmem:$0x1F470]  }
0x326: {  	v0 =	vmul.f32 v0, v29;
	v29 =	vsub.f32 v47, v2;
	v2 =	vld [tilespmem:$0x1F460]  }
0x327: {  	v27 =	vld [tilespmem:s21+$0x88D0]  }
0x328: {  	v26 =	vld [tilespmem:s21+$0x108D0]  }
0x329: {  	v20 =	vld [tilespmem:s21+$0x8900]  }
0x32a: {  	v7 =	vld [tilespmem:s21+$0x10900]  }
0x32b: {  	v9 =	vld [tilespmem:s21+$0x88C0];
	v2 =	vsub.f32 v2, v44  }
0x32c: {  	v11 =	vld [tilespmem:s21+$0x108C0]  }
0x32d: {  	[tilespmem:$0x1FCE0] =	vst v2;
	v2 =	vld [tilespmem:s21+$0x700]  }
0x32e: {  	v38 =	vld [tilespmem:s21+$0x10820]  }
0x32f: {  	v59 =	vld [tilespmem:s21+$0x840]  }
0x330: {  	v62 =	vld [tilespmem:s21+$0x8850]  }
0x331: {  	v44 =	vld [tilespmem:$0x1F490]  }
0x332: {  	[tilespmem:$0x1FD00] =	vst v2;
	v2 =	vld [tilespmem:$0x1F480]  }
0x333: {  	v23 =	vld [tilespmem:s21+$0x10850]  }
0x334: {  	v39 =	vld [tilespmem:s21+$0x8880]  }
0x335: {  	v30 =	vld [tilespmem:s21+$0x10880];
	v22 =	vsub.f32 v22, v21  }
0x336: {  	v42 =	vld [tilespmem:s21+$0x87B0]  }
0x337: {  	v6 =	vld [tilespmem:s21+$0x107B0];
	v0 =	vadd.f32 $0.0e+00, v0;
	v2 =	vsub.f32 v2, v44;
	v44 =	vmul.f32 v22, v3  }
0x338: {  	v40 =	vld [tilespmem:s21+$0x87E0]  }
0x339: {  	v14 =	vld [tilespmem:s21+$0x107E0];
	v29 =	vmul.f32 v29, v5;
	v0 =	vadd.f32 v44, v0  }
0x33a: {  	v57 =	vld [tilespmem:s21+$0x800]  }
0x33b: {  	v0 =	vadd.f32 v29, v0;
	v29 =	vsub.f32 v9, v11;
	v9 =	vld [tilespmem:$0x1F520]  }
0x33c: {  	v58 =	vld [tilespmem:s21+$0x8810];
	v20 =	vsub.f32 v20, v7  }
0x33d: {  	v4 =	vld [tilespmem:s21+$0x10810]  }
0x33e: {  	v12 =	vld [tilespmem:s21+$0x8840];
	v33 =	vsub.f32 v33, v28;
	v20 =	vmul.f32 v20, v37  }
0x33f: {  	v36 =	vld [tilespmem:s21+$0x10840]  }
0x340: {  	v48 =	vld [tilespmem:s21+$0x8770];
	v1 =	vmul.f32 v1, v49;
	v20 =	vadd.f32 $0.0e+00, v20;
	v33 =	vmul.f32 v33, v9  }
0x341: {  	v32 =	vld [tilespmem:s21+$0x10770]  }
0x342: {  	v0 =	vadd.f32 v1, v0;
	v1 =	vmul.f32 v29, v31;
	v29 =	vadd.f32 v33, v20;
	v20 =	vld [tilespmem:$0x1F550]  }
0x343: {  	v7 =	vld [tilespmem:$0x1F4B0]  }
0x344: {  	v46 =	vld [tilespmem:$0x1F4D0]  }
0x345: {  	v3 =	vld [tilespmem:$0x1F4A0]  }
0x346: {  	v26 =	vsub.f32 v27, v26;
	v27 =	vld [tilespmem:$0x1F570]  }
0x347: {  	v31 =	vsub.f32 v20, v41;
	v20 =	vld [tilespmem:$0x1F560]  }
0x348: {  	v28 =	vld [tilespmem:$0x1F4F0]  }
0x349: {  	v5 =	vld [tilespmem:$0x1F4E0]  }
0x34a: {  	v47 =	vsub.f32 v3, v7;
	v3 =	vld [tilespmem:$0x1F4C0]  }
0x34b: {  	v43 =	vld [tilespmem:s21+$0x107A0]  }
0x34c: {  	v27 =	vsub.f32 v20, v27;
	v20 =	vld [tilespmem:$0x1F580]  }
0x34d: {  	v19 =	vld [tilespmem:s21+$0x8800]  }
0x34e: {  	v37 =	vsub.f32 v5, v28;
	v28 =	vld [tilespmem:$0x1F500]  }
0x34f: {  	v3 =	vsub.f32 v3, v46;
	v46 =	vld [tilespmem:$0x1F510]  }
0x350: {  	v2 =	vmul.f32 v2, v50;
	v50 =	vld [tilespmem:$0x1F5A0]  }
0x351: {  	v26 =	vmul.f32 v26, v20;
	v20 =	vld [tilespmem:$0x1F590]  }
0x352: {  	v35 =	vld [tilespmem:s21+$0x10800]  }
0x353: {  	v11 =	vld [tilespmem:$0x1F530]  }
0x354: {  	v46 =	vsub.f32 v28, v46;
	v28 =	vld [tilespmem:$0x1F540]  }
0x355: {  	v53 =	vld [tilespmem:s21+$0x10760]  }
0x356: {  	v37 =	vmul.f32 v37, v51;
	v50 =	vsub.f32 v20, v50;
	v20 =	vld [tilespmem:$0x1F5B0]  }
0x357: {  	v8 =	vld [tilespmem:s21+$0x780]  }
0x358: {  	v10 =	vld [tilespmem:s21+$0x8790];
	v29 =	vadd.f32 v37, v29  }
0x359: {  	v13 =	vld [tilespmem:s21+$0x10790];
	v1 =	vadd.f32 $0.0e+00, v1;
	v28 =	vsub.f32 v11, v28  }
0x35a: {  	v2 =	vadd.f32 v2, v29;
	v29 =	vld [tilespmem:$0x1F5D0]  }
0x35b: {  	v1 =	vadd.f32 v26, v1;
	v26 =	vmul.f32 v28, v20;
	v20 =	vld [tilespmem:$0x1F5C0]  }
0x35c: {  	v54 =	vld [tilespmem:s21+$0x87C0]  }
0x35d: {  	v55 =	vld [tilespmem:s21+$0x107C0]  }
0x35e: {  	v60 =	vld [tilespmem:s21+$0x86F0]  }
0x35f: {  	v23 =	vsub.f32 v62, v23;
	v62 =	vld [tilespmem:$0x1F5F0]  }
0x360: {  	v29 =	vsub.f32 v20, v29;
	v20 =	vld [tilespmem:$0x1F5E0]  }
0x361: {  	v25 =	vld [tilespmem:s21+$0x106F0]  }
0x362: {  	v56 =	vld [tilespmem:s21+$0x8720]  }
0x363: {  	v61 =	vld [tilespmem:s21+$0x10720]  }
0x364: {  	v16 =	vld [tilespmem:s21+$0x740]  }
0x365: {  	v62 =	vsub.f32 v20, v62;
	v20 =	vadd.f32 v26, v1;
	v1 =	vld [tilespmem:$0x1F600]  }
0x366: {  	v34 =	vld [tilespmem:s21+$0x8750]  }
0x367: {  	v15 =	vld [tilespmem:s21+$0x10750]  }
0x368: {  	v17 =	vld [tilespmem:s21+$0x8780]  }
0x369: {  	v24 =	vld [tilespmem:s21+$0x10780]  }
0x36a: {  	v3 =	vmul.f32 v3, v1;
	v1 =	vld [tilespmem:$0x1F610]  }
0x36b: {  	v18 =	vld [tilespmem:s21+$0x86B0];
	v12 =	vsub.f32 v12, v36  }
0x36c: {  	v63 =	vld [tilespmem:s21+$0x106B0]  }
0x36d: {  	v45 =	vld [tilespmem:s21+$0x6D0];
	v12 =	vmul.f32 v12, v59  }
0x36e: {  	v21 =	vld [tilespmem:s21+$0x106E0]  }
0x36f: {  	v36 =	vld [tilespmem:s21+$0x106D0];
	v12 =	vadd.f32 $0.0e+00, v12;
	v23 =	vmul.f32 v23, v1  }
0x370: {  	v58 =	vsub.f32 v58, v4;
	v4 =	vld [tilespmem:s21+$0x8620]  }
0x371: {  	v12 =	vadd.f32 v23, v12;
	v23 =	vld [tilespmem:$0x1F650]  }
0x372: {  	v30 =	vsub.f32 v39, v30;
	v39 =	vld [tilespmem:s21+$0x8660]  }
0x373: {  	v42 =	vsub.f32 v42, v6;
	v6 =	vld [tilespmem:$0x1F660]  }
0x374: {  	v17 =	vsub.f32 v17, v24;
	v15 =	vsub.f32 v34, v15;
	v34 =	vld [tilespmem:s21+$0x8600]  }
0x375: {  	v19 =	vsub.f32 v19, v35;
	v35 =	vld [tilespmem:$0x1F640]  }
0x376: {  	v17 =	vmul.f32 v17, v8;
	v8 =	vld [tilespmem:$0x1F690];
	v23 =	vmul.f32 v62, v23  }
0x377: {  	v49 =	vld [tilespmem:s21+$0x620]  }
0x378: {  	v12 =	vadd.f32 v23, v12;
	v23 =	vmul.f32 v31, v6;
	v31 =	vsub.f32 v40, v14;
	v14 =	vld [tilespmem:$0x1F670]  }
0x379: {  	v59 =	vld [tilespmem:s21+$0x86D0]  }
0x37a: {  	v35 =	vsub.f32 v35, v38;
	v38 =	vld [tilespmem:s21+$0x610]  }
0x37b: {  	v10 =	vsub.f32 v10, v13;
	v19 =	vmul.f32 v19, v57;
	v13 =	vsub.f32 v8, v43;
	v8 =	vld [tilespmem:s21+$0x10690]  }
0x37c: {  	v52 =	vld [tilespmem:s21+$0x86E0]  }
0x37d: {  	v19 =	vadd.f32 $0.0e+00, v19;
	v5 =	vld [tilespmem:s21+$0x10740];
	v62 =	vmul.f32 v58, v14  }
0x37e: {  	v44 =	vld [tilespmem:s21+$0x8740]  }
0x37f: {  	v24 =	vadd.f32 v23, v12;
	v12 =	vadd.f32 v62, v19;
	v19 =	vld [tilespmem:$0x1F680]  }
0x380: {  	v51 =	vld [tilespmem:s21+$0x660]  }
0x381: {  	v22 =	vld [tilespmem:s21+$0x8710]  }
0x382: {  	v7 =	vld [tilespmem:s21+$0x10710]  }
0x383: {  	(xrf2) =	vadd.scan.msk.f32 $0xffff, v0;
	v0 =	vsub.f32 v44, v5;
	v44 =	vld [tilespmem:$0x1F760]  }
0x384: {  	v9 =	vld [tilespmem:s21+$0x8630];
	v19 =	vmul.f32 v35, v19  }
0x385: {  	v33 =	vld [tilespmem:s21+$0x690]  }
0x386: {  	v0 =	vmul.f32 v0, v16;
	v5 =	vadd.f32 v19, v12;
	v12 =	vld [tilespmem:$0x1F6A0]  }
0x387: {  	v19 =	vld [tilespmem:$0x1F6B0]  }
0x388: {  	v16 =	vadd.f32 $0.0e+00, v0;
	v0 =	vld [tilespmem:$0x1F700]  }
0x389: {  	(xrf2) =	vadd.scan.msk.f32 $0xffff, v2;
	v2 =	vld [tilespmem:$0x1F6E0]  }
0x38a: {  	v37 =	vld [tilespmem:s21+$0x86A0]  }
0x38b: {  	v11 =	vld [tilespmem:s21+$0x10630];
	v12 =	vmul.f32 v29, v12  }
0x38c: {  	v17 =	vadd.f32 $0.0e+00, v17;
	v41 =	vld [tilespmem:s21+$0x106A0];
	v10 =	vmul.f32 v10, v19  }
0x38d: {  	v57 =	vmov v46;
	v46 =	vld [tilespmem:$0x1F6D0];
	v15 =	vmul.f32 v15, v0;
	v43 =	vadd.f32 v12, v5  }
0x38e: {  	v5 =	vsub.f32 v2, v53;
	v2 =	vadd.f32 v10, v17;
	v10 =	vld [tilespmem:$0x1F6F0]  }
0x38f: {  	v16 =	vadd.f32 v15, v16;
	v15 =	vld [tilespmem:$0x1F720]  }
0x390: {  	v9 =	vsub.f32 v9, v11;
	v11 =	vld [tilespmem:s21+$0x8640]  }
0x391: {  	v28 =	vld [tilespmem:s21+$0x6C0]  }
0x392: {  	v26 =	vld [tilespmem:$0x1F630]  }
0x393: {  	v1 =	vld [tilespmem:$0x1F620];
	v10 =	vmul.f32 v13, v10  }
0x394: {  	v58 =	vld [tilespmem:s21+$0x106C0]  }
0x395: {  	v5 =	vmul.f32 v5, v15;
	v10 =	vadd.f32 v10, v2;
	v2 =	vld [tilespmem:$0x1F710]  }
0x396: {  	v29 =	vld [tilespmem:s21+$0x86C0]  }
0x397: {  	v20 =	vadd.f32 v3, v20;
	v16 =	vadd.f32 v5, v16;
	v5 =	vld [tilespmem:$0x1F730]  }
0x398: {  	v3 =	vld [tilespmem:s21+$0x10700]  }
0x399: {  	(xrf2) =	vadd.scan.msk.f32 $0xffff, v20;
	v20 =	vld [tilespmem:s21+$0x10680]  }
0x39a: {  	v48 =	vsub.f32 v48, v32;
	v26 =	vsub.f32 v1, v26;
	v1 =	vld [tilespmem:s21+$0x8700];
	v62 =	vmul.f32 v42, v2  }
0x39b: {  	v6 =	vld [tilespmem:s21+$0x10620]  }
0x39c: {  	v15 =	vadd.f32 v62, v10;
	v10 =	vsub.f32 v29, v58;
	v29 =	vmul.f32 v48, v5;
	v5 =	vld [tilespmem:$0x1F740]  }
0x39d: {  	v40 =	vld [tilespmem:s21+$0x10600]  }
0x39e: {  	v23 =	vld [tilespmem:s21+$0x8690]  }
0x39f: {  	v25 =	vsub.f32 v60, v25;
	v19 =	vld [tilespmem:$0x1F6C0]  }
0x3a0: {  	v17 =	vld [tilespmem:s21+$0x8680]  }
0x3a1: {  	p0 =	sne.s32 s24, $0x1F000;
	v63 =	vsub.f32 v18, v63;
	v18 =	vmul.f32 v25, v5;
	v5 =	vmul.f32 v10, v28;
	v10 =	vld [tilespmem:$0x1F750]  }
.Ltmp0:
0x3a2: {  	v7 =	vsub.f32 v22, v7;
	v14 =	vld [tilespmem:s21+$0x680];
	(pc) =	sbr.rel @p0 .LBB2_2-.Ltmp0, $4  }
0x3a3: {  	v22 =	vsub.f32 v59, v36;
	v35 =	vsub.f32 v52, v21;
	v21 =	vld [tilespmem:s21+$0x640]  }
0x3a4: {  	v0 =	vsub.f32 v54, v55;
	v12 =	vld [tilespmem:s21+$0x600];
	v32 =	vsub.f32 v19, v46  }
0x3a5: {  	v59 =	vmovc v47;
	(xrf2) =	vadd.scan.msk.f32 $0xffff, v24;
	v19 =	vld [tilespmem:s21+$0x10610];
	v2 =	vsub.f32 v56, v61;
	v42 =	vsub.f32 v17, v20  }
0x3a6: {  	s24 =	sadd.s32 $0x1000, s24;
	v13 =	vld [tilespmem:s21+$0x8610];
	v16 =	vadd.f32 v29, v16;
	v25, _, _ =	vpop (xrf2);
	v28 =	vmov v50;
	(xrf2) =	vadd.scan.msk.f32 $0xffff, v43;
	v10 =	vmul.f32 v63, v10  }
0x3a7: {  	v55 =	vld [tilespmem:s21+$0x10640]  }
0x3a8: {  	v56 =	vld [tilespmem:s21+$0x8650]  }
0x3a9: {  	v60 =	vld [tilespmem:$0x1FC80]  }
0x3aa: {  	v24 =	vld [tilespmem:s21+$0x10650]  }
0x3ab: {  	v62 =	vld [tilespmem:s21+$0x10660]  }
0x3ac: {  	v63 =	vld [tilespmem:s21+$0x650]  }
0x3ad: {  	v20 =	vmul.f32 v22, v45;
	v22 =	vld [tilespmem:s21+$0x8670]  }
0x3ae: {  	v8 =	vsub.f32 v23, v8;
	v23 =	vld [tilespmem:s21+$0x10670]  }
0x3af: {  	v29 =	vld [tilespmem:s21+$0x710]  }
0x3b0: {  	v58 =	vsub.f32 v34, v40;
	v34 =	vld [tilespmem:s21+$0x10730]  }
0x3b1: {  	v36 =	vld [tilespmem:$0x1FD00]  }
0x3b2: {  	v17 =	vsub.f32 v37, v41;
	v37 =	vld [tilespmem:s21+$0x7D0]  }
0x3b3: {  	v40 =	vld [tilespmem:s21+$0x107F0]  }
0x3b4: {  	v14 =	vmul.f32 v42, v14;
	v42 =	vld [tilespmem:$0x1FC50]  }
0x3b5: {  	v43 =	vld [tilespmem:s21+$0x890]  }
0x3b6: {  	v45 =	vld [tilespmem:$0x1FC60]  }
0x3b7: {  	v46 =	vld [tilespmem:$0x1FC70]  }
0x3b8: {  	v47 =	vld [tilespmem:s21+$0x7F0]  }
0x3b9: {  	v52 =	vld [tilespmem:s21+$0x950]  }
0x3ba: {  	v5 =	vadd.f32 $0.0e+00, v5;
	v53 =	vld [tilespmem:$0x1FC30]  }
0x3bb: {  	v4 =	vsub.f32 v4, v6;
	v54 =	vld [tilespmem:$0x1FC40]  }
0x3bc: {  	v5 =	vadd.f32 v20, v5;
	v61 =	vmul.f32 v8, v33;
	v33 =	vld [tilespmem:s21+$0x670]  }
0x3bd: {  	v14 =	vadd.f32 $0.0e+00, v14;
	v4 =	vmul.f32 v4, v49;
	v49 =	vld [tilespmem:s21+$0x108B0];
	v20 =	vmul.f32 v35, v60  }
0x3be: {  	v1 =	vsub.f32 v1, v3;
	v12 =	vmul.f32 v58, v12;
	v58 =	vld [tilespmem:s21+$0x960];
	v13 =	vsub.f32 v13, v19  }
0x3bf: {  	v6 =	vadd.f32 v61, v14;
	v5 =	vadd.f32 v20, v5;
	v20 =	vld [tilespmem:$0x1FCA0]  }
0x3c0: {  	v11 =	vsub.f32 v11, v55;
	v3 =	vsub.f32 v56, v24;
	v35 =	vld [tilespmem:$0x1FC90]  }
0x3c1: {  	v8 =	vsub.f32 v39, v62;
	v1 =	vmul.f32 v1, v36;
	v39 =	vld [tilespmem:s21+$0x730];
	v7 =	vmul.f32 v7, v29  }
0x3c2: {  	v12 =	vadd.f32 $0.0e+00, v12;
	v0 =	vmul.f32 v0, v42;
	v55 =	vld [tilespmem:s21+$0x8B0];
	v11 =	vmul.f32 v11, v21  }
0x3c3: {  	v62 =	vld [tilespmem:$0x1FBF0];
	v13 =	vmul.f32 v13, v38;
	v38 =	vsub.f32 v22, v23;
	v3 =	vmul.f32 v3, v63  }
0x3c4: {  	v29 =	vld [tilespmem:$0x1FBE0];
	v1 =	vadd.f32 $0.0e+00, v1;
	v11 =	vadd.f32 $0.0e+00, v11;
	v14 =	vmul.f32 v17, v20  }
0x3c5: {  	v48 =	vmul.f32 v32, v37;
	v32 =	vld [tilespmem:$0x1FBC0];
	v12 =	vadd.f32 v13, v12;
	v5 =	vadd.f32 v18, v5  }
0x3c6: {  	v8 =	vmul.f32 v8, v51;
	v51 =	vld [tilespmem:$0x1FC20];
	v3 =	vadd.f32 v3, v11;
	v6 =	vadd.f32 v14, v6  }
0x3c7: {  	(xrf2) =	vadd.scan.msk.f32 $0xffff, v15;
	v36 =	vld [tilespmem:$0x1FCD0];
	v1 =	vadd.f32 v7, v1;
	v4 =	vadd.f32 v4, v12;
	v9 =	vmul.f32 v9, v35  }
0x3c8: {  	(xrf2) =	vadd.scan.msk.f32 $0xffff, v16;
	v41 =	vmul.f32 v38, v33;
	v20 =	vld [tilespmem:$0x1FC00];
	v3 =	vadd.f32 v8, v3;
	v6 =	vadd.f32 v10, v6  }
0x3c9: {  	v2 =	vmul.f32 v2, v45;
	v63 =	vld [tilespmem:s21+$0x109E0];
	(xrf2) =	vadd.scan.msk.f32 $0xffff, v5;
	v5 =	vsub.f32 v46, v34;
	v4 =	vadd.f32 v9, v4  }
0x3ca: {  	v56 =	vmul.f32 v26, v43;
	v0 =	vadd.f32 $0.0e+00, v0;
	v21 =	vld [tilespmem:$0x1FC10];
	v3 =	vadd.f32 v41, v3;
	(xrf2) =	vadd.scan.msk.f32 $0xffff, v6  }
0x3cb: {  	v33 =	vld [tilespmem:$0x1FCE0];
	v1 =	vadd.f32 v2, v1;
	v50 =	vmul.f32 v5, v39;
	(xrf2) =	vadd.scan.msk.f32 $0xffff, v4;
	v4 =	vmul.f32 v30, v51  }
0x3cc: {  	v38 =	vld [tilespmem:$0x1FBB0];
	v0 =	vadd.f32 v48, v0;
	v9 =	vsub.f32 v54, v40;
	v6 =	vmul.f32 v31, v53;
	(xrf2) =	vadd.scan.msk.f32 $0xffff, v3  }
0x3cd: {  	v2, _, _ =	vpop (xrf2);
	v1 =	vadd.f32 v50, v1;
	v10 =	vmul.f32 v28, v20;
	v28 =	vld [tilespmem:$0x1FBD0];
	v4 =	vadd.f32 $0.0e+00, v4  }
0x3ce: {  	v23 =	vld [tilespmem:s21+$0x970];
	v61, _, _ =	vpop (xrf2);
	v60 =	vmul.f32 v9, v47;
	v9 =	vmul.f32 v27, v62;
	v0 =	vadd.f32 v6, v0  }
0x3cf: {  	v35 =	vld [tilespmem:$0x1FBA0];
	v8 =	vsub.f32 v21, v49;
	v22, _, _ =	vpop (xrf2);
	v5 =	vmul.f32 v57, v52;
	(xrf2) =	vadd.scan.msk.f32 $0xffff, v1;
	v4 =	vadd.f32 v56, v4  }
0x3d0: {  	v26 =	vld [tilespmem:s21+$0x109F0];
	v11 =	vmul.f32 v33, v32;
	v24, _, _ =	vpop (xrf2);
	v9 =	vadd.f32 $0.0e+00, v9;
	v0 =	vadd.f32 v60, v0  }
0x3d1: {  	v12 =	vsub.f32 v38, v63;
	v27, _, _ =	vpop (xrf2);
	v30 =	vld [tilespmem:s21+$0x9E0];
	v3 =	vmul.f32 v8, v55;
	v4 =	vadd.f32 v10, v4  }
0x3d2: {  	v34, _, _ =	vpop (xrf2);
	v5 =	vadd.f32 v5, v9;
	v31 =	vmul.f32 v59, v58;
	(xrf2) =	vadd.scan.msk.f32 $0xffff, v0;
	v10 =	vsub.f32 v28, v29  }
0x3d3: {  	v39 =	vld [tilespmem:s21+$0x9F0];
	v41 =	vadd.f32 $0.0e+00, v11;
	v37, _, _ =	vpop (xrf2);
	v3 =	vadd.f32 v3, v4  }
0x3d4: {  	v5 =	vadd.f32 v31, v5;
	v4 =	vmul.f32 v36, v35;
	v1 =	vmul.f32 v10, v23;
	v40, _, _ =	vpop (xrf2)  }
0x3d5: {  	v42 =	vsub.f32 v44, v26;
	(xrf2) =	vadd.scan.msk.f32 $0xffff, v3;
	v43, _, _ =	vpop (xrf2)  }
0x3d6: {  	v44 =	vmul.f32 v12, v30;
	v1 =	vadd.f32 v1, v5;
	v4 =	vadd.f32 v4, v41;
	v45, _, _ =	vpop (xrf2)  }
0x3d7: {  	v3 =	vbroadcast v43, $0xF;
	v10 =	vbroadcast v45, $0xF  }
0x3d8: {  	v46 =	vmul.f32 v42, v39;
	v47 =	vbroadcast v40, $0xF;
	v4 =	vadd.f32 v44, v4;
	(xrf2) =	vadd.scan.msk.f32 $0xffff, v1  }
0x3d9: {  	v48 =	vbroadcast v37, $0xF;
	v49, _, _ =	vpop (xrf2);
	v3 =	vsel vm0, v3, v10  }
0x3da: {  	v51 =	vbroadcast v49, $0xF;
	v50 =	vadd.f32 v46, v4;
	v1 =	vsel vm1, v3, v47  }
0x3db: {  	v0 =	vbroadcast v34, $0xF;
	v1 =	vsel vm2, v1, v48  }
0x3dc: {  	v52 =	vbroadcast v27, $0xF;
	v53, _, _ =	vpop (xrf2);
	(xrf2) =	vadd.scan.msk.f32 $0xffff, v50;
	v1 =	vsel vm3, v1, v51  }
0x3dd: {  	v54 =	vbroadcast v53, $0xF;
	v0 =	vsel vm4, v1, v0  }
0x3de: {  	v55 =	vbroadcast v24, $0xF;
	v0 =	vsel vm5, v0, v52  }
0x3df: {  	v56 =	vbroadcast v22, $0xF;
	v0 =	vsel vm6, v0, v54;
	v57, _, _ =	vpop (xrf2)  }
0x3e0: {  	v0 =	vsel vm7, v0, v55;
	v58 =	vbroadcast v57, $0xF  }
0x3e1: {  	v59 =	vbroadcast v61, $0xF;
	v0 =	vsel vm8, v0, v56  }
0x3e2: {  	v2 =	vbroadcast v2, $0xF;
	v60, _, _ =	vpop (xrf2);
	v0 =	vsel vm9, v0, v58  }
0x3e3: {  	v61 =	vbroadcast v60, $0xF;
	v0 =	vsel vm10, v0, v59  }
0x3e4: {  	v62 =	vbroadcast v25, $0xF;
	v0 =	vsel vm11, v0, v2  }
0x3e5: {  	v0 =	vsel vm12, v0, v61  }
0x3e6: {  	s20 =	sadd.s32 $0x1, s20;
	v63, _, _ =	vpop (xrf2);
	v0 =	vsel vm13, v0, v62  }
0x3e7: {  	s30 =	sadd.s32 $0x10, s23;
	p0 =	sne.s32 s20, s18;
	v0 =	vsel vm14, v0, v63  }
.Ltmp1:
0x3e8: {  	[tilespmem:s30+$0x0] =	vst v0;
	(pc) =	sbr.rel @p0 .LBB2_1-.Ltmp1, $4  }
0x3e9: {  	[hbm4b:s17+s2] =	stream.linear.scatter [tilespmem:s1], [sflag:$0x2], $0x200, $0x38;
	[tilespmem:$0x18800] =	vst v63  }
0x3ea: {  	_ =	swait.ge [sflag:s19], $0x200  }
0x3eb: {  	[sflag:s19] =	ssyncset.done $0x0  }
0x3ec: {  	[sflag:s19] =	ssyncadd.s32 $0xFFFFFE00  }
0x3ed: {  	_ =	sfence.sel $0x180000  }
0x3ee: {  	[bflag:$0x0] =	sbarrier.arrive $0xFFFF  }
0x3ef: {  	_ =	strace $0x90000047  }
0x3f0: {  	s0 =	stileid.u32;
	[bflag:$0x2] =	sbarrier.arrive $0xFFFF  }
0x3f1: {  	p0 =	sne.s32 s0, $0x0;
	s0 =	rddreg [dreg:$0x4]  }
0x3f2: {  	s0 =	sadd.s32 @!p0 $0x100000, s0  }
0x3f3: {  	[sflag:s0] =	ssyncadd.tile.s32 @!p0 $0x1;
	_ =	shalt  }
.Lfunc_end2:
_tile_overlayer_lowered:
.L_overlay_start_2:
0x3f4: {  	(tag) =	ssettag $0x2  }
0x3f5: {  	s0 =	rddreg [dreg:$0x0];
	s2 =	stileid.u32  }
0x3f6: {  	s1 =	rddreg [dreg:$0x1];
	p0 =	sne.s32 s2, $0x0  }
0x3f7: {  	s3 =	rddreg [dreg:$0x2];
	[bflag:$0x3] =	sbarrier.arrive $0xFFFF;
	s2 =	simm.s32 @!p0 $0x1C02  }
0x3f8: {  	[timem:s3], [sflag:s2] =	dma.local @!p0 [hbm:s0], s1  }
0x3f9: {  	s0 =	simm.s32 @!p0 $0x2  }
0x3fa: {  	_ =	swait.ge @!p0 [sflag:s0], s1  }
0x3fb: {  	s1 =	ssub.s32 @!p0 $0x0, s1;
	[sflag:s0] =	ssyncset.done @!p0 $0x0  }
0x3fc: {  	[sflag:s0] =	ssyncadd.s32 @!p0 s1  }
0x3fd: {  	[bflag:$0x3] =	sbarrier.arrive $0xFFFF  }
0x3fe: {  	_ =	shalt  }

</sc_bundles>
